<compile_context>
chip_gen: v7x
topology: tpu7x:2x2x1
jax: 0.10.2.dev20260603
libtpu: 0.0.44.dev20260713+nightly
codegen_flags: <defaults>
</compile_context>

<pallas_src>
import jax
import jax.numpy as jnp
from jax import lax
from jax.experimental import pallas as pl
from jax.experimental.pallas import tpu as pltpu
from jax.experimental.pallas import tpu_sc as plsc

N_V = 100000
N_E = 200000
N_C = 50000
EB = 400000
CB = 250000
ATOM_TYPES = 100
H = 64
FH = 128
B = 256

NC = 2
NS = 16
NW = NC * NS
L = 16

S = 640
T = 10
EXP = NW * T * S
WROWS = 648
PB = 264
K = 128
EBP = EB + 256
TP3 = 62
CBP = NW * TP3 * K



R1 = 2000


def _embed_body(vx_in, tabcat, vbatch, vx_out, pooled):
    x = vx_in[...]
    m = jnp.max(x, axis=1, keepdims=True)
    col = lax.broadcasted_iota(jnp.int32, (R1, ATOM_TYPES), 1)
    cand = jnp.where(x == m, col, ATOM_TYPES)
    idx = jnp.min(cand, axis=1, keepdims=True)
    onehot = (col == idx).astype(jnp.bfloat16)
    vx = (jnp.dot(onehot, tabcat[:, 0:H], preferred_element_type=jnp.float32)
          + jnp.dot(onehot, tabcat[:, H:2 * H],
                    preferred_element_type=jnp.float32))
    vx_out[...] = vx
    b = vbatch[0, 0, :]
    grow = lax.broadcasted_iota(jnp.int32, (B, R1), 0)
    ohb = (grow == b[None, :]).astype(jnp.bfloat16)
    vxh = vx.astype(jnp.bfloat16)
    vxl = (vx - vxh.astype(jnp.float32)).astype(jnp.bfloat16)
    contrib = (jnp.dot(ohb, vxh, preferred_element_type=jnp.float32)
               + jnp.dot(ohb, vxl, preferred_element_type=jnp.float32))

    @pl.when(pl.program_id(0) == 0)
    def _():
        pooled[...] = jnp.zeros_like(pooled)

    pooled[...] += contrib


def _embed_call(v_x, tabcat, v_batch3):
    return pl.pallas_call(
        _embed_body,
        grid=(N_V // R1,),
        in_specs=[
            pl.BlockSpec((R1, ATOM_TYPES), lambda i: (i, 0)),
            pl.BlockSpec((ATOM_TYPES, 2 * H), lambda i: (0, 0)),
            pl.BlockSpec((1, 1, R1), lambda i: (i, 0, 0)),
        ],
        out_specs=[
            pl.BlockSpec((R1, H), lambda i: (i, 0)),
            pl.BlockSpec((B, H), lambda i: (0, 0)),
        ],
        out_shape=[
            jax.ShapeDtypeStruct((N_V, H), jnp.float32),
            jax.ShapeDtypeStruct((B, H), jnp.float32),
        ],
    )(v_x, tabcat, v_batch3)



def _edges_body(vx_hbm, ebv_hbm, ebe_hbm, ebat_hbm, meta_hbm, zeros_hbm,
                ex_hbm, pep_hbm,
                idxg0, idxg1, dstv0, dstv1, idxs0, idxs1, idxp0, idxp1,
                rows0, rows1, bwin, meta_v, zbuf,
                semi0, semi1, semg0, semg1, semA0, semA1, semB0, semB1,
                win, pooled):
    idxg = (idxg0, idxg1)
    dstv = (dstv0, dstv1)
    idxs = (idxs0, idxs1)
    idxp = (idxp0, idxp1)
    rows = (rows0, rows1)
    semi = (semi0, semi1)
    semg = (semg0, semg1)
    semA = (semA0, semA1)
    semB = (semB0, semB1)

    cid = lax.axis_index("c")
    sid = lax.axis_index("s")
    w = sid * NC + cid
    lane = lax.broadcasted_iota(jnp.int32, (L,), 0)

    pltpu.sync_copy(zeros_hbm.at[pl.ds(0, WROWS)], zbuf)
    pltpu.sync_copy(meta_hbm.at[pl.ds(pl.multiple_of(w * (T * L), 8), T * L)],
                    meta_v)
    pbase = pl.multiple_of(sid * PB, 8)
    pltpu.sync_copy(zbuf.at[pl.ds(0, PB)], pooled.at[pl.ds(pbase, PB)])
    wbase = pl.multiple_of(sid * WROWS, 8)

    def drain(dst, sem):
        pltpu.make_async_copy(vx_hbm.at[pl.ds(0, K)], dst, sem).wait()

    def subchunk(t, carry):
        mrow = meta_v[pl.ds(t * L, L)]
        a = jnp.max(jnp.where(lane == 0, mrow, 0))
        trips = jnp.max(jnp.where(lane == 1, mrow, 0))
        eb = pl.multiple_of((w * T + t) * S, 8)
        pltpu.sync_copy(zbuf, win.at[pl.ds(wbase, WROWS)])
        pltpu.sync_copy(ebat_hbm.at[pl.ds(eb, S)], bwin)

        @pl.when(trips > 0)
        def _():
            off0 = pl.multiple_of(a, 8)
            pltpu.async_copy(ebv_hbm.at[pl.ds(off0, K)], idxg[0], semi[0])
            pltpu.async_copy(ebe_hbm.at[pl.ds(off0, K)], dstv[0], semi[0])

        def pair(i2, c2):
            for b in (0, 1):
                i = i2 * 2 + b

                @pl.when(i < trips)
                def _():
                    @pl.when(i >= 2)
                    def _():
                        drain(rows[b], semA[b])
                        drain(rows[b], semB[b])

                    drain(idxg[b], semi[b])
                    drain(dstv[b], semi[b])

                    @pl.when(i + 1 < trips)
                    def _():
                        off2 = pl.multiple_of(a + (i + 1) * K, 8)
                        pltpu.async_copy(ebv_hbm.at[pl.ds(off2, K)],
                                         idxg[1 - b], semi[1 - b])
                        pltpu.async_copy(ebe_hbm.at[pl.ds(off2, K)],
                                         dstv[1 - b], semi[1 - b])

                    pltpu.async_copy(vx_hbm.at[idxg[b]], rows[b], semg[b])
                    for q in range(K // L):
                        d = dstv[b][pl.ds(q * L, L)]
                        valid = (d >= eb) & (d < eb + S)
                        dl = jnp.where(valid, d - eb, S)
                        idxs[b][pl.ds(q * L, L)] = dl + wbase
                        g = plsc.load_gather(bwin, [jnp.where(valid, dl, 0)])
                        idxp[b][pl.ds(q * L, L)] = jnp.where(
                            valid, g + pbase, pbase + B)
                    drain(rows[b], semg[b])
                    pltpu.async_copy(rows[b], win.at[idxs[b]], semA[b],
                                     add=True)
                    pltpu.async_copy(rows[b], pooled.at[idxp[b]], semB[b],
                                     add=True)
            return c2

        lax.fori_loop(0, (trips + 1) // 2, pair, 0)
        for b in (0, 1):
            @pl.when(trips >= 1 + b)
            def _():
                drain(rows[b], semA[b])
                drain(rows[b], semB[b])
        pltpu.sync_copy(win.at[pl.ds(wbase, S)], ex_hbm.at[pl.ds(eb, S)])
        return carry

    lax.fori_loop(0, T, subchunk, 0)
    pltpu.sync_copy(
        pooled.at[pl.ds(pbase, PB)],
        pep_hbm.at[pl.ds(pl.multiple_of((cid * NS + sid) * PB, 8), PB)])


def _edges_call(vx, ebv_p, ebe_p, ebat, meta, zeros):
    mesh = plsc.VectorSubcoreMesh(core_axis_name="c", subcore_axis_name="s")
    return pl.kernel(
        _edges_body,
        out_type=[
            jax.ShapeDtypeStruct((EXP, H), jnp.float32),
            jax.ShapeDtypeStruct((NW * PB, H), jnp.float32),
        ],
        mesh=mesh,
        compiler_params=pltpu.CompilerParams(
            needs_layout_passes=False, use_tc_tiling_on_sc=False),
        scratch_types=(
            [pltpu.VMEM((K,), jnp.int32)] * 8 +
            [pltpu.VMEM((K, H), jnp.float32)] * 2 +
            [pltpu.VMEM((S,), jnp.int32),
             pltpu.VMEM((T * L,), jnp.int32),
             pltpu.VMEM((WROWS, H), jnp.float32)] +
            [pltpu.SemaphoreType.DMA] * 8 +
            [pltpu.VMEM_SHARED((NS * WROWS, H), jnp.float32),
             pltpu.VMEM_SHARED((NS * PB, H), jnp.float32)]
        ),
    )(vx, ebv_p, ebe_p, ebat, meta, zeros)



def _cells_body(ex_hbm, cbe_hbm, cbc_hbm, cbat_hbm, zeros_hbm,
                pcp_hbm,
                idxg0, idxg1, cidx0, cidx1, idxp0, idxp1,
                rows0, rows1, gbuf0, gbuf1,
                semi0, semi1, semr0, semr1, semt0, semt1, semS0, semS1,
                pooled):
    idxg = (idxg0, idxg1)
    cidx = (cidx0, cidx1)
    idxp = (idxp0, idxp1)
    rows = (rows0, rows1)
    gbuf = (gbuf0, gbuf1)
    semi = (semi0, semi1)
    semr = (semr0, semr1)
    semt = (semt0, semt1)
    semS = (semS0, semS1)

    cid = lax.axis_index("c")
    sid = lax.axis_index("s")
    w = sid * NC + cid
    lane = lax.broadcasted_iota(jnp.int32, (L,), 0)

    pbase = pl.multiple_of(sid * PB, 8)
    pltpu.sync_copy(zeros_hbm.at[pl.ds(0, PB)], pooled.at[pl.ds(pbase, PB)])

    base = w * (TP3 * K)

    def drain(dst, sem):
        pltpu.make_async_copy(ex_hbm.at[pl.ds(0, K)], dst, sem).wait()

    off0 = pl.multiple_of(base, 8)
    pltpu.async_copy(cbe_hbm.at[pl.ds(off0, K)], idxg[0], semi[0])
    pltpu.async_copy(cbc_hbm.at[pl.ds(off0, K)], cidx[0], semi[0])

    def pair(i2, carry):
        for b in (0, 1):
            i = i2 * 2 + b

            @pl.when(i >= 2)
            def _():
                drain(rows[b], semS[b])

            drain(idxg[b], semi[b])
            drain(cidx[b], semi[b])

            @pl.when(i + 1 < TP3)
            def _():
                off2 = pl.multiple_of(base + (i + 1) * K, 8)
                pltpu.async_copy(cbe_hbm.at[pl.ds(off2, K)],
                                 idxg[1 - b], semi[1 - b])
                pltpu.async_copy(cbc_hbm.at[pl.ds(off2, K)],
                                 cidx[1 - b], semi[1 - b])

            pltpu.async_copy(ex_hbm.at[idxg[b]], rows[b], semr[b])
            pltpu.async_copy(cbat_hbm.at[cidx[b]], gbuf[b], semt[b])
            pltpu.make_async_copy(cbat_hbm.at[pl.ds(0, K)], gbuf[b],
                                  semt[b]).wait()
            off = base + i * K
            for q in range(K // L):
                g = gbuf[b][pl.ds(q * L, L)]
                valid = (lane + (off + q * L)) < CB
                idxp[b][pl.ds(q * L, L)] = jnp.where(valid, g + pbase,
                                                     pbase + B)
            drain(rows[b], semr[b])
            pltpu.async_copy(rows[b], pooled.at[idxp[b]], semS[b], add=True)
        return carry

    lax.fori_loop(0, TP3 // 2, pair, 0)
    for b in (0, 1):
        drain(rows[b], semS[b])
    pltpu.sync_copy(
        pooled.at[pl.ds(pbase, PB)],
        pcp_hbm.at[pl.ds(pl.multiple_of((cid * NS + sid) * PB, 8), PB)])


def _cells_call(ex, cbe_p, cbc_p, cbat, zeros):
    mesh = plsc.VectorSubcoreMesh(core_axis_name="c", subcore_axis_name="s")
    return pl.kernel(
        _cells_body,
        out_type=jax.ShapeDtypeStruct((NW * PB, H), jnp.float32),
        mesh=mesh,
        compiler_params=pltpu.CompilerParams(
            needs_layout_passes=False, use_tc_tiling_on_sc=False),
        scratch_types=(
            [pltpu.VMEM((K,), jnp.int32)] * 6 +
            [pltpu.VMEM((K, H), jnp.float32)] * 2 +
            [pltpu.VMEM((K,), jnp.int32)] * 2 +
            [pltpu.SemaphoreType.DMA] * 8 +
            [pltpu.VMEM_SHARED((NS * PB, H), jnp.float32)]
        ),
    )(ex, cbe_p, cbc_p, cbat, zeros)



def _head_body(pv, pep, pcp, w0, b0, w1, b1, w2, b2, w3, b3, out):
    pe = pep[0:B, :]
    pc = pcp[0:B, :]
    for k in range(1, NW):
        o = k * PB
        pe = pe + pep[o:o + B, :]
        pc = pc + pcp[o:o + B, :]
    pc = pc * 0.5
    h0 = jnp.maximum(jnp.dot(pv[...], w0[...],
                             preferred_element_type=jnp.float32) + b0[...], 0.0)
    h1 = jnp.maximum(jnp.dot(pe, w1[...],
                             preferred_element_type=jnp.float32) + b1[...], 0.0)
    h2 = jnp.maximum(jnp.dot(pc, w2[...],
                             preferred_element_type=jnp.float32) + b2[...], 0.0)
    hs = h0 + h1 + h2
    out[...] = jnp.dot(hs, w3[...], preferred_element_type=jnp.float32) + b3[...]


def _head_call(pv, pep, pcp, w0, b0, w1, b1, w2, b2, w3, b3):
    return pl.pallas_call(
        _head_body,
        out_shape=jax.ShapeDtypeStruct((B, 1), jnp.float32),
    )(pv, pep, pcp, w0, b0, w1, b1, w2, b2, w3, b3)



def kernel(v_x, embed_table, lin1_w0, lin1_b0, lin1_w1, lin1_b1,
           lin1_w2, lin1_b2, lin2_w, lin2_b,
           e_boundary_v, e_boundary_e, c_boundary_e, c_boundary_c,
           v_batch, e_batch, c_batch):
    ebv = e_boundary_v.astype(jnp.int32)
    ebe = e_boundary_e.astype(jnp.int32)
    cbe = c_boundary_e.astype(jnp.int32)
    cbc = c_boundary_c.astype(jnp.int32)
    vbat = v_batch.astype(jnp.int32)
    ebat = e_batch.astype(jnp.int32)
    cbat = c_batch.astype(jnp.int32)

    offs = jnp.searchsorted(
        ebe, jnp.arange(0, EXP + 1, S, dtype=jnp.int32), side='left'
    ).astype(jnp.int32)
    a = (offs[:-1] // 8) * 8
    trips = (offs[1:] - a + (K - 1)) // K
    meta = (jnp.zeros((NW * T, L), jnp.int32)
            .at[:, 0].set(a).at[:, 1].set(trips).reshape(-1))

    ebv_p = jnp.concatenate([ebv, jnp.zeros((EBP - EB,), jnp.int32)])
    ebe_p = jnp.concatenate([ebe, jnp.full((EBP - EB,), EXP, jnp.int32)])
    ebat_p = jnp.concatenate([ebat, jnp.zeros((EXP - N_E,), jnp.int32)])
    cbe_p = jnp.concatenate([cbe, jnp.zeros((CBP - CB,), jnp.int32)])
    cbc_p = jnp.concatenate([cbc, jnp.zeros((CBP - CB,), jnp.int32)])
    zeros = jnp.zeros((WROWS, H), jnp.float32)

    tabh = embed_table.astype(jnp.bfloat16)
    tabl = (embed_table - tabh.astype(jnp.float32)).astype(jnp.bfloat16)
    tabcat = jnp.concatenate([tabh, tabl], axis=1)
    vx, pooled_v = _embed_call(v_x, tabcat, vbat.reshape(N_V // R1, 1, R1))
    ex, pep = _edges_call(vx, ebv_p, ebe_p, ebat_p, meta, zeros)
    pcp = _cells_call(ex, cbe_p, cbc_p, cbat, zeros)
    return _head_call(pooled_v, pep, pcp,
                      lin1_w0, lin1_b0.reshape(1, FH),
                      lin1_w1, lin1_b1.reshape(1, FH),
                      lin1_w2, lin1_b2.reshape(1, FH),
                      lin2_w, lin2_b.reshape(1, 1))

# --- scband reference (transcript-rebuilt; emitter-appended) ---
"""Pipeline reference for scband-embed-sparse-cin-20203526161167 (READ-ONLY COPY).

The authoritative reference and input builder live on the scoring server;
editing this copy changes nothing except your own understanding.
"""

import jax, jax.numpy as jnp
import numpy as np

N_V = 100000
N_E = 200000
N_C = 50000
EB = 400000
CB = 250000
ATOM_TYPES = 100
H = 64
FH = 128  # final_hidden_multiplier * hidden_channels
B = 256   # number of graphs in batch
OUT = 1


def setup_inputs(seed: int = 0) -> dict:
    key = jax.random.key(seed)
    ks = jax.random.split(key, 16)
    v_x = jax.random.normal(ks[0], (N_V, ATOM_TYPES), dtype=jnp.float32)
    e_boundary_v = jax.random.randint(ks[1], (EB,), 0, N_V, dtype=jnp.int64)
    e_boundary_e = jnp.sort(jax.random.randint(ks[2], (EB,), 0, N_E, dtype=jnp.int64))
    c_boundary_e = jax.random.randint(ks[3], (CB,), 0, N_E, dtype=jnp.int64)
    c_boundary_c = jnp.sort(jax.random.randint(ks[4], (CB,), 0, N_C, dtype=jnp.int64))
    v_batch = jnp.sort(jax.random.randint(ks[5], (N_V,), 0, B, dtype=jnp.int64))
    e_batch = jnp.sort(jax.random.randint(ks[6], (N_E,), 0, B, dtype=jnp.int64))
    c_batch = jnp.sort(jax.random.randint(ks[7], (N_C,), 0, B, dtype=jnp.int64))
    embed_table = jax.random.normal(ks[8], (ATOM_TYPES, H), dtype=jnp.float32)
    lin1_w0 = jax.random.normal(ks[9], (H, FH), dtype=jnp.float32) * (1.0 / np.sqrt(H))
    lin1_b0 = jnp.zeros((FH,), dtype=jnp.float32)
    lin1_w1 = jax.random.normal(ks[10], (H, FH), dtype=jnp.float32) * (1.0 / np.sqrt(H))
    lin1_b1 = jnp.zeros((FH,), dtype=jnp.float32)
    lin1_w2 = jax.random.normal(ks[11], (H, FH), dtype=jnp.float32) * (1.0 / np.sqrt(H))
    lin1_b2 = jnp.zeros((FH,), dtype=jnp.float32)
    lin2_w = jax.random.normal(ks[12], (FH, OUT), dtype=jnp.float32) * (1.0 / np.sqrt(FH))
    lin2_b = jnp.zeros((OUT,), dtype=jnp.float32)
    return {
        'v_x': v_x,
        'embed_table': embed_table,
        'lin1_w0': lin1_w0, 'lin1_b0': lin1_b0,
        'lin1_w1': lin1_w1, 'lin1_b1': lin1_b1,
        'lin1_w2': lin1_w2, 'lin1_b2': lin1_b2,
        'lin2_w': lin2_w, 'lin2_b': lin2_b,
        'e_boundary_v': e_boundary_v, 'e_boundary_e': e_boundary_e,
        'c_boundary_e': c_boundary_e, 'c_boundary_c': c_boundary_c,
        'v_batch': v_batch, 'e_batch': e_batch, 'c_batch': c_batch,
    }


def reference(v_x, embed_table, lin1_w0, lin1_b0, lin1_w1, lin1_b1,
              lin1_w2, lin1_b2, lin2_w, lin2_b,
              e_boundary_v, e_boundary_e, c_boundary_e, c_boundary_c,
              v_batch, e_batch, c_batch):
    # ----- EmbedABR: vertex embedding + boundary scatter-add aggregation -----
    node_type = jnp.argmax(v_x, axis=1)                      # [N_V] int
    vx = jnp.take(embed_table, node_type, axis=0)            # [N_V, H] gather (embedding lookup)
    # edge features: scatter_add of boundary vertex embeddings onto edges
    ex = jax.ops.segment_sum(jnp.take(vx, e_boundary_v, axis=0), e_boundary_e,
                             num_segments=N_E)               # [N_E, H]
    # cell (ring) features: scatter_add of boundary edge features onto cells, / 2
    cx = jax.ops.segment_sum(jnp.take(ex, c_boundary_e, axis=0), c_boundary_c,
                             num_segments=N_C) / 2.0         # [N_C, H]
    xs = [vx, ex, cx]
    # ----- SparseCINConv layers are undefined in the provided source; identity passthrough -----
    # ----- pool_complex: readout='sum' -> global_add_pool via segment_sum per dim -----
    batches = [v_batch, e_batch, c_batch]
    pooled = [jax.ops.segment_sum(x, b, num_segments=B) for x, b in zip(xs, batches)]  # 3 x [B, H]
    # ----- per-dim lin1 + relu (dropout inactive in eval mode) -----
    new_xs = [
        jax.nn.relu(pooled[0] @ lin1_w0 + lin1_b0),
        jax.nn.relu(pooled[1] @ lin1_w1 + lin1_b1),
        jax.nn.relu(pooled[2] @ lin1_w2 + lin1_b2),
    ]
    x = jnp.stack(new_xs, axis=0).sum(axis=0)                # final_readout='sum' -> [B, FH]
    out = x @ lin2_w + lin2_b                                # [B, OUT]
    return out


if False:  # reference __main__ guard neutralized (emitter)
    inp = setup_inputs()
    out = reference(**inp)
    print(out.shape)

if __name__ == "__main__":
    import jax
    _d = setup_inputs()
    print(jax.jit(kernel)(*tuple(_d.values())))

</pallas_src>

<mosaic_0001>
#map = affine_map<(d0, d1) -> (0, 0)>
#map1 = affine_map<(d0, d1) -> (0)>
module attributes {stable_mosaic.version = 14 : i64} {
  func.func @_cells_body(%arg0: i32, %arg1: i32, %arg2: memref<204800x64xf32, #tpu.memory_space<hbm>>, %arg3: memref<253952xi32, #tpu.memory_space<hbm>>, %arg4: memref<253952xi32, #tpu.memory_space<hbm>>, %arg5: memref<50000xi32, #tpu.memory_space<hbm>>, %arg6: memref<648x64xf32, #tpu.memory_space<hbm>>, %arg7: memref<8448x64xf32, #tpu.memory_space<hbm>>, %arg8: memref<128xi32, #tpu.memory_space<vmem>>, %arg9: memref<128xi32, #tpu.memory_space<vmem>>, %arg10: memref<128xi32, #tpu.memory_space<vmem>>, %arg11: memref<128xi32, #tpu.memory_space<vmem>>, %arg12: memref<128xi32, #tpu.memory_space<vmem>>, %arg13: memref<128xi32, #tpu.memory_space<vmem>>, %arg14: memref<128x64xf32, #tpu.memory_space<vmem>>, %arg15: memref<128x64xf32, #tpu.memory_space<vmem>>, %arg16: memref<128xi32, #tpu.memory_space<vmem>>, %arg17: memref<128xi32, #tpu.memory_space<vmem>>, %arg18: memref<!tpu.dma_semaphore, #tpu.memory_space<semaphore_mem>>, %arg19: memref<!tpu.dma_semaphore, #tpu.memory_space<semaphore_mem>>, %arg20: memref<!tpu.dma_semaphore, #tpu.memory_space<semaphore_mem>>, %arg21: memref<!tpu.dma_semaphore, #tpu.memory_space<semaphore_mem>>, %arg22: memref<!tpu.dma_semaphore, #tpu.memory_space<semaphore_mem>>, %arg23: memref<!tpu.dma_semaphore, #tpu.memory_space<semaphore_mem>>, %arg24: memref<!tpu.dma_semaphore, #tpu.memory_space<semaphore_mem>>, %arg25: memref<!tpu.dma_semaphore, #tpu.memory_space<semaphore_mem>>, %arg26: memref<4224x64xf32, #tpu.memory_space<vmem_shared>>) attributes {dimension_semantics = [#tpu.dimension_semantics<core_parallel>, #tpu.dimension_semantics<subcore_parallel>], iteration_bounds = array<i64: 2, 16>, scalar_prefetch = 0 : i64, scratch_operands = 19 : i64, tpu.core_type = #tpu.core_type<sc_vector_subcore>, window_params = [{transform_indices = #map}, {transform_indices = #map1}, {transform_indices = #map1}, {transform_indices = #map1}, {transform_indices = #map}, {transform_indices = #map}]} {
    %mul3A = arith.constant 2 : i32
    %mul3A_0 = arith.muli %arg1, %mul3A : i32
    %add3A = arith.addi %mul3A_0, %arg0 : i32
    %iota3A = tpu.iota {dimensions = array<i32: 0>} : vector<16xi32>
    %mul3A_1 = arith.constant 264 : i32
    %mul3A_2 = arith.muli %arg1, %mul3A_1 : i32
    %multiple_of3A = tpu.assume_multiple %mul3A_2, 8 : i32
    "tpu.region"() ({
      %run_scoped3A = tpu.sem_alloc : memref<!tpu.dma_semaphore, #tpu.memory_space<semaphore_mem>>
      %dma_start3A_31 = arith.constant 0 : i32
      %dma_start3A_32 = tpu.memref_slice %arg26[%multiple_of3A, %dma_start3A_31] : memref<4224x64xf32, #tpu.memory_space<vmem_shared>> -> memref<264x64xf32, #tpu.memory_space<vmem_shared>>
      %dma_start3A_33 = arith.constant 0 : i32
      %dma_start3A_34 = arith.constant 0 : i32
      %dma_start3A_35 = tpu.memref_slice %arg6[%dma_start3A_33, %dma_start3A_34] : memref<648x64xf32, #tpu.memory_space<hbm>> -> memref<264x64xf32, #tpu.memory_space<hbm>>
      tpu.enqueue_dma source(%dma_start3A_35 : memref<264x64xf32, #tpu.memory_space<hbm>>) target(%dma_start3A_32 : memref<264x64xf32, #tpu.memory_space<vmem_shared>>) target_semaphore(%run_scoped3A : memref<!tpu.dma_semaphore, #tpu.memory_space<semaphore_mem>>)
      %dma_wait3A_36 = arith.constant 0 : i32
      %dma_wait3A_37 = tpu.memref_slice %arg26[%multiple_of3A, %dma_wait3A_36] : memref<4224x64xf32, #tpu.memory_space<vmem_shared>> -> memref<264x64xf32, #tpu.memory_space<vmem_shared>>
      %dma_wait3A_38 = arith.constant 0 : i32
      %dma_wait3A_39 = arith.constant 0 : i32
      %dma_wait3A_40 = tpu.memref_slice %arg6[%dma_wait3A_38, %dma_wait3A_39] : memref<648x64xf32, #tpu.memory_space<hbm>> -> memref<264x64xf32, #tpu.memory_space<hbm>>
      tpu.wait_dma2 semaphore(%run_scoped3A : memref<!tpu.dma_semaphore, #tpu.memory_space<semaphore_mem>>) src(%dma_wait3A_40 : memref<264x64xf32, #tpu.memory_space<hbm>>) dst(%dma_wait3A_37 : memref<264x64xf32, #tpu.memory_space<vmem_shared>>)
      tpu.yield
    }) : () -> ()
    %mul3A_3 = arith.constant 7936 : i32
    %mul3A_4 = arith.muli %add3A, %mul3A_3 : i32
    %multiple_of3A_5 = tpu.assume_multiple %mul3A_4, 8 : i32
    %dma_start3A = tpu.memref_slice %arg3[%multiple_of3A_5] : memref<253952xi32, #tpu.memory_space<hbm>> -> memref<128xi32, #tpu.memory_space<hbm>>
    %dma_start3A_6 = tpu.memref_slice %arg3[%multiple_of3A_5] : memref<253952xi32, #tpu.memory_space<hbm>> -> memref<128xi32, #tpu.memory_space<hbm>>
    tpu.enqueue_dma source(%dma_start3A_6 : memref<128xi32, #tpu.memory_space<hbm>>) target(%arg8 : memref<128xi32, #tpu.memory_space<vmem>>) target_semaphore(%arg18 : memref<!tpu.dma_semaphore, #tpu.memory_space<semaphore_mem>>)
    %dma_start3A_7 = tpu.memref_slice %arg4[%multiple_of3A_5] : memref<253952xi32, #tpu.memory_space<hbm>> -> memref<128xi32, #tpu.memory_space<hbm>>
    %dma_start3A_8 = tpu.memref_slice %arg4[%multiple_of3A_5] : memref<253952xi32, #tpu.memory_space<hbm>> -> memref<128xi32, #tpu.memory_space<hbm>>
    tpu.enqueue_dma source(%dma_start3A_8 : memref<128xi32, #tpu.memory_space<hbm>>) target(%arg10 : memref<128xi32, #tpu.memory_space<vmem>>) target_semaphore(%arg18 : memref<!tpu.dma_semaphore, #tpu.memory_space<semaphore_mem>>)
    %scan3A = arith.constant 0 : i32
    %scan3A_9 = arith.constant 0 : i32
    %scan3A_10 = arith.constant 31 : i32
    %scan3A_11 = arith.addi %scan3A_9, %scan3A_10 : i32
    %scan3A_12 = arith.constant 1 : i32
    scf.for %scan3A_31 = %scan3A_9 to %scan3A_11 step %scan3A_12  : i32 {
      %mul3A_32 = arith.constant 2 : i32
      %mul3A_33 = arith.muli %scan3A_31, %mul3A_32 : i32
      %add3A_34 = arith.constant 0 : i32
      %add3A_35 = arith.addi %mul3A_33, %add3A_34 : i32
      %ge3A = arith.constant 2 : i32
      %ge3A_36 = arith.cmpi sge, %add3A_35, %ge3A : i32
      %convert_element_type3A = arith.extui %ge3A_36 : i1 to i32
      %cond3A = arith.constant 0 : i32
      %cond3A_37 = arith.cmpi ne, %convert_element_type3A, %cond3A : i32
      scf.if %cond3A_37 {
        %dma_wait3A_394 = arith.constant 0 : i32
        %dma_wait3A_395 = arith.constant 0 : i32
        %dma_wait3A_396 = tpu.memref_slice %arg2[%dma_wait3A_394, %dma_wait3A_395] : memref<204800x64xf32, #tpu.memory_space<hbm>> -> memref<128x64xf32, #tpu.memory_space<hbm>>
        %dma_wait3A_397 = arith.constant 0 : i32
        %dma_wait3A_398 = arith.constant 0 : i32
        %dma_wait3A_399 = tpu.memref_slice %arg2[%dma_wait3A_397, %dma_wait3A_398] : memref<204800x64xf32, #tpu.memory_space<hbm>> -> memref<128x64xf32, #tpu.memory_space<hbm>>
        tpu.wait_dma2 semaphore(%arg24 : memref<!tpu.dma_semaphore, #tpu.memory_space<semaphore_mem>>) src(%dma_wait3A_399 : memref<128x64xf32, #tpu.memory_space<hbm>>) dst(%arg14 : memref<128x64xf32, #tpu.memory_space<vmem>>)
      } else {
      }
      %dma_wait3A_38 = arith.constant 0 : i32
      %dma_wait3A_39 = arith.constant 0 : i32
      %dma_wait3A_40 = tpu.memref_slice %arg2[%dma_wait3A_38, %dma_wait3A_39] : memref<204800x64xf32, #tpu.memory_space<hbm>> -> memref<128x64xf32, #tpu.memory_space<hbm>>
      %dma_wait3A_41 = arith.constant 0 : i32
      %dma_wait3A_42 = arith.constant 0 : i32
      %dma_wait3A_43 = tpu.memref_slice %arg2[%dma_wait3A_41, %dma_wait3A_42] : memref<204800x64xf32, #tpu.memory_space<hbm>> -> memref<128x64xf32, #tpu.memory_space<hbm>>
      tpu.wait_dma2 semaphore(%arg18 : memref<!tpu.dma_semaphore, #tpu.memory_space<semaphore_mem>>) src(%dma_wait3A_43 : memref<128x64xf32, #tpu.memory_space<hbm>>) dst(%arg8 : memref<128xi32, #tpu.memory_space<vmem>>)
      %dma_wait3A_44 = arith.constant 0 : i32
      %dma_wait3A_45 = arith.constant 0 : i32
      %dma_wait3A_46 = tpu.memref_slice %arg2[%dma_wait3A_44, %dma_wait3A_45] : memref<204800x64xf32, #tpu.memory_space<hbm>> -> memref<128x64xf32, #tpu.memory_space<hbm>>
      %dma_wait3A_47 = arith.constant 0 : i32
      %dma_wait3A_48 = arith.constant 0 : i32
      %dma_wait3A_49 = tpu.memref_slice %arg2[%dma_wait3A_47, %dma_wait3A_48] : memref<204800x64xf32, #tpu.memory_space<hbm>> -> memref<128x64xf32, #tpu.memory_space<hbm>>
      tpu.wait_dma2 semaphore(%arg18 : memref<!tpu.dma_semaphore, #tpu.memory_space<semaphore_mem>>) src(%dma_wait3A_49 : memref<128x64xf32, #tpu.memory_space<hbm>>) dst(%arg10 : memref<128xi32, #tpu.memory_space<vmem>>)
      %add3A_50 = arith.constant 1 : i32
      %add3A_51 = arith.addi %add3A_35, %add3A_50 : i32
      %lt3A = arith.constant 62 : i32
      %lt3A_52 = arith.cmpi slt, %add3A_51, %lt3A : i32
      %convert_element_type3A_53 = arith.extui %lt3A_52 : i1 to i32
      %cond3A_54 = arith.constant 0 : i32
      %cond3A_55 = arith.cmpi ne, %convert_element_type3A_53, %cond3A_54 : i32
      scf.if %cond3A_55 {
        %add3A_394 = arith.constant 1 : i32
        %add3A_395 = arith.addi %add3A_35, %add3A_394 : i32
        %mul3A_396 = arith.constant 128 : i32
        %mul3A_397 = arith.muli %add3A_395, %mul3A_396 : i32
        %add3A_398 = arith.addi %mul3A_4, %mul3A_397 : i32
        %multiple_of3A_399 = tpu.assume_multiple %add3A_398, 8 : i32
        %dma_start3A_400 = tpu.memref_slice %arg3[%multiple_of3A_399] : memref<253952xi32, #tpu.memory_space<hbm>> -> memref<128xi32, #tpu.memory_space<hbm>>
        %dma_start3A_401 = tpu.memref_slice %arg3[%multiple_of3A_399] : memref<253952xi32, #tpu.memory_space<hbm>> -> memref<128xi32, #tpu.memory_space<hbm>>
        tpu.enqueue_dma source(%dma_start3A_401 : memref<128xi32, #tpu.memory_space<hbm>>) target(%arg9 : memref<128xi32, #tpu.memory_space<vmem>>) target_semaphore(%arg19 : memref<!tpu.dma_semaphore, #tpu.memory_space<semaphore_mem>>)
        %dma_start3A_402 = tpu.memref_slice %arg4[%multiple_of3A_399] : memref<253952xi32, #tpu.memory_space<hbm>> -> memref<128xi32, #tpu.memory_space<hbm>>
        %dma_start3A_403 = tpu.memref_slice %arg4[%multiple_of3A_399] : memref<253952xi32, #tpu.memory_space<hbm>> -> memref<128xi32, #tpu.memory_space<hbm>>
        tpu.enqueue_dma source(%dma_start3A_403 : memref<128xi32, #tpu.memory_space<hbm>>) target(%arg11 : memref<128xi32, #tpu.memory_space<vmem>>) target_semaphore(%arg19 : memref<!tpu.dma_semaphore, #tpu.memory_space<semaphore_mem>>)
      } else {
      }
      %dma_start3A_56 = arith.constant 0 : i32
      %dma_start3A_57 = arith.constant 0 : i32
      %dma_start3A_58 = tpu.memref_slice %arg2[%dma_start3A_56, %dma_start3A_57] : memref<204800x64xf32, #tpu.memory_space<hbm>> -> memref<204800x64xf32, #tpu.memory_space<hbm>>
      tpu.enqueue_indirect_dma source(%dma_start3A_58 : memref<204800x64xf32, #tpu.memory_space<hbm>>) target(%arg14 : memref<128x64xf32, #tpu.memory_space<vmem>>) offsets(%arg8 : memref<128xi32, #tpu.memory_space<vmem>>) semaphore(%arg20 : memref<!tpu.dma_semaphore, #tpu.memory_space<semaphore_mem>>)
      %dma_start3A_59 = arith.constant 0 : i32
      %dma_start3A_60 = tpu.memref_slice %arg5[%dma_start3A_59] : memref<50000xi32, #tpu.memory_space<hbm>> -> memref<50000xi32, #tpu.memory_space<hbm>>
      tpu.enqueue_indirect_dma source(%dma_start3A_60 : memref<50000xi32, #tpu.memory_space<hbm>>) target(%arg16 : memref<128xi32, #tpu.memory_space<vmem>>) offsets(%arg10 : memref<128xi32, #tpu.memory_space<vmem>>) semaphore(%arg22 : memref<!tpu.dma_semaphore, #tpu.memory_space<semaphore_mem>>)
      %dma_wait3A_61 = arith.constant 0 : i32
      %dma_wait3A_62 = tpu.memref_slice %arg5[%dma_wait3A_61] : memref<50000xi32, #tpu.memory_space<hbm>> -> memref<128xi32, #tpu.memory_space<hbm>>
      %dma_wait3A_63 = arith.constant 0 : i32
      %dma_wait3A_64 = tpu.memref_slice %arg5[%dma_wait3A_63] : memref<50000xi32, #tpu.memory_space<hbm>> -> memref<128xi32, #tpu.memory_space<hbm>>
      tpu.wait_dma2 semaphore(%arg22 : memref<!tpu.dma_semaphore, #tpu.memory_space<semaphore_mem>>) src(%dma_wait3A_64 : memref<128xi32, #tpu.memory_space<hbm>>) dst(%arg16 : memref<128xi32, #tpu.memory_space<vmem>>)
      %mul3A_65 = arith.constant 128 : i32
      %mul3A_66 = arith.muli %add3A_35, %mul3A_65 : i32
      %add3A_67 = arith.addi %mul3A_4, %mul3A_66 : i32
      %get3A = arith.constant 0 : index
      %get3A_68 = tpu.vector_load %arg16[%get3A] {strides = array<i32>} : memref<128xi32, #tpu.memory_space<vmem>>, vector<16xi32>,
      %add3A_69 = arith.constant 0 : i32
      %add3A_70 = arith.addi %add3A_67, %add3A_69 : i32
      %add3A_71 = vector.broadcast %add3A_70 : i32 to vector<16xi32>
      %add3A_72 = arith.addi %iota3A, %add3A_71 : vector<16xi32>
      %lt3A_73 = arith.constant 250000 : i32
      %lt3A_74 = vector.broadcast %lt3A_73 : i32 to vector<16xi32>
      %lt3A_75 = arith.cmpi slt, %add3A_72, %lt3A_74 : vector<16xi32>
      %add3A_76 = vector.broadcast %multiple_of3A : i32 to vector<16xi32>
      %add3A_77 = arith.addi %get3A_68, %add3A_76 : vector<16xi32>
      %add3A_78 = arith.constant 256 : i32
      %add3A_79 = arith.addi %multiple_of3A, %add3A_78 : i32
      %broadcast_in_dim3A = vector.broadcast %add3A_79 : i32 to vector<16xi32>
      %select_n3A = arith.select %lt3A_75, %add3A_77, %broadcast_in_dim3A : vector<16xi1>, vector<16xi32>
      %swap3A = arith.constant 0 : index
      %swap3A_80 = tpu.vector_load %arg12[%swap3A] {strides = array<i32>} : memref<128xi32, #tpu.memory_space<vmem>>, vector<16xi32>,
      tpu.vector_store %arg12[%swap3A], %select_n3A {strides = array<i32>} : memref<128xi32, #tpu.memory_space<vmem>>, vector<16xi32>,
      %get3A_81 = arith.constant 16 : index
      %get3A_82 = tpu.vector_load %arg16[%get3A_81] {strides = array<i32>} : memref<128xi32, #tpu.memory_space<vmem>>, vector<16xi32>,
      %add3A_83 = arith.constant 16 : i32
      %add3A_84 = arith.addi %add3A_67, %add3A_83 : i32
      %add3A_85 = vector.broadcast %add3A_84 : i32 to vector<16xi32>
      %add3A_86 = arith.addi %iota3A, %add3A_85 : vector<16xi32>
      %lt3A_87 = arith.constant 250000 : i32
      %lt3A_88 = vector.broadcast %lt3A_87 : i32 to vector<16xi32>
      %lt3A_89 = arith.cmpi slt, %add3A_86, %lt3A_88 : vector<16xi32>
      %add3A_90 = vector.broadcast %multiple_of3A : i32 to vector<16xi32>
      %add3A_91 = arith.addi %get3A_82, %add3A_90 : vector<16xi32>
      %add3A_92 = arith.constant 256 : i32
      %add3A_93 = arith.addi %multiple_of3A, %add3A_92 : i32
      %broadcast_in_dim3A_94 = vector.broadcast %add3A_93 : i32 to vector<16xi32>
      %select_n3A_95 = arith.select %lt3A_89, %add3A_91, %broadcast_in_dim3A_94 : vector<16xi1>, vector<16xi32>
      %swap3A_96 = arith.constant 16 : index
      %swap3A_97 = tpu.vector_load %arg12[%swap3A_96] {strides = array<i32>} : memref<128xi32, #tpu.memory_space<vmem>>, vector<16xi32>,
      tpu.vector_store %arg12[%swap3A_96], %select_n3A_95 {strides = array<i32>} : memref<128xi32, #tpu.memory_space<vmem>>, vector<16xi32>,
      %get3A_98 = arith.constant 32 : index
      %get3A_99 = tpu.vector_load %arg16[%get3A_98] {strides = array<i32>} : memref<128xi32, #tpu.memory_space<vmem>>, vector<16xi32>,
      %add3A_100 = arith.constant 32 : i32
      %add3A_101 = arith.addi %add3A_67, %add3A_100 : i32
      %add3A_102 = vector.broadcast %add3A_101 : i32 to vector<16xi32>
      %add3A_103 = arith.addi %iota3A, %add3A_102 : vector<16xi32>
      %lt3A_104 = arith.constant 250000 : i32
      %lt3A_105 = vector.broadcast %lt3A_104 : i32 to vector<16xi32>
      %lt3A_106 = arith.cmpi slt, %add3A_103, %lt3A_105 : vector<16xi32>
      %add3A_107 = vector.broadcast %multiple_of3A : i32 to vector<16xi32>
      %add3A_108 = arith.addi %get3A_99, %add3A_107 : vector<16xi32>
      %add3A_109 = arith.constant 256 : i32
      %add3A_110 = arith.addi %multiple_of3A, %add3A_109 : i32
      %broadcast_in_dim3A_111 = vector.broadcast %add3A_110 : i32 to vector<16xi32>
      %select_n3A_112 = arith.select %lt3A_106, %add3A_108, %broadcast_in_dim3A_111 : vector<16xi1>, vector<16xi32>
      %swap3A_113 = arith.constant 32 : index
      %swap3A_114 = tpu.vector_load %arg12[%swap3A_113] {strides = array<i32>} : memref<128xi32, #tpu.memory_space<vmem>>, vector<16xi32>,
      tpu.vector_store %arg12[%swap3A_113], %select_n3A_112 {strides = array<i32>} : memref<128xi32, #tpu.memory_space<vmem>>, vector<16xi32>,
      %get3A_115 = arith.constant 48 : index
      %get3A_116 = tpu.vector_load %arg16[%get3A_115] {strides = array<i32>} : memref<128xi32, #tpu.memory_space<vmem>>, vector<16xi32>,
      %add3A_117 = arith.constant 48 : i32
      %add3A_118 = arith.addi %add3A_67, %add3A_117 : i32
      %add3A_119 = vector.broadcast %add3A_118 : i32 to vector<16xi32>
      %add3A_120 = arith.addi %iota3A, %add3A_119 : vector<16xi32>
      %lt3A_121 = arith.constant 250000 : i32
      %lt3A_122 = vector.broadcast %lt3A_121 : i32 to vector<16xi32>
      %lt3A_123 = arith.cmpi slt, %add3A_120, %lt3A_122 : vector<16xi32>
      %add3A_124 = vector.broadcast %multiple_of3A : i32 to vector<16xi32>
      %add3A_125 = arith.addi %get3A_116, %add3A_124 : vector<16xi32>
      %add3A_126 = arith.constant 256 : i32
      %add3A_127 = arith.addi %multiple_of3A, %add3A_126 : i32
      %broadcast_in_dim3A_128 = vector.broadcast %add3A_127 : i32 to vector<16xi32>
      %select_n3A_129 = arith.select %lt3A_123, %add3A_125, %broadcast_in_dim3A_128 : vector<16xi1>, vector<16xi32>
      %swap3A_130 = arith.constant 48 : index
      %swap3A_131 = tpu.vector_load %arg12[%swap3A_130] {strides = array<i32>} : memref<128xi32, #tpu.memory_space<vmem>>, vector<16xi32>,
      tpu.vector_store %arg12[%swap3A_130], %select_n3A_129 {strides = array<i32>} : memref<128xi32, #tpu.memory_space<vmem>>, vector<16xi32>,
      %get3A_132 = arith.constant 64 : index
      %get3A_133 = tpu.vector_load %arg16[%get3A_132] {strides = array<i32>} : memref<128xi32, #tpu.memory_space<vmem>>, vector<16xi32>,
      %add3A_134 = arith.constant 64 : i32
      %add3A_135 = arith.addi %add3A_67, %add3A_134 : i32
      %add3A_136 = vector.broadcast %add3A_135 : i32 to vector<16xi32>
      %add3A_137 = arith.addi %iota3A, %add3A_136 : vector<16xi32>
      %lt3A_138 = arith.constant 250000 : i32
      %lt3A_139 = vector.broadcast %lt3A_138 : i32 to vector<16xi32>
      %lt3A_140 = arith.cmpi slt, %add3A_137, %lt3A_139 : vector<16xi32>
      %add3A_141 = vector.broadcast %multiple_of3A : i32 to vector<16xi32>
      %add3A_142 = arith.addi %get3A_133, %add3A_141 : vector<16xi32>
      %add3A_143 = arith.constant 256 : i32
      %add3A_144 = arith.addi %multiple_of3A, %add3A_143 : i32
      %broadcast_in_dim3A_145 = vector.broadcast %add3A_144 : i32 to vector<16xi32>
      %select_n3A_146 = arith.select %lt3A_140, %add3A_142, %broadcast_in_dim3A_145 : vector<16xi1>, vector<16xi32>
      %swap3A_147 = arith.constant 64 : index
      %swap3A_148 = tpu.vector_load %arg12[%swap3A_147] {strides = array<i32>} : memref<128xi32, #tpu.memory_space<vmem>>, vector<16xi32>,
      tpu.vector_store %arg12[%swap3A_147], %select_n3A_146 {strides = array<i32>} : memref<128xi32, #tpu.memory_space<vmem>>, vector<16xi32>,
      %get3A_149 = arith.constant 80 : index
      %get3A_150 = tpu.vector_load %arg16[%get3A_149] {strides = array<i32>} : memref<128xi32, #tpu.memory_space<vmem>>, vector<16xi32>,
      %add3A_151 = arith.constant 80 : i32
      %add3A_152 = arith.addi %add3A_67, %add3A_151 : i32
      %add3A_153 = vector.broadcast %add3A_152 : i32 to vector<16xi32>
      %add3A_154 = arith.addi %iota3A, %add3A_153 : vector<16xi32>
      %lt3A_155 = arith.constant 250000 : i32
      %lt3A_156 = vector.broadcast %lt3A_155 : i32 to vector<16xi32>
      %lt3A_157 = arith.cmpi slt, %add3A_154, %lt3A_156 : vector<16xi32>
      %add3A_158 = vector.broadcast %multiple_of3A : i32 to vector<16xi32>
      %add3A_159 = arith.addi %get3A_150, %add3A_158 : vector<16xi32>
      %add3A_160 = arith.constant 256 : i32
      %add3A_161 = arith.addi %multiple_of3A, %add3A_160 : i32
      %broadcast_in_dim3A_162 = vector.broadcast %add3A_161 : i32 to vector<16xi32>
      %select_n3A_163 = arith.select %lt3A_157, %add3A_159, %broadcast_in_dim3A_162 : vector<16xi1>, vector<16xi32>
      %swap3A_164 = arith.constant 80 : index
      %swap3A_165 = tpu.vector_load %arg12[%swap3A_164] {strides = array<i32>} : memref<128xi32, #tpu.memory_space<vmem>>, vector<16xi32>,
      tpu.vector_store %arg12[%swap3A_164], %select_n3A_163 {strides = array<i32>} : memref<128xi32, #tpu.memory_space<vmem>>, vector<16xi32>,
      %get3A_166 = arith.constant 96 : index
      %get3A_167 = tpu.vector_load %arg16[%get3A_166] {strides = array<i32>} : memref<128xi32, #tpu.memory_space<vmem>>, vector<16xi32>,
      %add3A_168 = arith.constant 96 : i32
      %add3A_169 = arith.addi %add3A_67, %add3A_168 : i32
      %add3A_170 = vector.broadcast %add3A_169 : i32 to vector<16xi32>
      %add3A_171 = arith.addi %iota3A, %add3A_170 : vector<16xi32>
      %lt3A_172 = arith.constant 250000 : i32
      %lt3A_173 = vector.broadcast %lt3A_172 : i32 to vector<16xi32>
      %lt3A_174 = arith.cmpi slt, %add3A_171, %lt3A_173 : vector<16xi32>
      %add3A_175 = vector.broadcast %multiple_of3A : i32 to vector<16xi32>
      %add3A_176 = arith.addi %get3A_167, %add3A_175 : vector<16xi32>
      %add3A_177 = arith.constant 256 : i32
      %add3A_178 = arith.addi %multiple_of3A, %add3A_177 : i32
      %broadcast_in_dim3A_179 = vector.broadcast %add3A_178 : i32 to vector<16xi32>
      %select_n3A_180 = arith.select %lt3A_174, %add3A_176, %broadcast_in_dim3A_179 : vector<16xi1>, vector<16xi32>
      %swap3A_181 = arith.constant 96 : index
      %swap3A_182 = tpu.vector_load %arg12[%swap3A_181] {strides = array<i32>} : memref<128xi32, #tpu.memory_space<vmem>>, vector<16xi32>,
      tpu.vector_store %arg12[%swap3A_181], %select_n3A_180 {strides = array<i32>} : memref<128xi32, #tpu.memory_space<vmem>>, vector<16xi32>,
      %get3A_183 = arith.constant 112 : index
      %get3A_184 = tpu.vector_load %arg16[%get3A_183] {strides = array<i32>} : memref<128xi32, #tpu.memory_space<vmem>>, vector<16xi32>,
      %add3A_185 = arith.constant 112 : i32
      %add3A_186 = arith.addi %add3A_67, %add3A_185 : i32
      %add3A_187 = vector.broadcast %add3A_186 : i32 to vector<16xi32>
      %add3A_188 = arith.addi %iota3A, %add3A_187 : vector<16xi32>
      %lt3A_189 = arith.constant 250000 : i32
      %lt3A_190 = vector.broadcast %lt3A_189 : i32 to vector<16xi32>
      %lt3A_191 = arith.cmpi slt, %add3A_188, %lt3A_190 : vector<16xi32>
      %add3A_192 = vector.broadcast %multiple_of3A : i32 to vector<16xi32>
      %add3A_193 = arith.addi %get3A_184, %add3A_192 : vector<16xi32>
      %add3A_194 = arith.constant 256 : i32
      %add3A_195 = arith.addi %multiple_of3A, %add3A_194 : i32
      %broadcast_in_dim3A_196 = vector.broadcast %add3A_195 : i32 to vector<16xi32>
      %select_n3A_197 = arith.select %lt3A_191, %add3A_193, %broadcast_in_dim3A_196 : vector<16xi1>, vector<16xi32>
      %swap3A_198 = arith.constant 112 : index
      %swap3A_199 = tpu.vector_load %arg12[%swap3A_198] {strides = array<i32>} : memref<128xi32, #tpu.memory_space<vmem>>, vector<16xi32>,
      tpu.vector_store %arg12[%swap3A_198], %select_n3A_197 {strides = array<i32>} : memref<128xi32, #tpu.memory_space<vmem>>, vector<16xi32>,
      %dma_wait3A_200 = arith.constant 0 : i32
      %dma_wait3A_201 = arith.constant 0 : i32
      %dma_wait3A_202 = tpu.memref_slice %arg2[%dma_wait3A_200, %dma_wait3A_201] : memref<204800x64xf32, #tpu.memory_space<hbm>> -> memref<128x64xf32, #tpu.memory_space<hbm>>
      %dma_wait3A_203 = arith.constant 0 : i32
      %dma_wait3A_204 = arith.constant 0 : i32
      %dma_wait3A_205 = tpu.memref_slice %arg2[%dma_wait3A_203, %dma_wait3A_204] : memref<204800x64xf32, #tpu.memory_space<hbm>> -> memref<128x64xf32, #tpu.memory_space<hbm>>
      tpu.wait_dma2 semaphore(%arg20 : memref<!tpu.dma_semaphore, #tpu.memory_space<semaphore_mem>>) src(%dma_wait3A_205 : memref<128x64xf32, #tpu.memory_space<hbm>>) dst(%arg14 : memref<128x64xf32, #tpu.memory_space<vmem>>)
      %dma_start3A_206 = arith.constant 0 : i32
      %dma_start3A_207 = arith.constant 0 : i32
      %dma_start3A_208 = tpu.memref_slice %arg26[%dma_start3A_206, %dma_start3A_207] : memref<4224x64xf32, #tpu.memory_space<vmem_shared>> -> memref<4224x64xf32, #tpu.memory_space<vmem_shared>>
      tpu.enqueue_indirect_dma source(%arg14 : memref<128x64xf32, #tpu.memory_space<vmem>>) target(%dma_start3A_208 : memref<4224x64xf32, #tpu.memory_space<vmem_shared>>) offsets(%arg12 : memref<128xi32, #tpu.memory_space<vmem>>) semaphore(%arg24 : memref<!tpu.dma_semaphore, #tpu.memory_space<semaphore_mem>>) {add = true}
      %mul3A_209 = arith.constant 2 : i32
      %mul3A_210 = arith.muli %scan3A_31, %mul3A_209 : i32
      %add3A_211 = arith.constant 1 : i32
      %add3A_212 = arith.addi %mul3A_210, %add3A_211 : i32
      %ge3A_213 = arith.constant 2 : i32
      %ge3A_214 = arith.cmpi sge, %add3A_212, %ge3A_213 : i32
      %convert_element_type3A_215 = arith.extui %ge3A_214 : i1 to i32
      %cond3A_216 = arith.constant 0 : i32
      %cond3A_217 = arith.cmpi ne, %convert_element_type3A_215, %cond3A_216 : i32
      scf.if %cond3A_217 {
        %dma_wait3A_394 = arith.constant 0 : i32
        %dma_wait3A_395 = arith.constant 0 : i32
        %dma_wait3A_396 = tpu.memref_slice %arg2[%dma_wait3A_394, %dma_wait3A_395] : memref<204800x64xf32, #tpu.memory_space<hbm>> -> memref<128x64xf32, #tpu.memory_space<hbm>>
        %dma_wait3A_397 = arith.constant 0 : i32
        %dma_wait3A_398 = arith.constant 0 : i32
        %dma_wait3A_399 = tpu.memref_slice %arg2[%dma_wait3A_397, %dma_wait3A_398] : memref<204800x64xf32, #tpu.memory_space<hbm>> -> memref<128x64xf32, #tpu.memory_space<hbm>>
        tpu.wait_dma2 semaphore(%arg25 : memref<!tpu.dma_semaphore, #tpu.memory_space<semaphore_mem>>) src(%dma_wait3A_399 : memref<128x64xf32, #tpu.memory_space<hbm>>) dst(%arg15 : memref<128x64xf32, #tpu.memory_space<vmem>>)
      } else {
      }
      %dma_wait3A_218 = arith.constant 0 : i32
      %dma_wait3A_219 = arith.constant 0 : i32
      %dma_wait3A_220 = tpu.memref_slice %arg2[%dma_wait3A_218, %dma_wait3A_219] : memref<204800x64xf32, #tpu.memory_space<hbm>> -> memref<128x64xf32, #tpu.memory_space<hbm>>
      %dma_wait3A_221 = arith.constant 0 : i32
      %dma_wait3A_222 = arith.constant 0 : i32
      %dma_wait3A_223 = tpu.memref_slice %arg2[%dma_wait3A_221, %dma_wait3A_222] : memref<204800x64xf32, #tpu.memory_space<hbm>> -> memref<128x64xf32, #tpu.memory_space<hbm>>
      tpu.wait_dma2 semaphore(%arg19 : memref<!tpu.dma_semaphore, #tpu.memory_space<semaphore_mem>>) src(%dma_wait3A_223 : memref<128x64xf32, #tpu.memory_space<hbm>>) dst(%arg9 : memref<128xi32, #tpu.memory_space<vmem>>)
      %dma_wait3A_224 = arith.constant 0 : i32
      %dma_wait3A_225 = arith.constant 0 : i32
      %dma_wait3A_226 = tpu.memref_slice %arg2[%dma_wait3A_224, %dma_wait3A_225] : memref<204800x64xf32, #tpu.memory_space<hbm>> -> memref<128x64xf32, #tpu.memory_space<hbm>>
      %dma_wait3A_227 = arith.constant 0 : i32
      %dma_wait3A_228 = arith.constant 0 : i32
      %dma_wait3A_229 = tpu.memref_slice %arg2[%dma_wait3A_227, %dma_wait3A_228] : memref<204800x64xf32, #tpu.memory_space<hbm>> -> memref<128x64xf32, #tpu.memory_space<hbm>>
      tpu.wait_dma2 semaphore(%arg19 : memref<!tpu.dma_semaphore, #tpu.memory_space<semaphore_mem>>) src(%dma_wait3A_229 : memref<128x64xf32, #tpu.memory_space<hbm>>) dst(%arg11 : memref<128xi32, #tpu.memory_space<vmem>>)
      %add3A_230 = arith.constant 1 : i32
      %add3A_231 = arith.addi %add3A_212, %add3A_230 : i32
      %lt3A_232 = arith.constant 62 : i32
      %lt3A_233 = arith.cmpi slt, %add3A_231, %lt3A_232 : i32
      %convert_element_type3A_234 = arith.extui %lt3A_233 : i1 to i32
      %cond3A_235 = arith.constant 0 : i32
      %cond3A_236 = arith.cmpi ne, %convert_element_type3A_234, %cond3A_235 : i32
      scf.if %cond3A_236 {
        %add3A_394 = arith.constant 1 : i32
        %add3A_395 = arith.addi %add3A_212, %add3A_394 : i32
        %mul3A_396 = arith.constant 128 : i32
        %mul3A_397 = arith.muli %add3A_395, %mul3A_396 : i32
        %add3A_398 = arith.addi %mul3A_4, %mul3A_397 : i32
        %multiple_of3A_399 = tpu.assume_multiple %add3A_398, 8 : i32
        %dma_start3A_400 = tpu.memref_slice %arg3[%multiple_of3A_399] : memref<253952xi32, #tpu.memory_space<hbm>> -> memref<128xi32, #tpu.memory_space<hbm>>
        %dma_start3A_401 = tpu.memref_slice %arg3[%multiple_of3A_399] : memref<253952xi32, #tpu.memory_space<hbm>> -> memref<128xi32, #tpu.memory_space<hbm>>
        tpu.enqueue_dma source(%dma_start3A_401 : memref<128xi32, #tpu.memory_space<hbm>>) target(%arg8 : memref<128xi32, #tpu.memory_space<vmem>>) target_semaphore(%arg18 : memref<!tpu.dma_semaphore, #tpu.memory_space<semaphore_mem>>)
        %dma_start3A_402 = tpu.memref_slice %arg4[%multiple_of3A_399] : memref<253952xi32, #tpu.memory_space<hbm>> -> memref<128xi32, #tpu.memory_space<hbm>>
        %dma_start3A_403 = tpu.memref_slice %arg4[%multiple_of3A_399] : memref<253952xi32, #tpu.memory_space<hbm>> -> memref<128xi32, #tpu.memory_space<hbm>>
        tpu.enqueue_dma source(%dma_start3A_403 : memref<128xi32, #tpu.memory_space<hbm>>) target(%arg10 : memref<128xi32, #tpu.memory_space<vmem>>) target_semaphore(%arg18 : memref<!tpu.dma_semaphore, #tpu.memory_space<semaphore_mem>>)
      } else {
      }
      %dma_start3A_237 = arith.constant 0 : i32
      %dma_start3A_238 = arith.constant 0 : i32
      %dma_start3A_239 = tpu.memref_slice %arg2[%dma_start3A_237, %dma_start3A_238] : memref<204800x64xf32, #tpu.memory_space<hbm>> -> memref<204800x64xf32, #tpu.memory_space<hbm>>
      tpu.enqueue_indirect_dma source(%dma_start3A_239 : memref<204800x64xf32, #tpu.memory_space<hbm>>) target(%arg15 : memref<128x64xf32, #tpu.memory_space<vmem>>) offsets(%arg9 : memref<128xi32, #tpu.memory_space<vmem>>) semaphore(%arg21 : memref<!tpu.dma_semaphore, #tpu.memory_space<semaphore_mem>>)
      %dma_start3A_240 = arith.constant 0 : i32
      %dma_start3A_241 = tpu.memref_slice %arg5[%dma_start3A_240] : memref<50000xi32, #tpu.memory_space<hbm>> -> memref<50000xi32, #tpu.memory_space<hbm>>
      tpu.enqueue_indirect_dma source(%dma_start3A_241 : memref<50000xi32, #tpu.memory_space<hbm>>) target(%arg17 : memref<128xi32, #tpu.memory_space<vmem>>) offsets(%arg11 : memref<128xi32, #tpu.memory_space<vmem>>) semaphore(%arg23 : memref<!tpu.dma_semaphore, #tpu.memory_space<semaphore_mem>>)
      %dma_wait3A_242 = arith.constant 0 : i32
      %dma_wait3A_243 = tpu.memref_slice %arg5[%dma_wait3A_242] : memref<50000xi32, #tpu.memory_space<hbm>> -> memref<128xi32, #tpu.memory_space<hbm>>
      %dma_wait3A_244 = arith.constant 0 : i32
      %dma_wait3A_245 = tpu.memref_slice %arg5[%dma_wait3A_244] : memref<50000xi32, #tpu.memory_space<hbm>> -> memref<128xi32, #tpu.memory_space<hbm>>
      tpu.wait_dma2 semaphore(%arg23 : memref<!tpu.dma_semaphore, #tpu.memory_space<semaphore_mem>>) src(%dma_wait3A_245 : memref<128xi32, #tpu.memory_space<hbm>>) dst(%arg17 : memref<128xi32, #tpu.memory_space<vmem>>)
      %mul3A_246 = arith.constant 128 : i32
      %mul3A_247 = arith.muli %add3A_212, %mul3A_246 : i32
      %add3A_248 = arith.addi %mul3A_4, %mul3A_247 : i32
      %get3A_249 = arith.constant 0 : index
      %get3A_250 = tpu.vector_load %arg17[%get3A_249] {strides = array<i32>} : memref<128xi32, #tpu.memory_space<vmem>>, vector<16xi32>,
      %add3A_251 = arith.constant 0 : i32
      %add3A_252 = arith.addi %add3A_248, %add3A_251 : i32
      %add3A_253 = vector.broadcast %add3A_252 : i32 to vector<16xi32>
      %add3A_254 = arith.addi %iota3A, %add3A_253 : vector<16xi32>
      %lt3A_255 = arith.constant 250000 : i32
      %lt3A_256 = vector.broadcast %lt3A_255 : i32 to vector<16xi32>
      %lt3A_257 = arith.cmpi slt, %add3A_254, %lt3A_256 : vector<16xi32>
      %add3A_258 = vector.broadcast %multiple_of3A : i32 to vector<16xi32>
      %add3A_259 = arith.addi %get3A_250, %add3A_258 : vector<16xi32>
      %add3A_260 = arith.constant 256 : i32
      %add3A_261 = arith.addi %multiple_of3A, %add3A_260 : i32
      %broadcast_in_dim3A_262 = vector.broadcast %add3A_261 : i32 to vector<16xi32>
      %select_n3A_263 = arith.select %lt3A_257, %add3A_259, %broadcast_in_dim3A_262 : vector<16xi1>, vector<16xi32>
      %swap3A_264 = arith.constant 0 : index
      %swap3A_265 = tpu.vector_load %arg13[%swap3A_264] {strides = array<i32>} : memref<128xi32, #tpu.memory_space<vmem>>, vector<16xi32>,
      tpu.vector_store %arg13[%swap3A_264], %select_n3A_263 {strides = array<i32>} : memref<128xi32, #tpu.memory_space<vmem>>, vector<16xi32>,
      %get3A_266 = arith.constant 16 : index
      %get3A_267 = tpu.vector_load %arg17[%get3A_266] {strides = array<i32>} : memref<128xi32, #tpu.memory_space<vmem>>, vector<16xi32>,
      %add3A_268 = arith.constant 16 : i32
      %add3A_269 = arith.addi %add3A_248, %add3A_268 : i32
      %add3A_270 = vector.broadcast %add3A_269 : i32 to vector<16xi32>
      %add3A_271 = arith.addi %iota3A, %add3A_270 : vector<16xi32>
      %lt3A_272 = arith.constant 250000 : i32
      %lt3A_273 = vector.broadcast %lt3A_272 : i32 to vector<16xi32>
      %lt3A_274 = arith.cmpi slt, %add3A_271, %lt3A_273 : vector<16xi32>
      %add3A_275 = vector.broadcast %multiple_of3A : i32 to vector<16xi32>
      %add3A_276 = arith.addi %get3A_267, %add3A_275 : vector<16xi32>
      %add3A_277 = arith.constant 256 : i32
      %add3A_278 = arith.addi %multiple_of3A, %add3A_277 : i32
      %broadcast_in_dim3A_279 = vector.broadcast %add3A_278 : i32 to vector<16xi32>
      %select_n3A_280 = arith.select %lt3A_274, %add3A_276, %broadcast_in_dim3A_279 : vector<16xi1>, vector<16xi32>
      %swap3A_281 = arith.constant 16 : index
      %swap3A_282 = tpu.vector_load %arg13[%swap3A_281] {strides = array<i32>} : memref<128xi32, #tpu.memory_space<vmem>>, vector<16xi32>,
      tpu.vector_store %arg13[%swap3A_281], %select_n3A_280 {strides = array<i32>} : memref<128xi32, #tpu.memory_space<vmem>>, vector<16xi32>,
      %get3A_283 = arith.constant 32 : index
      %get3A_284 = tpu.vector_load %arg17[%get3A_283] {strides = array<i32>} : memref<128xi32, #tpu.memory_space<vmem>>, vector<16xi32>,
      %add3A_285 = arith.constant 32 : i32
      %add3A_286 = arith.addi %add3A_248, %add3A_285 : i32
      %add3A_287 = vector.broadcast %add3A_286 : i32 to vector<16xi32>
      %add3A_288 = arith.addi %iota3A, %add3A_287 : vector<16xi32>
      %lt3A_289 = arith.constant 250000 : i32
      %lt3A_290 = vector.broadcast %lt3A_289 : i32 to vector<16xi32>
      %lt3A_291 = arith.cmpi slt, %add3A_288, %lt3A_290 : vector<16xi32>
      %add3A_292 = vector.broadcast %multiple_of3A : i32 to vector<16xi32>
      %add3A_293 = arith.addi %get3A_284, %add3A_292 : vector<16xi32>
      %add3A_294 = arith.constant 256 : i32
      %add3A_295 = arith.addi %multiple_of3A, %add3A_294 : i32
      %broadcast_in_dim3A_296 = vector.broadcast %add3A_295 : i32 to vector<16xi32>
      %select_n3A_297 = arith.select %lt3A_291, %add3A_293, %broadcast_in_dim3A_296 : vector<16xi1>, vector<16xi32>
      %swap3A_298 = arith.constant 32 : index
      %swap3A_299 = tpu.vector_load %arg13[%swap3A_298] {strides = array<i32>} : memref<128xi32, #tpu.memory_space<vmem>>, vector<16xi32>,
      tpu.vector_store %arg13[%swap3A_298], %select_n3A_297 {strides = array<i32>} : memref<128xi32, #tpu.memory_space<vmem>>, vector<16xi32>,
      %get3A_300 = arith.constant 48 : index
      %get3A_301 = tpu.vector_load %arg17[%get3A_300] {strides = array<i32>} : memref<128xi32, #tpu.memory_space<vmem>>, vector<16xi32>,
      %add3A_302 = arith.constant 48 : i32
      %add3A_303 = arith.addi %add3A_248, %add3A_302 : i32
      %add3A_304 = vector.broadcast %add3A_303 : i32 to vector<16xi32>
      %add3A_305 = arith.addi %iota3A, %add3A_304 : vector<16xi32>
      %lt3A_306 = arith.constant 250000 : i32
      %lt3A_307 = vector.broadcast %lt3A_306 : i32 to vector<16xi32>
      %lt3A_308 = arith.cmpi slt, %add3A_305, %lt3A_307 : vector<16xi32>
      %add3A_309 = vector.broadcast %multiple_of3A : i32 to vector<16xi32>
      %add3A_310 = arith.addi %get3A_301, %add3A_309 : vector<16xi32>
      %add3A_311 = arith.constant 256 : i32
      %add3A_312 = arith.addi %multiple_of3A, %add3A_311 : i32
      %broadcast_in_dim3A_313 = vector.broadcast %add3A_312 : i32 to vector<16xi32>
      %select_n3A_314 = arith.select %lt3A_308, %add3A_310, %broadcast_in_dim3A_313 : vector<16xi1>, vector<16xi32>
      %swap3A_315 = arith.constant 48 : index
      %swap3A_316 = tpu.vector_load %arg13[%swap3A_315] {strides = array<i32>} : memref<128xi32, #tpu.memory_space<vmem>>, vector<16xi32>,
      tpu.vector_store %arg13[%swap3A_315], %select_n3A_314 {strides = array<i32>} : memref<128xi32, #tpu.memory_space<vmem>>, vector<16xi32>,
      %get3A_317 = arith.constant 64 : index
      %get3A_318 = tpu.vector_load %arg17[%get3A_317] {strides = array<i32>} : memref<128xi32, #tpu.memory_space<vmem>>, vector<16xi32>,
      %add3A_319 = arith.constant 64 : i32
      %add3A_320 = arith.addi %add3A_248, %add3A_319 : i32
      %add3A_321 = vector.broadcast %add3A_320 : i32 to vector<16xi32>
      %add3A_322 = arith.addi %iota3A, %add3A_321 : vector<16xi32>
      %lt3A_323 = arith.constant 250000 : i32
      %lt3A_324 = vector.broadcast %lt3A_323 : i32 to vector<16xi32>
      %lt3A_325 = arith.cmpi slt, %add3A_322, %lt3A_324 : vector<16xi32>
      %add3A_326 = vector.broadcast %multiple_of3A : i32 to vector<16xi32>
      %add3A_327 = arith.addi %get3A_318, %add3A_326 : vector<16xi32>
      %add3A_328 = arith.constant 256 : i32
      %add3A_329 = arith.addi %multiple_of3A, %add3A_328 : i32
      %broadcast_in_dim3A_330 = vector.broadcast %add3A_329 : i32 to vector<16xi32>
      %select_n3A_331 = arith.select %lt3A_325, %add3A_327, %broadcast_in_dim3A_330 : vector<16xi1>, vector<16xi32>
      %swap3A_332 = arith.constant 64 : index
      %swap3A_333 = tpu.vector_load %arg13[%swap3A_332] {strides = array<i32>} : memref<128xi32, #tpu.memory_space<vmem>>, vector<16xi32>,
      tpu.vector_store %arg13[%swap3A_332], %select_n3A_331 {strides = array<i32>} : memref<128xi32, #tpu.memory_space<vmem>>, vector<16xi32>,
      %get3A_334 = arith.constant 80 : index
      %get3A_335 = tpu.vector_load %arg17[%get3A_334] {strides = array<i32>} : memref<128xi32, #tpu.memory_space<vmem>>, vector<16xi32>,
      %add3A_336 = arith.constant 80 : i32
      %add3A_337 = arith.addi %add3A_248, %add3A_336 : i32
      %add3A_338 = vector.broadcast %add3A_337 : i32 to vector<16xi32>
      %add3A_339 = arith.addi %iota3A, %add3A_338 : vector<16xi32>
      %lt3A_340 = arith.constant 250000 : i32
      %lt3A_341 = vector.broadcast %lt3A_340 : i32 to vector<16xi32>
      %lt3A_342 = arith.cmpi slt, %add3A_339, %lt3A_341 : vector<16xi32>
      %add3A_343 = vector.broadcast %multiple_of3A : i32 to vector<16xi32>
      %add3A_344 = arith.addi %get3A_335, %add3A_343 : vector<16xi32>
      %add3A_345 = arith.constant 256 : i32
      %add3A_346 = arith.addi %multiple_of3A, %add3A_345 : i32
      %broadcast_in_dim3A_347 = vector.broadcast %add3A_346 : i32 to vector<16xi32>
      %select_n3A_348 = arith.select %lt3A_342, %add3A_344, %broadcast_in_dim3A_347 : vector<16xi1>, vector<16xi32>
      %swap3A_349 = arith.constant 80 : index
      %swap3A_350 = tpu.vector_load %arg13[%swap3A_349] {strides = array<i32>} : memref<128xi32, #tpu.memory_space<vmem>>, vector<16xi32>,
      tpu.vector_store %arg13[%swap3A_349], %select_n3A_348 {strides = array<i32>} : memref<128xi32, #tpu.memory_space<vmem>>, vector<16xi32>,
      %get3A_351 = arith.constant 96 : index
      %get3A_352 = tpu.vector_load %arg17[%get3A_351] {strides = array<i32>} : memref<128xi32, #tpu.memory_space<vmem>>, vector<16xi32>,
      %add3A_353 = arith.constant 96 : i32
      %add3A_354 = arith.addi %add3A_248, %add3A_353 : i32
      %add3A_355 = vector.broadcast %add3A_354 : i32 to vector<16xi32>
      %add3A_356 = arith.addi %iota3A, %add3A_355 : vector<16xi32>
      %lt3A_357 = arith.constant 250000 : i32
      %lt3A_358 = vector.broadcast %lt3A_357 : i32 to vector<16xi32>
      %lt3A_359 = arith.cmpi slt, %add3A_356, %lt3A_358 : vector<16xi32>
      %add3A_360 = vector.broadcast %multiple_of3A : i32 to vector<16xi32>
      %add3A_361 = arith.addi %get3A_352, %add3A_360 : vector<16xi32>
      %add3A_362 = arith.constant 256 : i32
      %add3A_363 = arith.addi %multiple_of3A, %add3A_362 : i32
      %broadcast_in_dim3A_364 = vector.broadcast %add3A_363 : i32 to vector<16xi32>
      %select_n3A_365 = arith.select %lt3A_359, %add3A_361, %broadcast_in_dim3A_364 : vector<16xi1>, vector<16xi32>
      %swap3A_366 = arith.constant 96 : index
      %swap3A_367 = tpu.vector_load %arg13[%swap3A_366] {strides = array<i32>} : memref<128xi32, #tpu.memory_space<vmem>>, vector<16xi32>,
      tpu.vector_store %arg13[%swap3A_366], %select_n3A_365 {strides = array<i32>} : memref<128xi32, #tpu.memory_space<vmem>>, vector<16xi32>,
      %get3A_368 = arith.constant 112 : index
      %get3A_369 = tpu.vector_load %arg17[%get3A_368] {strides = array<i32>} : memref<128xi32, #tpu.memory_space<vmem>>, vector<16xi32>,
      %add3A_370 = arith.constant 112 : i32
      %add3A_371 = arith.addi %add3A_248, %add3A_370 : i32
      %add3A_372 = vector.broadcast %add3A_371 : i32 to vector<16xi32>
      %add3A_373 = arith.addi %iota3A, %add3A_372 : vector<16xi32>
      %lt3A_374 = arith.constant 250000 : i32
      %lt3A_375 = vector.broadcast %lt3A_374 : i32 to vector<16xi32>
      %lt3A_376 = arith.cmpi slt, %add3A_373, %lt3A_375 : vector<16xi32>
      %add3A_377 = vector.broadcast %multiple_of3A : i32 to vector<16xi32>
      %add3A_378 = arith.addi %get3A_369, %add3A_377 : vector<16xi32>
      %add3A_379 = arith.constant 256 : i32
      %add3A_380 = arith.addi %multiple_of3A, %add3A_379 : i32
      %broadcast_in_dim3A_381 = vector.broadcast %add3A_380 : i32 to vector<16xi32>
      %select_n3A_382 = arith.select %lt3A_376, %add3A_378, %broadcast_in_dim3A_381 : vector<16xi1>, vector<16xi32>
      %swap3A_383 = arith.constant 112 : index
      %swap3A_384 = tpu.vector_load %arg13[%swap3A_383] {strides = array<i32>} : memref<128xi32, #tpu.memory_space<vmem>>, vector<16xi32>,
      tpu.vector_store %arg13[%swap3A_383], %select_n3A_382 {strides = array<i32>} : memref<128xi32, #tpu.memory_space<vmem>>, vector<16xi32>,
      %dma_wait3A_385 = arith.constant 0 : i32
      %dma_wait3A_386 = arith.constant 0 : i32
      %dma_wait3A_387 = tpu.memref_slice %arg2[%dma_wait3A_385, %dma_wait3A_386] : memref<204800x64xf32, #tpu.memory_space<hbm>> -> memref<128x64xf32, #tpu.memory_space<hbm>>
      %dma_wait3A_388 = arith.constant 0 : i32
      %dma_wait3A_389 = arith.constant 0 : i32
      %dma_wait3A_390 = tpu.memref_slice %arg2[%dma_wait3A_388, %dma_wait3A_389] : memref<204800x64xf32, #tpu.memory_space<hbm>> -> memref<128x64xf32, #tpu.memory_space<hbm>>
      tpu.wait_dma2 semaphore(%arg21 : memref<!tpu.dma_semaphore, #tpu.memory_space<semaphore_mem>>) src(%dma_wait3A_390 : memref<128x64xf32, #tpu.memory_space<hbm>>) dst(%arg15 : memref<128x64xf32, #tpu.memory_space<vmem>>)
      %dma_start3A_391 = arith.constant 0 : i32
      %dma_start3A_392 = arith.constant 0 : i32
      %dma_start3A_393 = tpu.memref_slice %arg26[%dma_start3A_391, %dma_start3A_392] : memref<4224x64xf32, #tpu.memory_space<vmem_shared>> -> memref<4224x64xf32, #tpu.memory_space<vmem_shared>>
      tpu.enqueue_indirect_dma source(%arg15 : memref<128x64xf32, #tpu.memory_space<vmem>>) target(%dma_start3A_393 : memref<4224x64xf32, #tpu.memory_space<vmem_shared>>) offsets(%arg13 : memref<128xi32, #tpu.memory_space<vmem>>) semaphore(%arg25 : memref<!tpu.dma_semaphore, #tpu.memory_space<semaphore_mem>>) {add = true}
    }
    %scan3A_13 = arith.constant 31 : i32
    %dma_wait3A = arith.constant 0 : i32
    %dma_wait3A_14 = arith.constant 0 : i32
    %dma_wait3A_15 = tpu.memref_slice %arg2[%dma_wait3A, %dma_wait3A_14] : memref<204800x64xf32, #tpu.memory_space<hbm>> -> memref<128x64xf32, #tpu.memory_space<hbm>>
    %dma_wait3A_16 = arith.constant 0 : i32
    %dma_wait3A_17 = arith.constant 0 : i32
    %dma_wait3A_18 = tpu.memref_slice %arg2[%dma_wait3A_16, %dma_wait3A_17] : memref<204800x64xf32, #tpu.memory_space<hbm>> -> memref<128x64xf32, #tpu.memory_space<hbm>>
    tpu.wait_dma2 semaphore(%arg24 : memref<!tpu.dma_semaphore, #tpu.memory_space<semaphore_mem>>) src(%dma_wait3A_18 : memref<128x64xf32, #tpu.memory_space<hbm>>) dst(%arg14 : memref<128x64xf32, #tpu.memory_space<vmem>>)
    %dma_wait3A_19 = arith.constant 0 : i32
    %dma_wait3A_20 = arith.constant 0 : i32
    %dma_wait3A_21 = tpu.memref_slice %arg2[%dma_wait3A_19, %dma_wait3A_20] : memref<204800x64xf32, #tpu.memory_space<hbm>> -> memref<128x64xf32, #tpu.memory_space<hbm>>
    %dma_wait3A_22 = arith.constant 0 : i32
    %dma_wait3A_23 = arith.constant 0 : i32
    %dma_wait3A_24 = tpu.memref_slice %arg2[%dma_wait3A_22, %dma_wait3A_23] : memref<204800x64xf32, #tpu.memory_space<hbm>> -> memref<128x64xf32, #tpu.memory_space<hbm>>
    tpu.wait_dma2 semaphore(%arg25 : memref<!tpu.dma_semaphore, #tpu.memory_space<semaphore_mem>>) src(%dma_wait3A_24 : memref<128x64xf32, #tpu.memory_space<hbm>>) dst(%arg15 : memref<128x64xf32, #tpu.memory_space<vmem>>)
    %mul3A_25 = arith.constant 16 : i32
    %mul3A_26 = arith.muli %arg0, %mul3A_25 : i32
    %add3A_27 = arith.addi %mul3A_26, %arg1 : i32
    %mul3A_28 = arith.constant 264 : i32
    %mul3A_29 = arith.muli %add3A_27, %mul3A_28 : i32
    %multiple_of3A_30 = tpu.assume_multiple %mul3A_29, 8 : i32
    "tpu.region"() ({
      %run_scoped3A = tpu.sem_alloc : memref<!tpu.dma_semaphore, #tpu.memory_space<semaphore_mem>>
      %dma_start3A_31 = arith.constant 0 : i32
      %dma_start3A_32 = tpu.memref_slice %arg7[%multiple_of3A_30, %dma_start3A_31] : memref<8448x64xf32, #tpu.memory_space<hbm>> -> memref<264x64xf32, #tpu.memory_space<hbm>>
      %dma_start3A_33 = arith.constant 0 : i32
      %dma_start3A_34 = tpu.memref_slice %arg26[%multiple_of3A, %dma_start3A_33] : memref<4224x64xf32, #tpu.memory_space<vmem_shared>> -> memref<264x64xf32, #tpu.memory_space<vmem_shared>>
      tpu.enqueue_dma source(%dma_start3A_34 : memref<264x64xf32, #tpu.memory_space<vmem_shared>>) target(%dma_start3A_32 : memref<264x64xf32, #tpu.memory_space<hbm>>) target_semaphore(%run_scoped3A : memref<!tpu.dma_semaphore, #tpu.memory_space<semaphore_mem>>)
      %dma_wait3A_35 = arith.constant 0 : i32
      %dma_wait3A_36 = tpu.memref_slice %arg7[%multiple_of3A_30, %dma_wait3A_35] : memref<8448x64xf32, #tpu.memory_space<hbm>> -> memref<264x64xf32, #tpu.memory_space<hbm>>
      %dma_wait3A_37 = arith.constant 0 : i32
      %dma_wait3A_38 = tpu.memref_slice %arg26[%multiple_of3A, %dma_wait3A_37] : memref<4224x64xf32, #tpu.memory_space<vmem_shared>> -> memref<264x64xf32, #tpu.memory_space<vmem_shared>>
      tpu.wait_dma2 semaphore(%run_scoped3A : memref<!tpu.dma_semaphore, #tpu.memory_space<semaphore_mem>>) src(%dma_wait3A_38 : memref<264x64xf32, #tpu.memory_space<vmem_shared>>) dst(%dma_wait3A_36 : memref<264x64xf32, #tpu.memory_space<hbm>>)
      tpu.yield
    }) : () -> ()
    return
  }
}

#map = affine_map<(d0, d1) -> (0, 0)>
#map1 = affine_map<(d0, d1) -> (0)>
module attributes {stable_mosaic.version = 14 : i64} {
  func.func @_edges_body(%arg0: i32, %arg1: i32, %arg2: memref<100000x64xf32, #tpu.memory_space<hbm>>, %arg3: memref<400256xi32, #tpu.memory_space<hbm>>, %arg4: memref<400256xi32, #tpu.memory_space<hbm>>, %arg5: memref<204800xi32, #tpu.memory_space<hbm>>, %arg6: memref<5120xi32, #tpu.memory_space<hbm>>, %arg7: memref<648x64xf32, #tpu.memory_space<hbm>>, %arg8: memref<204800x64xf32, #tpu.memory_space<hbm>>, %arg9: memref<8448x64xf32, #tpu.memory_space<hbm>>, %arg10: memref<128xi32, #tpu.memory_space<vmem>>, %arg11: memref<128xi32, #tpu.memory_space<vmem>>, %arg12: memref<128xi32, #tpu.memory_space<vmem>>, %arg13: memref<128xi32, #tpu.memory_space<vmem>>, %arg14: memref<128xi32, #tpu.memory_space<vmem>>, %arg15: memref<128xi32, #tpu.memory_space<vmem>>, %arg16: memref<128xi32, #tpu.memory_space<vmem>>, %arg17: memref<128xi32, #tpu.memory_space<vmem>>, %arg18: memref<128x64xf32, #tpu.memory_space<vmem>>, %arg19: memref<128x64xf32, #tpu.memory_space<vmem>>, %arg20: memref<640xi32, #tpu.memory_space<vmem>>, %arg21: memref<160xi32, #tpu.memory_space<vmem>>, %arg22: memref<648x64xf32, #tpu.memory_space<vmem>>, %arg23: memref<!tpu.dma_semaphore, #tpu.memory_space<semaphore_mem>>, %arg24: memref<!tpu.dma_semaphore, #tpu.memory_space<semaphore_mem>>, %arg25: memref<!tpu.dma_semaphore, #tpu.memory_space<semaphore_mem>>, %arg26: memref<!tpu.dma_semaphore, #tpu.memory_space<semaphore_mem>>, %arg27: memref<!tpu.dma_semaphore, #tpu.memory_space<semaphore_mem>>, %arg28: memref<!tpu.dma_semaphore, #tpu.memory_space<semaphore_mem>>, %arg29: memref<!tpu.dma_semaphore, #tpu.memory_space<semaphore_mem>>, %arg30: memref<!tpu.dma_semaphore, #tpu.memory_space<semaphore_mem>>, %arg31: memref<10368x64xf32, #tpu.memory_space<vmem_shared>>, %arg32: memref<4224x64xf32, #tpu.memory_space<vmem_shared>>) attributes {dimension_semantics = [#tpu.dimension_semantics<core_parallel>, #tpu.dimension_semantics<subcore_parallel>], iteration_bounds = array<i64: 2, 16>, scalar_prefetch = 0 : i64, scratch_operands = 23 : i64, tpu.core_type = #tpu.core_type<sc_vector_subcore>, window_params = [{transform_indices = #map}, {transform_indices = #map1}, {transform_indices = #map1}, {transform_indices = #map1}, {transform_indices = #map1}, {transform_indices = #map}, {transform_indices = #map}, {transform_indices = #map}]} {
    %mul3A = arith.constant 2 : i32
    %mul3A_0 = arith.muli %arg1, %mul3A : i32
    %add3A = arith.addi %mul3A_0, %arg0 : i32
    %iota3A = tpu.iota {dimensions = array<i32: 0>} : vector<16xi32>
    "tpu.region"() ({
      %run_scoped3A = tpu.sem_alloc : memref<!tpu.dma_semaphore, #tpu.memory_space<semaphore_mem>>
      %dma_start3A = arith.constant 0 : i32
      %dma_start3A_20 = arith.constant 0 : i32
      %dma_start3A_21 = tpu.memref_slice %arg7[%dma_start3A, %dma_start3A_20] : memref<648x64xf32, #tpu.memory_space<hbm>> -> memref<648x64xf32, #tpu.memory_space<hbm>>
      %dma_start3A_22 = arith.constant 0 : i32
      %dma_start3A_23 = arith.constant 0 : i32
      %dma_start3A_24 = tpu.memref_slice %arg7[%dma_start3A_22, %dma_start3A_23] : memref<648x64xf32, #tpu.memory_space<hbm>> -> memref<648x64xf32, #tpu.memory_space<hbm>>
      tpu.enqueue_dma source(%dma_start3A_24 : memref<648x64xf32, #tpu.memory_space<hbm>>) target(%arg22 : memref<648x64xf32, #tpu.memory_space<vmem>>) target_semaphore(%run_scoped3A : memref<!tpu.dma_semaphore, #tpu.memory_space<semaphore_mem>>)
      %dma_wait3A = arith.constant 0 : i32
      %dma_wait3A_25 = arith.constant 0 : i32
      %dma_wait3A_26 = tpu.memref_slice %arg7[%dma_wait3A, %dma_wait3A_25] : memref<648x64xf32, #tpu.memory_space<hbm>> -> memref<648x64xf32, #tpu.memory_space<hbm>>
      %dma_wait3A_27 = arith.constant 0 : i32
      %dma_wait3A_28 = arith.constant 0 : i32
      %dma_wait3A_29 = tpu.memref_slice %arg7[%dma_wait3A_27, %dma_wait3A_28] : memref<648x64xf32, #tpu.memory_space<hbm>> -> memref<648x64xf32, #tpu.memory_space<hbm>>
      tpu.wait_dma2 semaphore(%run_scoped3A : memref<!tpu.dma_semaphore, #tpu.memory_space<semaphore_mem>>) src(%dma_wait3A_29 : memref<648x64xf32, #tpu.memory_space<hbm>>) dst(%arg22 : memref<648x64xf32, #tpu.memory_space<vmem>>)
      tpu.yield
    }) : () -> ()
    %mul3A_1 = arith.constant 160 : i32
    %mul3A_2 = arith.muli %add3A, %mul3A_1 : i32
    %multiple_of3A = tpu.assume_multiple %mul3A_2, 8 : i32
    "tpu.region"() ({
      %run_scoped3A = tpu.sem_alloc : memref<!tpu.dma_semaphore, #tpu.memory_space<semaphore_mem>>
      %dma_start3A = tpu.memref_slice %arg6[%multiple_of3A] : memref<5120xi32, #tpu.memory_space<hbm>> -> memref<160xi32, #tpu.memory_space<hbm>>
      %dma_start3A_20 = tpu.memref_slice %arg6[%multiple_of3A] : memref<5120xi32, #tpu.memory_space<hbm>> -> memref<160xi32, #tpu.memory_space<hbm>>
      tpu.enqueue_dma source(%dma_start3A_20 : memref<160xi32, #tpu.memory_space<hbm>>) target(%arg21 : memref<160xi32, #tpu.memory_space<vmem>>) target_semaphore(%run_scoped3A : memref<!tpu.dma_semaphore, #tpu.memory_space<semaphore_mem>>)
      %dma_wait3A = tpu.memref_slice %arg6[%multiple_of3A] : memref<5120xi32, #tpu.memory_space<hbm>> -> memref<160xi32, #tpu.memory_space<hbm>>
      %dma_wait3A_21 = tpu.memref_slice %arg6[%multiple_of3A] : memref<5120xi32, #tpu.memory_space<hbm>> -> memref<160xi32, #tpu.memory_space<hbm>>
      tpu.wait_dma2 semaphore(%run_scoped3A : memref<!tpu.dma_semaphore, #tpu.memory_space<semaphore_mem>>) src(%dma_wait3A_21 : memref<160xi32, #tpu.memory_space<hbm>>) dst(%arg21 : memref<160xi32, #tpu.memory_space<vmem>>)
      tpu.yield
    }) : () -> ()
    %mul3A_3 = arith.constant 264 : i32
    %mul3A_4 = arith.muli %arg1, %mul3A_3 : i32
    %multiple_of3A_5 = tpu.assume_multiple %mul3A_4, 8 : i32
    "tpu.region"() ({
      %run_scoped3A = tpu.sem_alloc : memref<!tpu.dma_semaphore, #tpu.memory_space<semaphore_mem>>
      %dma_start3A = arith.constant 0 : i32
      %dma_start3A_20 = arith.constant 0 : i32
      %dma_start3A_21 = tpu.memref_slice %arg22[%dma_start3A, %dma_start3A_20] : memref<648x64xf32, #tpu.memory_space<vmem>> -> memref<264x64xf32, #tpu.memory_space<vmem>>
      %dma_start3A_22 = arith.constant 0 : i32
      %dma_start3A_23 = tpu.memref_slice %arg32[%multiple_of3A_5, %dma_start3A_22] : memref<4224x64xf32, #tpu.memory_space<vmem_shared>> -> memref<264x64xf32, #tpu.memory_space<vmem_shared>>
      %dma_start3A_24 = arith.constant 0 : i32
      %dma_start3A_25 = tpu.memref_slice %arg32[%multiple_of3A_5, %dma_start3A_24] : memref<4224x64xf32, #tpu.memory_space<vmem_shared>> -> memref<264x64xf32, #tpu.memory_space<vmem_shared>>
      %dma_start3A_26 = arith.constant 0 : i32
      %dma_start3A_27 = arith.constant 0 : i32
      %dma_start3A_28 = tpu.memref_slice %arg22[%dma_start3A_26, %dma_start3A_27] : memref<648x64xf32, #tpu.memory_space<vmem>> -> memref<264x64xf32, #tpu.memory_space<vmem>>
      tpu.enqueue_dma source(%dma_start3A_28 : memref<264x64xf32, #tpu.memory_space<vmem>>) target(%dma_start3A_25 : memref<264x64xf32, #tpu.memory_space<vmem_shared>>) target_semaphore(%run_scoped3A : memref<!tpu.dma_semaphore, #tpu.memory_space<semaphore_mem>>)
      %dma_wait3A = arith.constant 0 : i32
      %dma_wait3A_29 = arith.constant 0 : i32
      %dma_wait3A_30 = tpu.memref_slice %arg22[%dma_wait3A, %dma_wait3A_29] : memref<648x64xf32, #tpu.memory_space<vmem>> -> memref<264x64xf32, #tpu.memory_space<vmem>>
      %dma_wait3A_31 = arith.constant 0 : i32
      %dma_wait3A_32 = tpu.memref_slice %arg32[%multiple_of3A_5, %dma_wait3A_31] : memref<4224x64xf32, #tpu.memory_space<vmem_shared>> -> memref<264x64xf32, #tpu.memory_space<vmem_shared>>
      %dma_wait3A_33 = arith.constant 0 : i32
      %dma_wait3A_34 = tpu.memref_slice %arg32[%multiple_of3A_5, %dma_wait3A_33] : memref<4224x64xf32, #tpu.memory_space<vmem_shared>> -> memref<264x64xf32, #tpu.memory_space<vmem_shared>>
      %dma_wait3A_35 = arith.constant 0 : i32
      %dma_wait3A_36 = arith.constant 0 : i32
      %dma_wait3A_37 = tpu.memref_slice %arg22[%dma_wait3A_35, %dma_wait3A_36] : memref<648x64xf32, #tpu.memory_space<vmem>> -> memref<264x64xf32, #tpu.memory_space<vmem>>
      tpu.wait_dma2 semaphore(%run_scoped3A : memref<!tpu.dma_semaphore, #tpu.memory_space<semaphore_mem>>) src(%dma_wait3A_37 : memref<264x64xf32, #tpu.memory_space<vmem>>) dst(%dma_wait3A_34 : memref<264x64xf32, #tpu.memory_space<vmem_shared>>)
      tpu.yield
    }) : () -> ()
    %mul3A_6 = arith.constant 648 : i32
    %mul3A_7 = arith.muli %arg1, %mul3A_6 : i32
    %multiple_of3A_8 = tpu.assume_multiple %mul3A_7, 8 : i32
    %scan3A = arith.constant 0 : i32
    %scan3A_9 = arith.constant 0 : i32
    %scan3A_10 = arith.constant 10 : i32
    %scan3A_11 = arith.addi %scan3A_9, %scan3A_10 : i32
    %scan3A_12 = arith.constant 1 : i32
    scf.for %scan3A_20 = %scan3A_9 to %scan3A_11 step %scan3A_12  : i32 {
      %mul3A_21 = arith.constant 16 : i32
      %mul3A_22 = arith.muli %scan3A_20, %mul3A_21 : i32
      %get3A = arith.index_cast %mul3A_22 : i32 to index
      %get3A_23 = tpu.vector_load %arg21[%get3A] {strides = array<i32>} : memref<160xi32, #tpu.memory_space<vmem>>, vector<16xi32>,
      %eq3A = arith.constant 0 : i32
      %eq3A_24 = vector.broadcast %eq3A : i32 to vector<16xi32>
      %eq3A_25 = arith.cmpi eq, %iota3A, %eq3A_24 : vector<16xi32>
      %jit3A = arith.constant 0 : i32
      %broadcast_in_dim3A = vector.broadcast %jit3A : i32 to vector<16xi32>
      %select_n3A = arith.select %eq3A_25, %get3A_23, %broadcast_in_dim3A : vector<16xi1>, vector<16xi32>
      %reduce_max3A = arith.constant true
      %reduce_max3A_26 = vector.broadcast %reduce_max3A : i1 to vector<16xi1>
      %reduce_max3A_27 = arith.constant -2147483648 : i32
      %reduce_max3A_28 = vector.broadcast %reduce_max3A_27 : i32 to vector<16xi32>
      %reduce_max3A_29 = arith.xori %select_n3A, %reduce_max3A_28 : vector<16xi32>
      %reduce_max3A_30 = tpu.scan <max>, %reduce_max3A_29 masked %reduce_max3A_26 : vector<16xi32>, vector<16xi1> -> vector<16xi32>
      %reduce_max3A_31 = arith.xori %reduce_max3A_30, %reduce_max3A_28 : vector<16xi32>
      %reduce_max3A_32 = vector.extract %reduce_max3A_31[15] : i32 from vector<16xi32>
      %eq3A_33 = arith.constant 1 : i32
      %eq3A_34 = vector.broadcast %eq3A_33 : i32 to vector<16xi32>
      %eq3A_35 = arith.cmpi eq, %iota3A, %eq3A_34 : vector<16xi32>
      %jit3A_36 = arith.constant 0 : i32
      %broadcast_in_dim3A_37 = vector.broadcast %jit3A_36 : i32 to vector<16xi32>
      %select_n3A_38 = arith.select %eq3A_35, %get3A_23, %broadcast_in_dim3A_37 : vector<16xi1>, vector<16xi32>
      %reduce_max3A_39 = arith.constant true
      %reduce_max3A_40 = vector.broadcast %reduce_max3A_39 : i1 to vector<16xi1>
      %reduce_max3A_41 = arith.constant -2147483648 : i32
      %reduce_max3A_42 = vector.broadcast %reduce_max3A_41 : i32 to vector<16xi32>
      %reduce_max3A_43 = arith.xori %select_n3A_38, %reduce_max3A_42 : vector<16xi32>
      %reduce_max3A_44 = tpu.scan <max>, %reduce_max3A_43 masked %reduce_max3A_40 : vector<16xi32>, vector<16xi1> -> vector<16xi32>
      %reduce_max3A_45 = arith.xori %reduce_max3A_44, %reduce_max3A_42 : vector<16xi32>
      %reduce_max3A_46 = vector.extract %reduce_max3A_45[15] : i32 from vector<16xi32>
      %mul3A_47 = arith.constant 10 : i32
      %mul3A_48 = arith.muli %add3A, %mul3A_47 : i32
      %add3A_49 = arith.addi %mul3A_48, %scan3A_20 : i32
      %mul3A_50 = arith.constant 640 : i32
      %mul3A_51 = arith.muli %add3A_49, %mul3A_50 : i32
      %multiple_of3A_52 = tpu.assume_multiple %mul3A_51, 8 : i32
      "tpu.region"() ({
        %run_scoped3A = tpu.sem_alloc : memref<!tpu.dma_semaphore, #tpu.memory_space<semaphore_mem>>
        %dma_start3A = arith.constant 0 : i32
        %dma_start3A_93 = tpu.memref_slice %arg31[%multiple_of3A_8, %dma_start3A] : memref<10368x64xf32, #tpu.memory_space<vmem_shared>> -> memref<648x64xf32, #tpu.memory_space<vmem_shared>>
        %dma_start3A_94 = arith.constant 0 : i32
        %dma_start3A_95 = tpu.memref_slice %arg31[%multiple_of3A_8, %dma_start3A_94] : memref<10368x64xf32, #tpu.memory_space<vmem_shared>> -> memref<648x64xf32, #tpu.memory_space<vmem_shared>>
        tpu.enqueue_dma source(%arg22 : memref<648x64xf32, #tpu.memory_space<vmem>>) target(%dma_start3A_95 : memref<648x64xf32, #tpu.memory_space<vmem_shared>>) target_semaphore(%run_scoped3A : memref<!tpu.dma_semaphore, #tpu.memory_space<semaphore_mem>>)
        %dma_wait3A = arith.constant 0 : i32
        %dma_wait3A_96 = tpu.memref_slice %arg31[%multiple_of3A_8, %dma_wait3A] : memref<10368x64xf32, #tpu.memory_space<vmem_shared>> -> memref<648x64xf32, #tpu.memory_space<vmem_shared>>
        %dma_wait3A_97 = arith.constant 0 : i32
        %dma_wait3A_98 = tpu.memref_slice %arg31[%multiple_of3A_8, %dma_wait3A_97] : memref<10368x64xf32, #tpu.memory_space<vmem_shared>> -> memref<648x64xf32, #tpu.memory_space<vmem_shared>>
        tpu.wait_dma2 semaphore(%run_scoped3A : memref<!tpu.dma_semaphore, #tpu.memory_space<semaphore_mem>>) src(%arg22 : memref<648x64xf32, #tpu.memory_space<vmem>>) dst(%dma_wait3A_98 : memref<648x64xf32, #tpu.memory_space<vmem_shared>>)
        tpu.yield
      }) : () -> ()
      "tpu.region"() ({
        %run_scoped3A = tpu.sem_alloc : memref<!tpu.dma_semaphore, #tpu.memory_space<semaphore_mem>>
        %dma_start3A = tpu.memref_slice %arg5[%multiple_of3A_52] : memref<204800xi32, #tpu.memory_space<hbm>> -> memref<640xi32, #tpu.memory_space<hbm>>
        %dma_start3A_93 = tpu.memref_slice %arg5[%multiple_of3A_52] : memref<204800xi32, #tpu.memory_space<hbm>> -> memref<640xi32, #tpu.memory_space<hbm>>
        tpu.enqueue_dma source(%dma_start3A_93 : memref<640xi32, #tpu.memory_space<hbm>>) target(%arg20 : memref<640xi32, #tpu.memory_space<vmem>>) target_semaphore(%run_scoped3A : memref<!tpu.dma_semaphore, #tpu.memory_space<semaphore_mem>>)
        %dma_wait3A = tpu.memref_slice %arg5[%multiple_of3A_52] : memref<204800xi32, #tpu.memory_space<hbm>> -> memref<640xi32, #tpu.memory_space<hbm>>
        %dma_wait3A_94 = tpu.memref_slice %arg5[%multiple_of3A_52] : memref<204800xi32, #tpu.memory_space<hbm>> -> memref<640xi32, #tpu.memory_space<hbm>>
        tpu.wait_dma2 semaphore(%run_scoped3A : memref<!tpu.dma_semaphore, #tpu.memory_space<semaphore_mem>>) src(%dma_wait3A_94 : memref<640xi32, #tpu.memory_space<hbm>>) dst(%arg20 : memref<640xi32, #tpu.memory_space<vmem>>)
        tpu.yield
      }) : () -> ()
      %gt3A = arith.constant 0 : i32
      %gt3A_53 = arith.cmpi sgt, %reduce_max3A_46, %gt3A : i32
      %convert_element_type3A = arith.extui %gt3A_53 : i1 to i32
      %cond3A = arith.constant 0 : i32
      %cond3A_54 = arith.cmpi ne, %convert_element_type3A, %cond3A : i32
      scf.if %cond3A_54 {
        %multiple_of3A_93 = tpu.assume_multiple %reduce_max3A_32, 8 : i32
        %dma_start3A = tpu.memref_slice %arg3[%multiple_of3A_93] : memref<400256xi32, #tpu.memory_space<hbm>> -> memref<128xi32, #tpu.memory_space<hbm>>
        %dma_start3A_94 = tpu.memref_slice %arg3[%multiple_of3A_93] : memref<400256xi32, #tpu.memory_space<hbm>> -> memref<128xi32, #tpu.memory_space<hbm>>
        tpu.enqueue_dma source(%dma_start3A_94 : memref<128xi32, #tpu.memory_space<hbm>>) target(%arg10 : memref<128xi32, #tpu.memory_space<vmem>>) target_semaphore(%arg23 : memref<!tpu.dma_semaphore, #tpu.memory_space<semaphore_mem>>)
        %dma_start3A_95 = tpu.memref_slice %arg4[%multiple_of3A_93] : memref<400256xi32, #tpu.memory_space<hbm>> -> memref<128xi32, #tpu.memory_space<hbm>>
        %dma_start3A_96 = tpu.memref_slice %arg4[%multiple_of3A_93] : memref<400256xi32, #tpu.memory_space<hbm>> -> memref<128xi32, #tpu.memory_space<hbm>>
        tpu.enqueue_dma source(%dma_start3A_96 : memref<128xi32, #tpu.memory_space<hbm>>) target(%arg12 : memref<128xi32, #tpu.memory_space<vmem>>) target_semaphore(%arg23 : memref<!tpu.dma_semaphore, #tpu.memory_space<semaphore_mem>>)
      } else {
      }
      %add3A_55 = arith.constant 1 : i32
      %add3A_56 = arith.addi %reduce_max3A_46, %add3A_55 : i32
      %jit3A_57 = arith.constant 2 : i32
      %div3A = arith.divsi %add3A_56, %jit3A_57 : i32
      %sign3A = arith.constant 0 : i32
      %sign3A_58 = arith.cmpi sgt, %add3A_56, %sign3A : i32
      %sign3A_59 = arith.extui %sign3A_58 : i1 to i32
      %sign3A_60 = arith.constant 0 : i32
      %sign3A_61 = arith.cmpi slt, %add3A_56, %sign3A_60 : i32
      %sign3A_62 = arith.extui %sign3A_61 : i1 to i32
      %sign3A_63 = arith.subi %sign3A_59, %sign3A_62 : i32
      %sign3A_64 = arith.constant 0 : i32
      %sign3A_65 = arith.cmpi sgt, %jit3A_57, %sign3A_64 : i32
      %sign3A_66 = arith.extui %sign3A_65 : i1 to i32
      %sign3A_67 = arith.constant 0 : i32
      %sign3A_68 = arith.cmpi slt, %jit3A_57, %sign3A_67 : i32
      %sign3A_69 = arith.extui %sign3A_68 : i1 to i32
      %sign3A_70 = arith.subi %sign3A_66, %sign3A_69 : i32
      %ne3A = arith.cmpi ne, %sign3A_63, %sign3A_70 : i32
      %rem3A = arith.remsi %add3A_56, %jit3A_57 : i32
      %ne3A_71 = arith.constant 0 : i32
      %ne3A_72 = arith.cmpi ne, %rem3A, %ne3A_71 : i32
      %and3A = arith.andi %ne3A, %ne3A_72 : i1
      %sub3A = arith.constant 1 : i32
      %sub3A_73 = arith.subi %div3A, %sub3A : i32
      %select_n3A_74 = arith.select %and3A, %sub3A_73, %div3A : i32
      %while3A = arith.constant 0 : i32
      %while3A_75 = arith.constant 0 : i32
      %while3A_76 = arith.subi %select_n3A_74, %while3A_75 : i32
      %while3A_77 = arith.addi %while3A_75, %while3A_76 : i32
      %while3A_78 = arith.constant 1 : i32
      %while3A_79 = arith.divsi %while3A_76, %while3A_78 : i32
      %while3A_80 = arith.muli %while3A_79, %while3A_78 : i32
      %while3A_81 = arith.addi %while3A_75, %while3A_80 : i32
      %while3A_82 = arith.constant 1 : i32
      scf.for %while3A_93 = %while3A_75 to %while3A_81 step %while3A_82  : i32 {
        %mul3A_94 = arith.constant 2 : i32
        %mul3A_95 = arith.muli %while3A_93, %mul3A_94 : i32
        %add3A_96 = arith.constant 0 : i32
        %add3A_97 = arith.addi %mul3A_95, %add3A_96 : i32
        %lt3A = arith.cmpi slt, %add3A_97, %reduce_max3A_46 : i32
        %convert_element_type3A_98 = arith.extui %lt3A : i1 to i32
        %cond3A_99 = arith.constant 0 : i32
        %cond3A_100 = arith.cmpi ne, %convert_element_type3A_98, %cond3A_99 : i32
        scf.if %cond3A_100 {
          %ge3A_109 = arith.constant 2 : i32
          %ge3A_110 = arith.cmpi sge, %add3A_97, %ge3A_109 : i32
          %convert_element_type3A_111 = arith.extui %ge3A_110 : i1 to i32
          %cond3A_112 = arith.constant 0 : i32
          %cond3A_113 = arith.cmpi ne, %convert_element_type3A_111, %cond3A_112 : i32
          scf.if %cond3A_113 {
            %dma_wait3A_383 = arith.constant 0 : i32
            %dma_wait3A_384 = arith.constant 0 : i32
            %dma_wait3A_385 = tpu.memref_slice %arg2[%dma_wait3A_383, %dma_wait3A_384] : memref<100000x64xf32, #tpu.memory_space<hbm>> -> memref<128x64xf32, #tpu.memory_space<hbm>>
            %dma_wait3A_386 = arith.constant 0 : i32
            %dma_wait3A_387 = arith.constant 0 : i32
            %dma_wait3A_388 = tpu.memref_slice %arg2[%dma_wait3A_386, %dma_wait3A_387] : memref<100000x64xf32, #tpu.memory_space<hbm>> -> memref<128x64xf32, #tpu.memory_space<hbm>>
            tpu.wait_dma2 semaphore(%arg27 : memref<!tpu.dma_semaphore, #tpu.memory_space<semaphore_mem>>) src(%dma_wait3A_388 : memref<128x64xf32, #tpu.memory_space<hbm>>) dst(%arg18 : memref<128x64xf32, #tpu.memory_space<vmem>>)
            %dma_wait3A_389 = arith.constant 0 : i32
            %dma_wait3A_390 = arith.constant 0 : i32
            %dma_wait3A_391 = tpu.memref_slice %arg2[%dma_wait3A_389, %dma_wait3A_390] : memref<100000x64xf32, #tpu.memory_space<hbm>> -> memref<128x64xf32, #tpu.memory_space<hbm>>
            %dma_wait3A_392 = arith.constant 0 : i32
            %dma_wait3A_393 = arith.constant 0 : i32
            %dma_wait3A_394 = tpu.memref_slice %arg2[%dma_wait3A_392, %dma_wait3A_393] : memref<100000x64xf32, #tpu.memory_space<hbm>> -> memref<128x64xf32, #tpu.memory_space<hbm>>
            tpu.wait_dma2 semaphore(%arg29 : memref<!tpu.dma_semaphore, #tpu.memory_space<semaphore_mem>>) src(%dma_wait3A_394 : memref<128x64xf32, #tpu.memory_space<hbm>>) dst(%arg18 : memref<128x64xf32, #tpu.memory_space<vmem>>)
          } else {
          }
          %dma_wait3A = arith.constant 0 : i32
          %dma_wait3A_114 = arith.constant 0 : i32
          %dma_wait3A_115 = tpu.memref_slice %arg2[%dma_wait3A, %dma_wait3A_114] : memref<100000x64xf32, #tpu.memory_space<hbm>> -> memref<128x64xf32, #tpu.memory_space<hbm>>
          %dma_wait3A_116 = arith.constant 0 : i32
          %dma_wait3A_117 = arith.constant 0 : i32
          %dma_wait3A_118 = tpu.memref_slice %arg2[%dma_wait3A_116, %dma_wait3A_117] : memref<100000x64xf32, #tpu.memory_space<hbm>> -> memref<128x64xf32, #tpu.memory_space<hbm>>
          tpu.wait_dma2 semaphore(%arg23 : memref<!tpu.dma_semaphore, #tpu.memory_space<semaphore_mem>>) src(%dma_wait3A_118 : memref<128x64xf32, #tpu.memory_space<hbm>>) dst(%arg10 : memref<128xi32, #tpu.memory_space<vmem>>)
          %dma_wait3A_119 = arith.constant 0 : i32
          %dma_wait3A_120 = arith.constant 0 : i32
          %dma_wait3A_121 = tpu.memref_slice %arg2[%dma_wait3A_119, %dma_wait3A_120] : memref<100000x64xf32, #tpu.memory_space<hbm>> -> memref<128x64xf32, #tpu.memory_space<hbm>>
          %dma_wait3A_122 = arith.constant 0 : i32
          %dma_wait3A_123 = arith.constant 0 : i32
          %dma_wait3A_124 = tpu.memref_slice %arg2[%dma_wait3A_122, %dma_wait3A_123] : memref<100000x64xf32, #tpu.memory_space<hbm>> -> memref<128x64xf32, #tpu.memory_space<hbm>>
          tpu.wait_dma2 semaphore(%arg23 : memref<!tpu.dma_semaphore, #tpu.memory_space<semaphore_mem>>) src(%dma_wait3A_124 : memref<128x64xf32, #tpu.memory_space<hbm>>) dst(%arg12 : memref<128xi32, #tpu.memory_space<vmem>>)
          %add3A_125 = arith.constant 1 : i32
          %add3A_126 = arith.addi %add3A_97, %add3A_125 : i32
          %lt3A_127 = arith.cmpi slt, %add3A_126, %reduce_max3A_46 : i32
          %convert_element_type3A_128 = arith.extui %lt3A_127 : i1 to i32
          %cond3A_129 = arith.constant 0 : i32
          %cond3A_130 = arith.cmpi ne, %convert_element_type3A_128, %cond3A_129 : i32
          scf.if %cond3A_130 {
            %add3A_383 = arith.constant 1 : i32
            %add3A_384 = arith.addi %add3A_97, %add3A_383 : i32
            %mul3A_385 = arith.constant 128 : i32
            %mul3A_386 = arith.muli %add3A_384, %mul3A_385 : i32
            %add3A_387 = arith.addi %reduce_max3A_32, %mul3A_386 : i32
            %multiple_of3A_388 = tpu.assume_multiple %add3A_387, 8 : i32
            %dma_start3A_389 = tpu.memref_slice %arg3[%multiple_of3A_388] : memref<400256xi32, #tpu.memory_space<hbm>> -> memref<128xi32, #tpu.memory_space<hbm>>
            %dma_start3A_390 = tpu.memref_slice %arg3[%multiple_of3A_388] : memref<400256xi32, #tpu.memory_space<hbm>> -> memref<128xi32, #tpu.memory_space<hbm>>
            tpu.enqueue_dma source(%dma_start3A_390 : memref<128xi32, #tpu.memory_space<hbm>>) target(%arg11 : memref<128xi32, #tpu.memory_space<vmem>>) target_semaphore(%arg24 : memref<!tpu.dma_semaphore, #tpu.memory_space<semaphore_mem>>)
            %dma_start3A_391 = tpu.memref_slice %arg4[%multiple_of3A_388] : memref<400256xi32, #tpu.memory_space<hbm>> -> memref<128xi32, #tpu.memory_space<hbm>>
            %dma_start3A_392 = tpu.memref_slice %arg4[%multiple_of3A_388] : memref<400256xi32, #tpu.memory_space<hbm>> -> memref<128xi32, #tpu.memory_space<hbm>>
            tpu.enqueue_dma source(%dma_start3A_392 : memref<128xi32, #tpu.memory_space<hbm>>) target(%arg13 : memref<128xi32, #tpu.memory_space<vmem>>) target_semaphore(%arg24 : memref<!tpu.dma_semaphore, #tpu.memory_space<semaphore_mem>>)
          } else {
          }
          %dma_start3A = arith.constant 0 : i32
          %dma_start3A_131 = arith.constant 0 : i32
          %dma_start3A_132 = tpu.memref_slice %arg2[%dma_start3A, %dma_start3A_131] : memref<100000x64xf32, #tpu.memory_space<hbm>> -> memref<100000x64xf32, #tpu.memory_space<hbm>>
          tpu.enqueue_indirect_dma source(%dma_start3A_132 : memref<100000x64xf32, #tpu.memory_space<hbm>>) target(%arg18 : memref<128x64xf32, #tpu.memory_space<vmem>>) offsets(%arg10 : memref<128xi32, #tpu.memory_space<vmem>>) semaphore(%arg25 : memref<!tpu.dma_semaphore, #tpu.memory_space<semaphore_mem>>)
          %get3A_133 = arith.constant 0 : index
          %get3A_134 = tpu.vector_load %arg12[%get3A_133] {strides = array<i32>} : memref<128xi32, #tpu.memory_space<vmem>>, vector<16xi32>,
          %ge3A_135 = vector.broadcast %multiple_of3A_52 : i32 to vector<16xi32>
          %ge3A_136 = arith.cmpi sge, %get3A_134, %ge3A_135 : vector<16xi32>
          %add3A_137 = arith.constant 640 : i32
          %add3A_138 = arith.addi %multiple_of3A_52, %add3A_137 : i32
          %lt3A_139 = vector.broadcast %add3A_138 : i32 to vector<16xi32>
          %lt3A_140 = arith.cmpi slt, %get3A_134, %lt3A_139 : vector<16xi32>
          %and3A_141 = arith.andi %ge3A_136, %lt3A_140 : vector<16xi1>
          %sub3A_142 = vector.broadcast %multiple_of3A_52 : i32 to vector<16xi32>
          %sub3A_143 = arith.subi %get3A_134, %sub3A_142 : vector<16xi32>
          %jit3A_144 = arith.constant 640 : i32
          %broadcast_in_dim3A_145 = vector.broadcast %jit3A_144 : i32 to vector<16xi32>
          %select_n3A_146 = arith.select %and3A_141, %sub3A_143, %broadcast_in_dim3A_145 : vector<16xi1>, vector<16xi32>
          %add3A_147 = vector.broadcast %multiple_of3A_8 : i32 to vector<16xi32>
          %add3A_148 = arith.addi %select_n3A_146, %add3A_147 : vector<16xi32>
          %swap3A = arith.constant 0 : index
          %swap3A_149 = tpu.vector_load %arg14[%swap3A] {strides = array<i32>} : memref<128xi32, #tpu.memory_space<vmem>>, vector<16xi32>,
          tpu.vector_store %arg14[%swap3A], %add3A_148 {strides = array<i32>} : memref<128xi32, #tpu.memory_space<vmem>>, vector<16xi32>,
          %jit3A_150 = arith.constant 0 : i32
          %broadcast_in_dim3A_151 = vector.broadcast %jit3A_150 : i32 to vector<16xi32>
          %select_n3A_152 = arith.select %and3A_141, %select_n3A_146, %broadcast_in_dim3A_151 : vector<16xi1>, vector<16xi32>
          %gather3A = tpu.vector_load_idx %arg20[%select_n3A_152] : memref<640xi32, #tpu.memory_space<vmem>>[vector<16xi32>], vector<16xi32>,
          %add3A_153 = vector.broadcast %multiple_of3A_5 : i32 to vector<16xi32>
          %add3A_154 = arith.addi %gather3A, %add3A_153 : vector<16xi32>
          %add3A_155 = arith.constant 256 : i32
          %add3A_156 = arith.addi %multiple_of3A_5, %add3A_155 : i32
          %broadcast_in_dim3A_157 = vector.broadcast %add3A_156 : i32 to vector<16xi32>
          %select_n3A_158 = arith.select %and3A_141, %add3A_154, %broadcast_in_dim3A_157 : vector<16xi1>, vector<16xi32>
          %swap3A_159 = arith.constant 0 : index
          %swap3A_160 = tpu.vector_load %arg16[%swap3A_159] {strides = array<i32>} : memref<128xi32, #tpu.memory_space<vmem>>, vector<16xi32>,
          tpu.vector_store %arg16[%swap3A_159], %select_n3A_158 {strides = array<i32>} : memref<128xi32, #tpu.memory_space<vmem>>, vector<16xi32>,
          %get3A_161 = arith.constant 16 : index
          %get3A_162 = tpu.vector_load %arg12[%get3A_161] {strides = array<i32>} : memref<128xi32, #tpu.memory_space<vmem>>, vector<16xi32>,
          %ge3A_163 = vector.broadcast %multiple_of3A_52 : i32 to vector<16xi32>
          %ge3A_164 = arith.cmpi sge, %get3A_162, %ge3A_163 : vector<16xi32>
          %add3A_165 = arith.constant 640 : i32
          %add3A_166 = arith.addi %multiple_of3A_52, %add3A_165 : i32
          %lt3A_167 = vector.broadcast %add3A_166 : i32 to vector<16xi32>
          %lt3A_168 = arith.cmpi slt, %get3A_162, %lt3A_167 : vector<16xi32>
          %and3A_169 = arith.andi %ge3A_164, %lt3A_168 : vector<16xi1>
          %sub3A_170 = vector.broadcast %multiple_of3A_52 : i32 to vector<16xi32>
          %sub3A_171 = arith.subi %get3A_162, %sub3A_170 : vector<16xi32>
          %jit3A_172 = arith.constant 640 : i32
          %broadcast_in_dim3A_173 = vector.broadcast %jit3A_172 : i32 to vector<16xi32>
          %select_n3A_174 = arith.select %and3A_169, %sub3A_171, %broadcast_in_dim3A_173 : vector<16xi1>, vector<16xi32>
          %add3A_175 = vector.broadcast %multiple_of3A_8 : i32 to vector<16xi32>
          %add3A_176 = arith.addi %select_n3A_174, %add3A_175 : vector<16xi32>
          %swap3A_177 = arith.constant 16 : index
          %swap3A_178 = tpu.vector_load %arg14[%swap3A_177] {strides = array<i32>} : memref<128xi32, #tpu.memory_space<vmem>>, vector<16xi32>,
          tpu.vector_store %arg14[%swap3A_177], %add3A_176 {strides = array<i32>} : memref<128xi32, #tpu.memory_space<vmem>>, vector<16xi32>,
          %jit3A_179 = arith.constant 0 : i32
          %broadcast_in_dim3A_180 = vector.broadcast %jit3A_179 : i32 to vector<16xi32>
          %select_n3A_181 = arith.select %and3A_169, %select_n3A_174, %broadcast_in_dim3A_180 : vector<16xi1>, vector<16xi32>
          %gather3A_182 = tpu.vector_load_idx %arg20[%select_n3A_181] : memref<640xi32, #tpu.memory_space<vmem>>[vector<16xi32>], vector<16xi32>,
          %add3A_183 = vector.broadcast %multiple_of3A_5 : i32 to vector<16xi32>
          %add3A_184 = arith.addi %gather3A_182, %add3A_183 : vector<16xi32>
          %add3A_185 = arith.constant 256 : i32
          %add3A_186 = arith.addi %multiple_of3A_5, %add3A_185 : i32
          %broadcast_in_dim3A_187 = vector.broadcast %add3A_186 : i32 to vector<16xi32>
          %select_n3A_188 = arith.select %and3A_169, %add3A_184, %broadcast_in_dim3A_187 : vector<16xi1>, vector<16xi32>
          %swap3A_189 = arith.constant 16 : index
          %swap3A_190 = tpu.vector_load %arg16[%swap3A_189] {strides = array<i32>} : memref<128xi32, #tpu.memory_space<vmem>>, vector<16xi32>,
          tpu.vector_store %arg16[%swap3A_189], %select_n3A_188 {strides = array<i32>} : memref<128xi32, #tpu.memory_space<vmem>>, vector<16xi32>,
          %get3A_191 = arith.constant 32 : index
          %get3A_192 = tpu.vector_load %arg12[%get3A_191] {strides = array<i32>} : memref<128xi32, #tpu.memory_space<vmem>>, vector<16xi32>,
          %ge3A_193 = vector.broadcast %multiple_of3A_52 : i32 to vector<16xi32>
          %ge3A_194 = arith.cmpi sge, %get3A_192, %ge3A_193 : vector<16xi32>
          %add3A_195 = arith.constant 640 : i32
          %add3A_196 = arith.addi %multiple_of3A_52, %add3A_195 : i32
          %lt3A_197 = vector.broadcast %add3A_196 : i32 to vector<16xi32>
          %lt3A_198 = arith.cmpi slt, %get3A_192, %lt3A_197 : vector<16xi32>
          %and3A_199 = arith.andi %ge3A_194, %lt3A_198 : vector<16xi1>
          %sub3A_200 = vector.broadcast %multiple_of3A_52 : i32 to vector<16xi32>
          %sub3A_201 = arith.subi %get3A_192, %sub3A_200 : vector<16xi32>
          %jit3A_202 = arith.constant 640 : i32
          %broadcast_in_dim3A_203 = vector.broadcast %jit3A_202 : i32 to vector<16xi32>
          %select_n3A_204 = arith.select %and3A_199, %sub3A_201, %broadcast_in_dim3A_203 : vector<16xi1>, vector<16xi32>
          %add3A_205 = vector.broadcast %multiple_of3A_8 : i32 to vector<16xi32>
          %add3A_206 = arith.addi %select_n3A_204, %add3A_205 : vector<16xi32>
          %swap3A_207 = arith.constant 32 : index
          %swap3A_208 = tpu.vector_load %arg14[%swap3A_207] {strides = array<i32>} : memref<128xi32, #tpu.memory_space<vmem>>, vector<16xi32>,
          tpu.vector_store %arg14[%swap3A_207], %add3A_206 {strides = array<i32>} : memref<128xi32, #tpu.memory_space<vmem>>, vector<16xi32>,
          %jit3A_209 = arith.constant 0 : i32
          %broadcast_in_dim3A_210 = vector.broadcast %jit3A_209 : i32 to vector<16xi32>
          %select_n3A_211 = arith.select %and3A_199, %select_n3A_204, %broadcast_in_dim3A_210 : vector<16xi1>, vector<16xi32>
          %gather3A_212 = tpu.vector_load_idx %arg20[%select_n3A_211] : memref<640xi32, #tpu.memory_space<vmem>>[vector<16xi32>], vector<16xi32>,
          %add3A_213 = vector.broadcast %multiple_of3A_5 : i32 to vector<16xi32>
          %add3A_214 = arith.addi %gather3A_212, %add3A_213 : vector<16xi32>
          %add3A_215 = arith.constant 256 : i32
          %add3A_216 = arith.addi %multiple_of3A_5, %add3A_215 : i32
          %broadcast_in_dim3A_217 = vector.broadcast %add3A_216 : i32 to vector<16xi32>
          %select_n3A_218 = arith.select %and3A_199, %add3A_214, %broadcast_in_dim3A_217 : vector<16xi1>, vector<16xi32>
          %swap3A_219 = arith.constant 32 : index
          %swap3A_220 = tpu.vector_load %arg16[%swap3A_219] {strides = array<i32>} : memref<128xi32, #tpu.memory_space<vmem>>, vector<16xi32>,
          tpu.vector_store %arg16[%swap3A_219], %select_n3A_218 {strides = array<i32>} : memref<128xi32, #tpu.memory_space<vmem>>, vector<16xi32>,
          %get3A_221 = arith.constant 48 : index
          %get3A_222 = tpu.vector_load %arg12[%get3A_221] {strides = array<i32>} : memref<128xi32, #tpu.memory_space<vmem>>, vector<16xi32>,
          %ge3A_223 = vector.broadcast %multiple_of3A_52 : i32 to vector<16xi32>
          %ge3A_224 = arith.cmpi sge, %get3A_222, %ge3A_223 : vector<16xi32>
          %add3A_225 = arith.constant 640 : i32
          %add3A_226 = arith.addi %multiple_of3A_52, %add3A_225 : i32
          %lt3A_227 = vector.broadcast %add3A_226 : i32 to vector<16xi32>
          %lt3A_228 = arith.cmpi slt, %get3A_222, %lt3A_227 : vector<16xi32>
          %and3A_229 = arith.andi %ge3A_224, %lt3A_228 : vector<16xi1>
          %sub3A_230 = vector.broadcast %multiple_of3A_52 : i32 to vector<16xi32>
          %sub3A_231 = arith.subi %get3A_222, %sub3A_230 : vector<16xi32>
          %jit3A_232 = arith.constant 640 : i32
          %broadcast_in_dim3A_233 = vector.broadcast %jit3A_232 : i32 to vector<16xi32>
          %select_n3A_234 = arith.select %and3A_229, %sub3A_231, %broadcast_in_dim3A_233 : vector<16xi1>, vector<16xi32>
          %add3A_235 = vector.broadcast %multiple_of3A_8 : i32 to vector<16xi32>
          %add3A_236 = arith.addi %select_n3A_234, %add3A_235 : vector<16xi32>
          %swap3A_237 = arith.constant 48 : index
          %swap3A_238 = tpu.vector_load %arg14[%swap3A_237] {strides = array<i32>} : memref<128xi32, #tpu.memory_space<vmem>>, vector<16xi32>,
          tpu.vector_store %arg14[%swap3A_237], %add3A_236 {strides = array<i32>} : memref<128xi32, #tpu.memory_space<vmem>>, vector<16xi32>,
          %jit3A_239 = arith.constant 0 : i32
          %broadcast_in_dim3A_240 = vector.broadcast %jit3A_239 : i32 to vector<16xi32>
          %select_n3A_241 = arith.select %and3A_229, %select_n3A_234, %broadcast_in_dim3A_240 : vector<16xi1>, vector<16xi32>
          %gather3A_242 = tpu.vector_load_idx %arg20[%select_n3A_241] : memref<640xi32, #tpu.memory_space<vmem>>[vector<16xi32>], vector<16xi32>,
          %add3A_243 = vector.broadcast %multiple_of3A_5 : i32 to vector<16xi32>
          %add3A_244 = arith.addi %gather3A_242, %add3A_243 : vector<16xi32>
          %add3A_245 = arith.constant 256 : i32
          %add3A_246 = arith.addi %multiple_of3A_5, %add3A_245 : i32
          %broadcast_in_dim3A_247 = vector.broadcast %add3A_246 : i32 to vector<16xi32>
          %select_n3A_248 = arith.select %and3A_229, %add3A_244, %broadcast_in_dim3A_247 : vector<16xi1>, vector<16xi32>
          %swap3A_249 = arith.constant 48 : index
          %swap3A_250 = tpu.vector_load %arg16[%swap3A_249] {strides = array<i32>} : memref<128xi32, #tpu.memory_space<vmem>>, vector<16xi32>,
          tpu.vector_store %arg16[%swap3A_249], %select_n3A_248 {strides = array<i32>} : memref<128xi32, #tpu.memory_space<vmem>>, vector<16xi32>,
          %get3A_251 = arith.constant 64 : index
          %get3A_252 = tpu.vector_load %arg12[%get3A_251] {strides = array<i32>} : memref<128xi32, #tpu.memory_space<vmem>>, vector<16xi32>,
          %ge3A_253 = vector.broadcast %multiple_of3A_52 : i32 to vector<16xi32>
          %ge3A_254 = arith.cmpi sge, %get3A_252, %ge3A_253 : vector<16xi32>
          %add3A_255 = arith.constant 640 : i32
          %add3A_256 = arith.addi %multiple_of3A_52, %add3A_255 : i32
          %lt3A_257 = vector.broadcast %add3A_256 : i32 to vector<16xi32>
          %lt3A_258 = arith.cmpi slt, %get3A_252, %lt3A_257 : vector<16xi32>
          %and3A_259 = arith.andi %ge3A_254, %lt3A_258 : vector<16xi1>
          %sub3A_260 = vector.broadcast %multiple_of3A_52 : i32 to vector<16xi32>
          %sub3A_261 = arith.subi %get3A_252, %sub3A_260 : vector<16xi32>
          %jit3A_262 = arith.constant 640 : i32
          %broadcast_in_dim3A_263 = vector.broadcast %jit3A_262 : i32 to vector<16xi32>
          %select_n3A_264 = arith.select %and3A_259, %sub3A_261, %broadcast_in_dim3A_263 : vector<16xi1>, vector<16xi32>
          %add3A_265 = vector.broadcast %multiple_of3A_8 : i32 to vector<16xi32>
          %add3A_266 = arith.addi %select_n3A_264, %add3A_265 : vector<16xi32>
          %swap3A_267 = arith.constant 64 : index
          %swap3A_268 = tpu.vector_load %arg14[%swap3A_267] {strides = array<i32>} : memref<128xi32, #tpu.memory_space<vmem>>, vector<16xi32>,
          tpu.vector_store %arg14[%swap3A_267], %add3A_266 {strides = array<i32>} : memref<128xi32, #tpu.memory_space<vmem>>, vector<16xi32>,
          %jit3A_269 = arith.constant 0 : i32
          %broadcast_in_dim3A_270 = vector.broadcast %jit3A_269 : i32 to vector<16xi32>
          %select_n3A_271 = arith.select %and3A_259, %select_n3A_264, %broadcast_in_dim3A_270 : vector<16xi1>, vector<16xi32>
          %gather3A_272 = tpu.vector_load_idx %arg20[%select_n3A_271] : memref<640xi32, #tpu.memory_space<vmem>>[vector<16xi32>], vector<16xi32>,
          %add3A_273 = vector.broadcast %multiple_of3A_5 : i32 to vector<16xi32>
          %add3A_274 = arith.addi %gather3A_272, %add3A_273 : vector<16xi32>
          %add3A_275 = arith.constant 256 : i32
          %add3A_276 = arith.addi %multiple_of3A_5, %add3A_275 : i32
          %broadcast_in_dim3A_277 = vector.broadcast %add3A_276 : i32 to vector<16xi32>
          %select_n3A_278 = arith.select %and3A_259, %add3A_274, %broadcast_in_dim3A_277 : vector<16xi1>, vector<16xi32>
          %swap3A_279 = arith.constant 64 : index
          %swap3A_280 = tpu.vector_load %arg16[%swap3A_279] {strides = array<i32>} : memref<128xi32, #tpu.memory_space<vmem>>, vector<16xi32>,
          tpu.vector_store %arg16[%swap3A_279], %select_n3A_278 {strides = array<i32>} : memref<128xi32, #tpu.memory_space<vmem>>, vector<16xi32>,
          %get3A_281 = arith.constant 80 : index
          %get3A_282 = tpu.vector_load %arg12[%get3A_281] {strides = array<i32>} : memref<128xi32, #tpu.memory_space<vmem>>, vector<16xi32>,
          %ge3A_283 = vector.broadcast %multiple_of3A_52 : i32 to vector<16xi32>
          %ge3A_284 = arith.cmpi sge, %get3A_282, %ge3A_283 : vector<16xi32>
          %add3A_285 = arith.constant 640 : i32
          %add3A_286 = arith.addi %multiple_of3A_52, %add3A_285 : i32
          %lt3A_287 = vector.broadcast %add3A_286 : i32 to vector<16xi32>
          %lt3A_288 = arith.cmpi slt, %get3A_282, %lt3A_287 : vector<16xi32>
          %and3A_289 = arith.andi %ge3A_284, %lt3A_288 : vector<16xi1>
          %sub3A_290 = vector.broadcast %multiple_of3A_52 : i32 to vector<16xi32>
          %sub3A_291 = arith.subi %get3A_282, %sub3A_290 : vector<16xi32>
          %jit3A_292 = arith.constant 640 : i32
          %broadcast_in_dim3A_293 = vector.broadcast %jit3A_292 : i32 to vector<16xi32>
          %select_n3A_294 = arith.select %and3A_289, %sub3A_291, %broadcast_in_dim3A_293 : vector<16xi1>, vector<16xi32>
          %add3A_295 = vector.broadcast %multiple_of3A_8 : i32 to vector<16xi32>
          %add3A_296 = arith.addi %select_n3A_294, %add3A_295 : vector<16xi32>
          %swap3A_297 = arith.constant 80 : index
          %swap3A_298 = tpu.vector_load %arg14[%swap3A_297] {strides = array<i32>} : memref<128xi32, #tpu.memory_space<vmem>>, vector<16xi32>,
          tpu.vector_store %arg14[%swap3A_297], %add3A_296 {strides = array<i32>} : memref<128xi32, #tpu.memory_space<vmem>>, vector<16xi32>,
          %jit3A_299 = arith.constant 0 : i32
          %broadcast_in_dim3A_300 = vector.broadcast %jit3A_299 : i32 to vector<16xi32>
          %select_n3A_301 = arith.select %and3A_289, %select_n3A_294, %broadcast_in_dim3A_300 : vector<16xi1>, vector<16xi32>
          %gather3A_302 = tpu.vector_load_idx %arg20[%select_n3A_301] : memref<640xi32, #tpu.memory_space<vmem>>[vector<16xi32>], vector<16xi32>,
          %add3A_303 = vector.broadcast %multiple_of3A_5 : i32 to vector<16xi32>
          %add3A_304 = arith.addi %gather3A_302, %add3A_303 : vector<16xi32>
          %add3A_305 = arith.constant 256 : i32
          %add3A_306 = arith.addi %multiple_of3A_5, %add3A_305 : i32
          %broadcast_in_dim3A_307 = vector.broadcast %add3A_306 : i32 to vector<16xi32>
          %select_n3A_308 = arith.select %and3A_289, %add3A_304, %broadcast_in_dim3A_307 : vector<16xi1>, vector<16xi32>
          %swap3A_309 = arith.constant 80 : index
          %swap3A_310 = tpu.vector_load %arg16[%swap3A_309] {strides = array<i32>} : memref<128xi32, #tpu.memory_space<vmem>>, vector<16xi32>,
          tpu.vector_store %arg16[%swap3A_309], %select_n3A_308 {strides = array<i32>} : memref<128xi32, #tpu.memory_space<vmem>>, vector<16xi32>,
          %get3A_311 = arith.constant 96 : index
          %get3A_312 = tpu.vector_load %arg12[%get3A_311] {strides = array<i32>} : memref<128xi32, #tpu.memory_space<vmem>>, vector<16xi32>,
          %ge3A_313 = vector.broadcast %multiple_of3A_52 : i32 to vector<16xi32>
          %ge3A_314 = arith.cmpi sge, %get3A_312, %ge3A_313 : vector<16xi32>
          %add3A_315 = arith.constant 640 : i32
          %add3A_316 = arith.addi %multiple_of3A_52, %add3A_315 : i32
          %lt3A_317 = vector.broadcast %add3A_316 : i32 to vector<16xi32>
          %lt3A_318 = arith.cmpi slt, %get3A_312, %lt3A_317 : vector<16xi32>
          %and3A_319 = arith.andi %ge3A_314, %lt3A_318 : vector<16xi1>
          %sub3A_320 = vector.broadcast %multiple_of3A_52 : i32 to vector<16xi32>
          %sub3A_321 = arith.subi %get3A_312, %sub3A_320 : vector<16xi32>
          %jit3A_322 = arith.constant 640 : i32
          %broadcast_in_dim3A_323 = vector.broadcast %jit3A_322 : i32 to vector<16xi32>
          %select_n3A_324 = arith.select %and3A_319, %sub3A_321, %broadcast_in_dim3A_323 : vector<16xi1>, vector<16xi32>
          %add3A_325 = vector.broadcast %multiple_of3A_8 : i32 to vector<16xi32>
          %add3A_326 = arith.addi %select_n3A_324, %add3A_325 : vector<16xi32>
          %swap3A_327 = arith.constant 96 : index
          %swap3A_328 = tpu.vector_load %arg14[%swap3A_327] {strides = array<i32>} : memref<128xi32, #tpu.memory_space<vmem>>, vector<16xi32>,
          tpu.vector_store %arg14[%swap3A_327], %add3A_326 {strides = array<i32>} : memref<128xi32, #tpu.memory_space<vmem>>, vector<16xi32>,
          %jit3A_329 = arith.constant 0 : i32
          %broadcast_in_dim3A_330 = vector.broadcast %jit3A_329 : i32 to vector<16xi32>
          %select_n3A_331 = arith.select %and3A_319, %select_n3A_324, %broadcast_in_dim3A_330 : vector<16xi1>, vector<16xi32>
          %gather3A_332 = tpu.vector_load_idx %arg20[%select_n3A_331] : memref<640xi32, #tpu.memory_space<vmem>>[vector<16xi32>], vector<16xi32>,
          %add3A_333 = vector.broadcast %multiple_of3A_5 : i32 to vector<16xi32>
          %add3A_334 = arith.addi %gather3A_332, %add3A_333 : vector<16xi32>
          %add3A_335 = arith.constant 256 : i32
          %add3A_336 = arith.addi %multiple_of3A_5, %add3A_335 : i32
          %broadcast_in_dim3A_337 = vector.broadcast %add3A_336 : i32 to vector<16xi32>
          %select_n3A_338 = arith.select %and3A_319, %add3A_334, %broadcast_in_dim3A_337 : vector<16xi1>, vector<16xi32>
          %swap3A_339 = arith.constant 96 : index
          %swap3A_340 = tpu.vector_load %arg16[%swap3A_339] {strides = array<i32>} : memref<128xi32, #tpu.memory_space<vmem>>, vector<16xi32>,
          tpu.vector_store %arg16[%swap3A_339], %select_n3A_338 {strides = array<i32>} : memref<128xi32, #tpu.memory_space<vmem>>, vector<16xi32>,
          %get3A_341 = arith.constant 112 : index
          %get3A_342 = tpu.vector_load %arg12[%get3A_341] {strides = array<i32>} : memref<128xi32, #tpu.memory_space<vmem>>, vector<16xi32>,
          %ge3A_343 = vector.broadcast %multiple_of3A_52 : i32 to vector<16xi32>
          %ge3A_344 = arith.cmpi sge, %get3A_342, %ge3A_343 : vector<16xi32>
          %add3A_345 = arith.constant 640 : i32
          %add3A_346 = arith.addi %multiple_of3A_52, %add3A_345 : i32
          %lt3A_347 = vector.broadcast %add3A_346 : i32 to vector<16xi32>
          %lt3A_348 = arith.cmpi slt, %get3A_342, %lt3A_347 : vector<16xi32>
          %and3A_349 = arith.andi %ge3A_344, %lt3A_348 : vector<16xi1>
          %sub3A_350 = vector.broadcast %multiple_of3A_52 : i32 to vector<16xi32>
          %sub3A_351 = arith.subi %get3A_342, %sub3A_350 : vector<16xi32>
          %jit3A_352 = arith.constant 640 : i32
          %broadcast_in_dim3A_353 = vector.broadcast %jit3A_352 : i32 to vector<16xi32>
          %select_n3A_354 = arith.select %and3A_349, %sub3A_351, %broadcast_in_dim3A_353 : vector<16xi1>, vector<16xi32>
          %add3A_355 = vector.broadcast %multiple_of3A_8 : i32 to vector<16xi32>
          %add3A_356 = arith.addi %select_n3A_354, %add3A_355 : vector<16xi32>
          %swap3A_357 = arith.constant 112 : index
          %swap3A_358 = tpu.vector_load %arg14[%swap3A_357] {strides = array<i32>} : memref<128xi32, #tpu.memory_space<vmem>>, vector<16xi32>,
          tpu.vector_store %arg14[%swap3A_357], %add3A_356 {strides = array<i32>} : memref<128xi32, #tpu.memory_space<vmem>>, vector<16xi32>,
          %jit3A_359 = arith.constant 0 : i32
          %broadcast_in_dim3A_360 = vector.broadcast %jit3A_359 : i32 to vector<16xi32>
          %select_n3A_361 = arith.select %and3A_349, %select_n3A_354, %broadcast_in_dim3A_360 : vector<16xi1>, vector<16xi32>
          %gather3A_362 = tpu.vector_load_idx %arg20[%select_n3A_361] : memref<640xi32, #tpu.memory_space<vmem>>[vector<16xi32>], vector<16xi32>,
          %add3A_363 = vector.broadcast %multiple_of3A_5 : i32 to vector<16xi32>
          %add3A_364 = arith.addi %gather3A_362, %add3A_363 : vector<16xi32>
          %add3A_365 = arith.constant 256 : i32
          %add3A_366 = arith.addi %multiple_of3A_5, %add3A_365 : i32
          %broadcast_in_dim3A_367 = vector.broadcast %add3A_366 : i32 to vector<16xi32>
          %select_n3A_368 = arith.select %and3A_349, %add3A_364, %broadcast_in_dim3A_367 : vector<16xi1>, vector<16xi32>
          %swap3A_369 = arith.constant 112 : index
          %swap3A_370 = tpu.vector_load %arg16[%swap3A_369] {strides = array<i32>} : memref<128xi32, #tpu.memory_space<vmem>>, vector<16xi32>,
          tpu.vector_store %arg16[%swap3A_369], %select_n3A_368 {strides = array<i32>} : memref<128xi32, #tpu.memory_space<vmem>>, vector<16xi32>,
          %dma_wait3A_371 = arith.constant 0 : i32
          %dma_wait3A_372 = arith.constant 0 : i32
          %dma_wait3A_373 = tpu.memref_slice %arg2[%dma_wait3A_371, %dma_wait3A_372] : memref<100000x64xf32, #tpu.memory_space<hbm>> -> memref<128x64xf32, #tpu.memory_space<hbm>>
          %dma_wait3A_374 = arith.constant 0 : i32
          %dma_wait3A_375 = arith.constant 0 : i32
          %dma_wait3A_376 = tpu.memref_slice %arg2[%dma_wait3A_374, %dma_wait3A_375] : memref<100000x64xf32, #tpu.memory_space<hbm>> -> memref<128x64xf32, #tpu.memory_space<hbm>>
          tpu.wait_dma2 semaphore(%arg25 : memref<!tpu.dma_semaphore, #tpu.memory_space<semaphore_mem>>) src(%dma_wait3A_376 : memref<128x64xf32, #tpu.memory_space<hbm>>) dst(%arg18 : memref<128x64xf32, #tpu.memory_space<vmem>>)
          %dma_start3A_377 = arith.constant 0 : i32
          %dma_start3A_378 = arith.constant 0 : i32
          %dma_start3A_379 = tpu.memref_slice %arg31[%dma_start3A_377, %dma_start3A_378] : memref<10368x64xf32, #tpu.memory_space<vmem_shared>> -> memref<10368x64xf32, #tpu.memory_space<vmem_shared>>
          tpu.enqueue_indirect_dma source(%arg18 : memref<128x64xf32, #tpu.memory_space<vmem>>) target(%dma_start3A_379 : memref<10368x64xf32, #tpu.memory_space<vmem_shared>>) offsets(%arg14 : memref<128xi32, #tpu.memory_space<vmem>>) semaphore(%arg27 : memref<!tpu.dma_semaphore, #tpu.memory_space<semaphore_mem>>) {add = true}
          %dma_start3A_380 = arith.constant 0 : i32
          %dma_start3A_381 = arith.constant 0 : i32
          %dma_start3A_382 = tpu.memref_slice %arg32[%dma_start3A_380, %dma_start3A_381] : memref<4224x64xf32, #tpu.memory_space<vmem_shared>> -> memref<4224x64xf32, #tpu.memory_space<vmem_shared>>
          tpu.enqueue_indirect_dma source(%arg18 : memref<128x64xf32, #tpu.memory_space<vmem>>) target(%dma_start3A_382 : memref<4224x64xf32, #tpu.memory_space<vmem_shared>>) offsets(%arg16 : memref<128xi32, #tpu.memory_space<vmem>>) semaphore(%arg29 : memref<!tpu.dma_semaphore, #tpu.memory_space<semaphore_mem>>) {add = true}
        } else {
        }
        %mul3A_101 = arith.constant 2 : i32
        %mul3A_102 = arith.muli %while3A_93, %mul3A_101 : i32
        %add3A_103 = arith.constant 1 : i32
        %add3A_104 = arith.addi %mul3A_102, %add3A_103 : i32
        %lt3A_105 = arith.cmpi slt, %add3A_104, %reduce_max3A_46 : i32
        %convert_element_type3A_106 = arith.extui %lt3A_105 : i1 to i32
        %cond3A_107 = arith.constant 0 : i32
        %cond3A_108 = arith.cmpi ne, %convert_element_type3A_106, %cond3A_107 : i32
        scf.if %cond3A_108 {
          %ge3A_109 = arith.constant 2 : i32
          %ge3A_110 = arith.cmpi sge, %add3A_104, %ge3A_109 : i32
          %convert_element_type3A_111 = arith.extui %ge3A_110 : i1 to i32
          %cond3A_112 = arith.constant 0 : i32
          %cond3A_113 = arith.cmpi ne, %convert_element_type3A_111, %cond3A_112 : i32
          scf.if %cond3A_113 {
            %dma_wait3A_383 = arith.constant 0 : i32
            %dma_wait3A_384 = arith.constant 0 : i32
            %dma_wait3A_385 = tpu.memref_slice %arg2[%dma_wait3A_383, %dma_wait3A_384] : memref<100000x64xf32, #tpu.memory_space<hbm>> -> memref<128x64xf32, #tpu.memory_space<hbm>>
            %dma_wait3A_386 = arith.constant 0 : i32
            %dma_wait3A_387 = arith.constant 0 : i32
            %dma_wait3A_388 = tpu.memref_slice %arg2[%dma_wait3A_386, %dma_wait3A_387] : memref<100000x64xf32, #tpu.memory_space<hbm>> -> memref<128x64xf32, #tpu.memory_space<hbm>>
            tpu.wait_dma2 semaphore(%arg28 : memref<!tpu.dma_semaphore, #tpu.memory_space<semaphore_mem>>) src(%dma_wait3A_388 : memref<128x64xf32, #tpu.memory_space<hbm>>) dst(%arg19 : memref<128x64xf32, #tpu.memory_space<vmem>>)
            %dma_wait3A_389 = arith.constant 0 : i32
            %dma_wait3A_390 = arith.constant 0 : i32
            %dma_wait3A_391 = tpu.memref_slice %arg2[%dma_wait3A_389, %dma_wait3A_390] : memref<100000x64xf32, #tpu.memory_space<hbm>> -> memref<128x64xf32, #tpu.memory_space<hbm>>
            %dma_wait3A_392 = arith.constant 0 : i32
            %dma_wait3A_393 = arith.constant 0 : i32
            %dma_wait3A_394 = tpu.memref_slice %arg2[%dma_wait3A_392, %dma_wait3A_393] : memref<100000x64xf32, #tpu.memory_space<hbm>> -> memref<128x64xf32, #tpu.memory_space<hbm>>
            tpu.wait_dma2 semaphore(%arg30 : memref<!tpu.dma_semaphore, #tpu.memory_space<semaphore_mem>>) src(%dma_wait3A_394 : memref<128x64xf32, #tpu.memory_space<hbm>>) dst(%arg19 : memref<128x64xf32, #tpu.memory_space<vmem>>)
          } else {
          }
          %dma_wait3A = arith.constant 0 : i32
          %dma_wait3A_114 = arith.constant 0 : i32
          %dma_wait3A_115 = tpu.memref_slice %arg2[%dma_wait3A, %dma_wait3A_114] : memref<100000x64xf32, #tpu.memory_space<hbm>> -> memref<128x64xf32, #tpu.memory_space<hbm>>
          %dma_wait3A_116 = arith.constant 0 : i32
          %dma_wait3A_117 = arith.constant 0 : i32
          %dma_wait3A_118 = tpu.memref_slice %arg2[%dma_wait3A_116, %dma_wait3A_117] : memref<100000x64xf32, #tpu.memory_space<hbm>> -> memref<128x64xf32, #tpu.memory_space<hbm>>
          tpu.wait_dma2 semaphore(%arg24 : memref<!tpu.dma_semaphore, #tpu.memory_space<semaphore_mem>>) src(%dma_wait3A_118 : memref<128x64xf32, #tpu.memory_space<hbm>>) dst(%arg11 : memref<128xi32, #tpu.memory_space<vmem>>)
          %dma_wait3A_119 = arith.constant 0 : i32
          %dma_wait3A_120 = arith.constant 0 : i32
          %dma_wait3A_121 = tpu.memref_slice %arg2[%dma_wait3A_119, %dma_wait3A_120] : memref<100000x64xf32, #tpu.memory_space<hbm>> -> memref<128x64xf32, #tpu.memory_space<hbm>>
          %dma_wait3A_122 = arith.constant 0 : i32
          %dma_wait3A_123 = arith.constant 0 : i32
          %dma_wait3A_124 = tpu.memref_slice %arg2[%dma_wait3A_122, %dma_wait3A_123] : memref<100000x64xf32, #tpu.memory_space<hbm>> -> memref<128x64xf32, #tpu.memory_space<hbm>>
          tpu.wait_dma2 semaphore(%arg24 : memref<!tpu.dma_semaphore, #tpu.memory_space<semaphore_mem>>) src(%dma_wait3A_124 : memref<128x64xf32, #tpu.memory_space<hbm>>) dst(%arg13 : memref<128xi32, #tpu.memory_space<vmem>>)
          %add3A_125 = arith.constant 1 : i32
          %add3A_126 = arith.addi %add3A_104, %add3A_125 : i32
          %lt3A_127 = arith.cmpi slt, %add3A_126, %reduce_max3A_46 : i32
          %convert_element_type3A_128 = arith.extui %lt3A_127 : i1 to i32
          %cond3A_129 = arith.constant 0 : i32
          %cond3A_130 = arith.cmpi ne, %convert_element_type3A_128, %cond3A_129 : i32
          scf.if %cond3A_130 {
            %add3A_383 = arith.constant 1 : i32
            %add3A_384 = arith.addi %add3A_104, %add3A_383 : i32
            %mul3A_385 = arith.constant 128 : i32
            %mul3A_386 = arith.muli %add3A_384, %mul3A_385 : i32
            %add3A_387 = arith.addi %reduce_max3A_32, %mul3A_386 : i32
            %multiple_of3A_388 = tpu.assume_multiple %add3A_387, 8 : i32
            %dma_start3A_389 = tpu.memref_slice %arg3[%multiple_of3A_388] : memref<400256xi32, #tpu.memory_space<hbm>> -> memref<128xi32, #tpu.memory_space<hbm>>
            %dma_start3A_390 = tpu.memref_slice %arg3[%multiple_of3A_388] : memref<400256xi32, #tpu.memory_space<hbm>> -> memref<128xi32, #tpu.memory_space<hbm>>
            tpu.enqueue_dma source(%dma_start3A_390 : memref<128xi32, #tpu.memory_space<hbm>>) target(%arg10 : memref<128xi32, #tpu.memory_space<vmem>>) target_semaphore(%arg23 : memref<!tpu.dma_semaphore, #tpu.memory_space<semaphore_mem>>)
            %dma_start3A_391 = tpu.memref_slice %arg4[%multiple_of3A_388] : memref<400256xi32, #tpu.memory_space<hbm>> -> memref<128xi32, #tpu.memory_space<hbm>>
            %dma_start3A_392 = tpu.memref_slice %arg4[%multiple_of3A_388] : memref<400256xi32, #tpu.memory_space<hbm>> -> memref<128xi32, #tpu.memory_space<hbm>>
            tpu.enqueue_dma source(%dma_start3A_392 : memref<128xi32, #tpu.memory_space<hbm>>) target(%arg12 : memref<128xi32, #tpu.memory_space<vmem>>) target_semaphore(%arg23 : memref<!tpu.dma_semaphore, #tpu.memory_space<semaphore_mem>>)
          } else {
          }
          %dma_start3A = arith.constant 0 : i32
          %dma_start3A_131 = arith.constant 0 : i32
          %dma_start3A_132 = tpu.memref_slice %arg2[%dma_start3A, %dma_start3A_131] : memref<100000x64xf32, #tpu.memory_space<hbm>> -> memref<100000x64xf32, #tpu.memory_space<hbm>>
          tpu.enqueue_indirect_dma source(%dma_start3A_132 : memref<100000x64xf32, #tpu.memory_space<hbm>>) target(%arg19 : memref<128x64xf32, #tpu.memory_space<vmem>>) offsets(%arg11 : memref<128xi32, #tpu.memory_space<vmem>>) semaphore(%arg26 : memref<!tpu.dma_semaphore, #tpu.memory_space<semaphore_mem>>)
          %get3A_133 = arith.constant 0 : index
          %get3A_134 = tpu.vector_load %arg13[%get3A_133] {strides = array<i32>} : memref<128xi32, #tpu.memory_space<vmem>>, vector<16xi32>,
          %ge3A_135 = vector.broadcast %multiple_of3A_52 : i32 to vector<16xi32>
          %ge3A_136 = arith.cmpi sge, %get3A_134, %ge3A_135 : vector<16xi32>
          %add3A_137 = arith.constant 640 : i32
          %add3A_138 = arith.addi %multiple_of3A_52, %add3A_137 : i32
          %lt3A_139 = vector.broadcast %add3A_138 : i32 to vector<16xi32>
          %lt3A_140 = arith.cmpi slt, %get3A_134, %lt3A_139 : vector<16xi32>
          %and3A_141 = arith.andi %ge3A_136, %lt3A_140 : vector<16xi1>
          %sub3A_142 = vector.broadcast %multiple_of3A_52 : i32 to vector<16xi32>
          %sub3A_143 = arith.subi %get3A_134, %sub3A_142 : vector<16xi32>
          %jit3A_144 = arith.constant 640 : i32
          %broadcast_in_dim3A_145 = vector.broadcast %jit3A_144 : i32 to vector<16xi32>
          %select_n3A_146 = arith.select %and3A_141, %sub3A_143, %broadcast_in_dim3A_145 : vector<16xi1>, vector<16xi32>
          %add3A_147 = vector.broadcast %multiple_of3A_8 : i32 to vector<16xi32>
          %add3A_148 = arith.addi %select_n3A_146, %add3A_147 : vector<16xi32>
          %swap3A = arith.constant 0 : index
          %swap3A_149 = tpu.vector_load %arg15[%swap3A] {strides = array<i32>} : memref<128xi32, #tpu.memory_space<vmem>>, vector<16xi32>,
          tpu.vector_store %arg15[%swap3A], %add3A_148 {strides = array<i32>} : memref<128xi32, #tpu.memory_space<vmem>>, vector<16xi32>,
          %jit3A_150 = arith.constant 0 : i32
          %broadcast_in_dim3A_151 = vector.broadcast %jit3A_150 : i32 to vector<16xi32>
          %select_n3A_152 = arith.select %and3A_141, %select_n3A_146, %broadcast_in_dim3A_151 : vector<16xi1>, vector<16xi32>
          %gather3A = tpu.vector_load_idx %arg20[%select_n3A_152] : memref<640xi32, #tpu.memory_space<vmem>>[vector<16xi32>], vector<16xi32>,
          %add3A_153 = vector.broadcast %multiple_of3A_5 : i32 to vector<16xi32>
          %add3A_154 = arith.addi %gather3A, %add3A_153 : vector<16xi32>
          %add3A_155 = arith.constant 256 : i32
          %add3A_156 = arith.addi %multiple_of3A_5, %add3A_155 : i32
          %broadcast_in_dim3A_157 = vector.broadcast %add3A_156 : i32 to vector<16xi32>
          %select_n3A_158 = arith.select %and3A_141, %add3A_154, %broadcast_in_dim3A_157 : vector<16xi1>, vector<16xi32>
          %swap3A_159 = arith.constant 0 : index
          %swap3A_160 = tpu.vector_load %arg17[%swap3A_159] {strides = array<i32>} : memref<128xi32, #tpu.memory_space<vmem>>, vector<16xi32>,
          tpu.vector_store %arg17[%swap3A_159], %select_n3A_158 {strides = array<i32>} : memref<128xi32, #tpu.memory_space<vmem>>, vector<16xi32>,
          %get3A_161 = arith.constant 16 : index
          %get3A_162 = tpu.vector_load %arg13[%get3A_161] {strides = array<i32>} : memref<128xi32, #tpu.memory_space<vmem>>, vector<16xi32>,
          %ge3A_163 = vector.broadcast %multiple_of3A_52 : i32 to vector<16xi32>
          %ge3A_164 = arith.cmpi sge, %get3A_162, %ge3A_163 : vector<16xi32>
          %add3A_165 = arith.constant 640 : i32
          %add3A_166 = arith.addi %multiple_of3A_52, %add3A_165 : i32
          %lt3A_167 = vector.broadcast %add3A_166 : i32 to vector<16xi32>
          %lt3A_168 = arith.cmpi slt, %get3A_162, %lt3A_167 : vector<16xi32>
          %and3A_169 = arith.andi %ge3A_164, %lt3A_168 : vector<16xi1>
          %sub3A_170 = vector.broadcast %multiple_of3A_52 : i32 to vector<16xi32>
          %sub3A_171 = arith.subi %get3A_162, %sub3A_170 : vector<16xi32>
          %jit3A_172 = arith.constant 640 : i32
          %broadcast_in_dim3A_173 = vector.broadcast %jit3A_172 : i32 to vector<16xi32>
          %select_n3A_174 = arith.select %and3A_169, %sub3A_171, %broadcast_in_dim3A_173 : vector<16xi1>, vector<16xi32>
          %add3A_175 = vector.broadcast %multiple_of3A_8 : i32 to vector<16xi32>
          %add3A_176 = arith.addi %select_n3A_174, %add3A_175 : vector<16xi32>
          %swap3A_177 = arith.constant 16 : index
          %swap3A_178 = tpu.vector_load %arg15[%swap3A_177] {strides = array<i32>} : memref<128xi32, #tpu.memory_space<vmem>>, vector<16xi32>,
          tpu.vector_store %arg15[%swap3A_177], %add3A_176 {strides = array<i32>} : memref<128xi32, #tpu.memory_space<vmem>>, vector<16xi32>,
          %jit3A_179 = arith.constant 0 : i32
          %broadcast_in_dim3A_180 = vector.broadcast %jit3A_179 : i32 to vector<16xi32>
          %select_n3A_181 = arith.select %and3A_169, %select_n3A_174, %broadcast_in_dim3A_180 : vector<16xi1>, vector<16xi32>
          %gather3A_182 = tpu.vector_load_idx %arg20[%select_n3A_181] : memref<640xi32, #tpu.memory_space<vmem>>[vector<16xi32>], vector<16xi32>,
          %add3A_183 = vector.broadcast %multiple_of3A_5 : i32 to vector<16xi32>
          %add3A_184 = arith.addi %gather3A_182, %add3A_183 : vector<16xi32>
          %add3A_185 = arith.constant 256 : i32
          %add3A_186 = arith.addi %multiple_of3A_5, %add3A_185 : i32
          %broadcast_in_dim3A_187 = vector.broadcast %add3A_186 : i32 to vector<16xi32>
          %select_n3A_188 = arith.select %and3A_169, %add3A_184, %broadcast_in_dim3A_187 : vector<16xi1>, vector<16xi32>
          %swap3A_189 = arith.constant 16 : index
          %swap3A_190 = tpu.vector_load %arg17[%swap3A_189] {strides = array<i32>} : memref<128xi32, #tpu.memory_space<vmem>>, vector<16xi32>,
          tpu.vector_store %arg17[%swap3A_189], %select_n3A_188 {strides = array<i32>} : memref<128xi32, #tpu.memory_space<vmem>>, vector<16xi32>,
          %get3A_191 = arith.constant 32 : index
          %get3A_192 = tpu.vector_load %arg13[%get3A_191] {strides = array<i32>} : memref<128xi32, #tpu.memory_space<vmem>>, vector<16xi32>,
          %ge3A_193 = vector.broadcast %multiple_of3A_52 : i32 to vector<16xi32>
          %ge3A_194 = arith.cmpi sge, %get3A_192, %ge3A_193 : vector<16xi32>
          %add3A_195 = arith.constant 640 : i32
          %add3A_196 = arith.addi %multiple_of3A_52, %add3A_195 : i32
          %lt3A_197 = vector.broadcast %add3A_196 : i32 to vector<16xi32>
          %lt3A_198 = arith.cmpi slt, %get3A_192, %lt3A_197 : vector<16xi32>
          %and3A_199 = arith.andi %ge3A_194, %lt3A_198 : vector<16xi1>
          %sub3A_200 = vector.broadcast %multiple_of3A_52 : i32 to vector<16xi32>
          %sub3A_201 = arith.subi %get3A_192, %sub3A_200 : vector<16xi32>
          %jit3A_202 = arith.constant 640 : i32
          %broadcast_in_dim3A_203 = vector.broadcast %jit3A_202 : i32 to vector<16xi32>
          %select_n3A_204 = arith.select %and3A_199, %sub3A_201, %broadcast_in_dim3A_203 : vector<16xi1>, vector<16xi32>
          %add3A_205 = vector.broadcast %multiple_of3A_8 : i32 to vector<16xi32>
          %add3A_206 = arith.addi %select_n3A_204, %add3A_205 : vector<16xi32>
          %swap3A_207 = arith.constant 32 : index
          %swap3A_208 = tpu.vector_load %arg15[%swap3A_207] {strides = array<i32>} : memref<128xi32, #tpu.memory_space<vmem>>, vector<16xi32>,
          tpu.vector_store %arg15[%swap3A_207], %add3A_206 {strides = array<i32>} : memref<128xi32, #tpu.memory_space<vmem>>, vector<16xi32>,
          %jit3A_209 = arith.constant 0 : i32
          %broadcast_in_dim3A_210 = vector.broadcast %jit3A_209 : i32 to vector<16xi32>
          %select_n3A_211 = arith.select %and3A_199, %select_n3A_204, %broadcast_in_dim3A_210 : vector<16xi1>, vector<16xi32>
          %gather3A_212 = tpu.vector_load_idx %arg20[%select_n3A_211] : memref<640xi32, #tpu.memory_space<vmem>>[vector<16xi32>], vector<16xi32>,
          %add3A_213 = vector.broadcast %multiple_of3A_5 : i32 to vector<16xi32>
          %add3A_214 = arith.addi %gather3A_212, %add3A_213 : vector<16xi32>
          %add3A_215 = arith.constant 256 : i32
          %add3A_216 = arith.addi %multiple_of3A_5, %add3A_215 : i32
          %broadcast_in_dim3A_217 = vector.broadcast %add3A_216 : i32 to vector<16xi32>
          %select_n3A_218 = arith.select %and3A_199, %add3A_214, %broadcast_in_dim3A_217 : vector<16xi1>, vector<16xi32>
          %swap3A_219 = arith.constant 32 : index
          %swap3A_220 = tpu.vector_load %arg17[%swap3A_219] {strides = array<i32>} : memref<128xi32, #tpu.memory_space<vmem>>, vector<16xi32>,
          tpu.vector_store %arg17[%swap3A_219], %select_n3A_218 {strides = array<i32>} : memref<128xi32, #tpu.memory_space<vmem>>, vector<16xi32>,
          %get3A_221 = arith.constant 48 : index
          %get3A_222 = tpu.vector_load %arg13[%get3A_221] {strides = array<i32>} : memref<128xi32, #tpu.memory_space<vmem>>, vector<16xi32>,
          %ge3A_223 = vector.broadcast %multiple_of3A_52 : i32 to vector<16xi32>
          %ge3A_224 = arith.cmpi sge, %get3A_222, %ge3A_223 : vector<16xi32>
          %add3A_225 = arith.constant 640 : i32
          %add3A_226 = arith.addi %multiple_of3A_52, %add3A_225 : i32
          %lt3A_227 = vector.broadcast %add3A_226 : i32 to vector<16xi32>
          %lt3A_228 = arith.cmpi slt, %get3A_222, %lt3A_227 : vector<16xi32>
          %and3A_229 = arith.andi %ge3A_224, %lt3A_228 : vector<16xi1>
          %sub3A_230 = vector.broadcast %multiple_of3A_52 : i32 to vector<16xi32>
          %sub3A_231 = arith.subi %get3A_222, %sub3A_230 : vector<16xi32>
          %jit3A_232 = arith.constant 640 : i32
          %broadcast_in_dim3A_233 = vector.broadcast %jit3A_232 : i32 to vector<16xi32>
          %select_n3A_234 = arith.select %and3A_229, %sub3A_231, %broadcast_in_dim3A_233 : vector<16xi1>, vector<16xi32>
          %add3A_235 = vector.broadcast %multiple_of3A_8 : i32 to vector<16xi32>
          %add3A_236 = arith.addi %select_n3A_234, %add3A_235 : vector<16xi32>
          %swap3A_237 = arith.constant 48 : index
          %swap3A_238 = tpu.vector_load %arg15[%swap3A_237] {strides = array<i32>} : memref<128xi32, #tpu.memory_space<vmem>>, vector<16xi32>,
          tpu.vector_store %arg15[%swap3A_237], %add3A_236 {strides = array<i32>} : memref<128xi32, #tpu.memory_space<vmem>>, vector<16xi32>,
          %jit3A_239 = arith.constant 0 : i32
          %broadcast_in_dim3A_240 = vector.broadcast %jit3A_239 : i32 to vector<16xi32>
          %select_n3A_241 = arith.select %and3A_229, %select_n3A_234, %broadcast_in_dim3A_240 : vector<16xi1>, vector<16xi32>
          %gather3A_242 = tpu.vector_load_idx %arg20[%select_n3A_241] : memref<640xi32, #tpu.memory_space<vmem>>[vector<16xi32>], vector<16xi32>,
          %add3A_243 = vector.broadcast %multiple_of3A_5 : i32 to vector<16xi32>
          %add3A_244 = arith.addi %gather3A_242, %add3A_243 : vector<16xi32>
          %add3A_245 = arith.constant 256 : i32
          %add3A_246 = arith.addi %multiple_of3A_5, %add3A_245 : i32
          %broadcast_in_dim3A_247 = vector.broadcast %add3A_246 : i32 to vector<16xi32>
          %select_n3A_248 = arith.select %and3A_229, %add3A_244, %broadcast_in_dim3A_247 : vector<16xi1>, vector<16xi32>
          %swap3A_249 = arith.constant 48 : index
          %swap3A_250 = tpu.vector_load %arg17[%swap3A_249] {strides = array<i32>} : memref<128xi32, #tpu.memory_space<vmem>>, vector<16xi32>,
          tpu.vector_store %arg17[%swap3A_249], %select_n3A_248 {strides = array<i32>} : memref<128xi32, #tpu.memory_space<vmem>>, vector<16xi32>,
          %get3A_251 = arith.constant 64 : index
          %get3A_252 = tpu.vector_load %arg13[%get3A_251] {strides = array<i32>} : memref<128xi32, #tpu.memory_space<vmem>>, vector<16xi32>,
          %ge3A_253 = vector.broadcast %multiple_of3A_52 : i32 to vector<16xi32>
          %ge3A_254 = arith.cmpi sge, %get3A_252, %ge3A_253 : vector<16xi32>
          %add3A_255 = arith.constant 640 : i32
          %add3A_256 = arith.addi %multiple_of3A_52, %add3A_255 : i32
          %lt3A_257 = vector.broadcast %add3A_256 : i32 to vector<16xi32>
          %lt3A_258 = arith.cmpi slt, %get3A_252, %lt3A_257 : vector<16xi32>
          %and3A_259 = arith.andi %ge3A_254, %lt3A_258 : vector<16xi1>
          %sub3A_260 = vector.broadcast %multiple_of3A_52 : i32 to vector<16xi32>
          %sub3A_261 = arith.subi %get3A_252, %sub3A_260 : vector<16xi32>
          %jit3A_262 = arith.constant 640 : i32
          %broadcast_in_dim3A_263 = vector.broadcast %jit3A_262 : i32 to vector<16xi32>
          %select_n3A_264 = arith.select %and3A_259, %sub3A_261, %broadcast_in_dim3A_263 : vector<16xi1>, vector<16xi32>
          %add3A_265 = vector.broadcast %multiple_of3A_8 : i32 to vector<16xi32>
          %add3A_266 = arith.addi %select_n3A_264, %add3A_265 : vector<16xi32>
          %swap3A_267 = arith.constant 64 : index
          %swap3A_268 = tpu.vector_load %arg15[%swap3A_267] {strides = array<i32>} : memref<128xi32, #tpu.memory_space<vmem>>, vector<16xi32>,
          tpu.vector_store %arg15[%swap3A_267], %add3A_266 {strides = array<i32>} : memref<128xi32, #tpu.memory_space<vmem>>, vector<16xi32>,
          %jit3A_269 = arith.constant 0 : i32
          %broadcast_in_dim3A_270 = vector.broadcast %jit3A_269 : i32 to vector<16xi32>
          %select_n3A_271 = arith.select %and3A_259, %select_n3A_264, %broadcast_in_dim3A_270 : vector<16xi1>, vector<16xi32>
          %gather3A_272 = tpu.vector_load_idx %arg20[%select_n3A_271] : memref<640xi32, #tpu.memory_space<vmem>>[vector<16xi32>], vector<16xi32>,
          %add3A_273 = vector.broadcast %multiple_of3A_5 : i32 to vector<16xi32>
          %add3A_274 = arith.addi %gather3A_272, %add3A_273 : vector<16xi32>
          %add3A_275 = arith.constant 256 : i32
          %add3A_276 = arith.addi %multiple_of3A_5, %add3A_275 : i32
          %broadcast_in_dim3A_277 = vector.broadcast %add3A_276 : i32 to vector<16xi32>
          %select_n3A_278 = arith.select %and3A_259, %add3A_274, %broadcast_in_dim3A_277 : vector<16xi1>, vector<16xi32>
          %swap3A_279 = arith.constant 64 : index
          %swap3A_280 = tpu.vector_load %arg17[%swap3A_279] {strides = array<i32>} : memref<128xi32, #tpu.memory_space<vmem>>, vector<16xi32>,
          tpu.vector_store %arg17[%swap3A_279], %select_n3A_278 {strides = array<i32>} : memref<128xi32, #tpu.memory_space<vmem>>, vector<16xi32>,
          %get3A_281 = arith.constant 80 : index
          %get3A_282 = tpu.vector_load %arg13[%get3A_281] {strides = array<i32>} : memref<128xi32, #tpu.memory_space<vmem>>, vector<16xi32>,
          %ge3A_283 = vector.broadcast %multiple_of3A_52 : i32 to vector<16xi32>
          %ge3A_284 = arith.cmpi sge, %get3A_282, %ge3A_283 : vector<16xi32>
          %add3A_285 = arith.constant 640 : i32
          %add3A_286 = arith.addi %multiple_of3A_52, %add3A_285 : i32
          %lt3A_287 = vector.broadcast %add3A_286 : i32 to vector<16xi32>
          %lt3A_288 = arith.cmpi slt, %get3A_282, %lt3A_287 : vector<16xi32>
          %and3A_289 = arith.andi %ge3A_284, %lt3A_288 : vector<16xi1>
          %sub3A_290 = vector.broadcast %multiple_of3A_52 : i32 to vector<16xi32>
          %sub3A_291 = arith.subi %get3A_282, %sub3A_290 : vector<16xi32>
          %jit3A_292 = arith.constant 640 : i32
          %broadcast_in_dim3A_293 = vector.broadcast %jit3A_292 : i32 to vector<16xi32>
          %select_n3A_294 = arith.select %and3A_289, %sub3A_291, %broadcast_in_dim3A_293 : vector<16xi1>, vector<16xi32>
          %add3A_295 = vector.broadcast %multiple_of3A_8 : i32 to vector<16xi32>
          %add3A_296 = arith.addi %select_n3A_294, %add3A_295 : vector<16xi32>
          %swap3A_297 = arith.constant 80 : index
          %swap3A_298 = tpu.vector_load %arg15[%swap3A_297] {strides = array<i32>} : memref<128xi32, #tpu.memory_space<vmem>>, vector<16xi32>,
          tpu.vector_store %arg15[%swap3A_297], %add3A_296 {strides = array<i32>} : memref<128xi32, #tpu.memory_space<vmem>>, vector<16xi32>,
          %jit3A_299 = arith.constant 0 : i32
          %broadcast_in_dim3A_300 = vector.broadcast %jit3A_299 : i32 to vector<16xi32>
          %select_n3A_301 = arith.select %and3A_289, %select_n3A_294, %broadcast_in_dim3A_300 : vector<16xi1>, vector<16xi32>
          %gather3A_302 = tpu.vector_load_idx %arg20[%select_n3A_301] : memref<640xi32, #tpu.memory_space<vmem>>[vector<16xi32>], vector<16xi32>,
          %add3A_303 = vector.broadcast %multiple_of3A_5 : i32 to vector<16xi32>
          %add3A_304 = arith.addi %gather3A_302, %add3A_303 : vector<16xi32>
          %add3A_305 = arith.constant 256 : i32
          %add3A_306 = arith.addi %multiple_of3A_5, %add3A_305 : i32
          %broadcast_in_dim3A_307 = vector.broadcast %add3A_306 : i32 to vector<16xi32>
          %select_n3A_308 = arith.select %and3A_289, %add3A_304, %broadcast_in_dim3A_307 : vector<16xi1>, vector<16xi32>
          %swap3A_309 = arith.constant 80 : index
          %swap3A_310 = tpu.vector_load %arg17[%swap3A_309] {strides = array<i32>} : memref<128xi32, #tpu.memory_space<vmem>>, vector<16xi32>,
          tpu.vector_store %arg17[%swap3A_309], %select_n3A_308 {strides = array<i32>} : memref<128xi32, #tpu.memory_space<vmem>>, vector<16xi32>,
          %get3A_311 = arith.constant 96 : index
          %get3A_312 = tpu.vector_load %arg13[%get3A_311] {strides = array<i32>} : memref<128xi32, #tpu.memory_space<vmem>>, vector<16xi32>,
          %ge3A_313 = vector.broadcast %multiple_of3A_52 : i32 to vector<16xi32>
          %ge3A_314 = arith.cmpi sge, %get3A_312, %ge3A_313 : vector<16xi32>
          %add3A_315 = arith.constant 640 : i32
          %add3A_316 = arith.addi %multiple_of3A_52, %add3A_315 : i32
          %lt3A_317 = vector.broadcast %add3A_316 : i32 to vector<16xi32>
          %lt3A_318 = arith.cmpi slt, %get3A_312, %lt3A_317 : vector<16xi32>
          %and3A_319 = arith.andi %ge3A_314, %lt3A_318 : vector<16xi1>
          %sub3A_320 = vector.broadcast %multiple_of3A_52 : i32 to vector<16xi32>
          %sub3A_321 = arith.subi %get3A_312, %sub3A_320 : vector<16xi32>
          %jit3A_322 = arith.constant 640 : i32
          %broadcast_in_dim3A_323 = vector.broadcast %jit3A_322 : i32 to vector<16xi32>
          %select_n3A_324 = arith.select %and3A_319, %sub3A_321, %broadcast_in_dim3A_323 : vector<16xi1>, vector<16xi32>
          %add3A_325 = vector.broadcast %multiple_of3A_8 : i32 to vector<16xi32>
          %add3A_326 = arith.addi %select_n3A_324, %add3A_325 : vector<16xi32>
          %swap3A_327 = arith.constant 96 : index
          %swap3A_328 = tpu.vector_load %arg15[%swap3A_327] {strides = array<i32>} : memref<128xi32, #tpu.memory_space<vmem>>, vector<16xi32>,
          tpu.vector_store %arg15[%swap3A_327], %add3A_326 {strides = array<i32>} : memref<128xi32, #tpu.memory_space<vmem>>, vector<16xi32>,
          %jit3A_329 = arith.constant 0 : i32
          %broadcast_in_dim3A_330 = vector.broadcast %jit3A_329 : i32 to vector<16xi32>
          %select_n3A_331 = arith.select %and3A_319, %select_n3A_324, %broadcast_in_dim3A_330 : vector<16xi1>, vector<16xi32>
          %gather3A_332 = tpu.vector_load_idx %arg20[%select_n3A_331] : memref<640xi32, #tpu.memory_space<vmem>>[vector<16xi32>], vector<16xi32>,
          %add3A_333 = vector.broadcast %multiple_of3A_5 : i32 to vector<16xi32>
          %add3A_334 = arith.addi %gather3A_332, %add3A_333 : vector<16xi32>
          %add3A_335 = arith.constant 256 : i32
          %add3A_336 = arith.addi %multiple_of3A_5, %add3A_335 : i32
          %broadcast_in_dim3A_337 = vector.broadcast %add3A_336 : i32 to vector<16xi32>
          %select_n3A_338 = arith.select %and3A_319, %add3A_334, %broadcast_in_dim3A_337 : vector<16xi1>, vector<16xi32>
          %swap3A_339 = arith.constant 96 : index
          %swap3A_340 = tpu.vector_load %arg17[%swap3A_339] {strides = array<i32>} : memref<128xi32, #tpu.memory_space<vmem>>, vector<16xi32>,
          tpu.vector_store %arg17[%swap3A_339], %select_n3A_338 {strides = array<i32>} : memref<128xi32, #tpu.memory_space<vmem>>, vector<16xi32>,
          %get3A_341 = arith.constant 112 : index
          %get3A_342 = tpu.vector_load %arg13[%get3A_341] {strides = array<i32>} : memref<128xi32, #tpu.memory_space<vmem>>, vector<16xi32>,
          %ge3A_343 = vector.broadcast %multiple_of3A_52 : i32 to vector<16xi32>
          %ge3A_344 = arith.cmpi sge, %get3A_342, %ge3A_343 : vector<16xi32>
          %add3A_345 = arith.constant 640 : i32
          %add3A_346 = arith.addi %multiple_of3A_52, %add3A_345 : i32
          %lt3A_347 = vector.broadcast %add3A_346 : i32 to vector<16xi32>
          %lt3A_348 = arith.cmpi slt, %get3A_342, %lt3A_347 : vector<16xi32>
          %and3A_349 = arith.andi %ge3A_344, %lt3A_348 : vector<16xi1>
          %sub3A_350 = vector.broadcast %multiple_of3A_52 : i32 to vector<16xi32>
          %sub3A_351 = arith.subi %get3A_342, %sub3A_350 : vector<16xi32>
          %jit3A_352 = arith.constant 640 : i32
          %broadcast_in_dim3A_353 = vector.broadcast %jit3A_352 : i32 to vector<16xi32>
          %select_n3A_354 = arith.select %and3A_349, %sub3A_351, %broadcast_in_dim3A_353 : vector<16xi1>, vector<16xi32>
          %add3A_355 = vector.broadcast %multiple_of3A_8 : i32 to vector<16xi32>
          %add3A_356 = arith.addi %select_n3A_354, %add3A_355 : vector<16xi32>
          %swap3A_357 = arith.constant 112 : index
          %swap3A_358 = tpu.vector_load %arg15[%swap3A_357] {strides = array<i32>} : memref<128xi32, #tpu.memory_space<vmem>>, vector<16xi32>,
          tpu.vector_store %arg15[%swap3A_357], %add3A_356 {strides = array<i32>} : memref<128xi32, #tpu.memory_space<vmem>>, vector<16xi32>,
          %jit3A_359 = arith.constant 0 : i32
          %broadcast_in_dim3A_360 = vector.broadcast %jit3A_359 : i32 to vector<16xi32>
          %select_n3A_361 = arith.select %and3A_349, %select_n3A_354, %broadcast_in_dim3A_360 : vector<16xi1>, vector<16xi32>
          %gather3A_362 = tpu.vector_load_idx %arg20[%select_n3A_361] : memref<640xi32, #tpu.memory_space<vmem>>[vector<16xi32>], vector<16xi32>,
          %add3A_363 = vector.broadcast %multiple_of3A_5 : i32 to vector<16xi32>
          %add3A_364 = arith.addi %gather3A_362, %add3A_363 : vector<16xi32>
          %add3A_365 = arith.constant 256 : i32
          %add3A_366 = arith.addi %multiple_of3A_5, %add3A_365 : i32
          %broadcast_in_dim3A_367 = vector.broadcast %add3A_366 : i32 to vector<16xi32>
          %select_n3A_368 = arith.select %and3A_349, %add3A_364, %broadcast_in_dim3A_367 : vector<16xi1>, vector<16xi32>
          %swap3A_369 = arith.constant 112 : index
          %swap3A_370 = tpu.vector_load %arg17[%swap3A_369] {strides = array<i32>} : memref<128xi32, #tpu.memory_space<vmem>>, vector<16xi32>,
          tpu.vector_store %arg17[%swap3A_369], %select_n3A_368 {strides = array<i32>} : memref<128xi32, #tpu.memory_space<vmem>>, vector<16xi32>,
          %dma_wait3A_371 = arith.constant 0 : i32
          %dma_wait3A_372 = arith.constant 0 : i32
          %dma_wait3A_373 = tpu.memref_slice %arg2[%dma_wait3A_371, %dma_wait3A_372] : memref<100000x64xf32, #tpu.memory_space<hbm>> -> memref<128x64xf32, #tpu.memory_space<hbm>>
          %dma_wait3A_374 = arith.constant 0 : i32
          %dma_wait3A_375 = arith.constant 0 : i32
          %dma_wait3A_376 = tpu.memref_slice %arg2[%dma_wait3A_374, %dma_wait3A_375] : memref<100000x64xf32, #tpu.memory_space<hbm>> -> memref<128x64xf32, #tpu.memory_space<hbm>>
          tpu.wait_dma2 semaphore(%arg26 : memref<!tpu.dma_semaphore, #tpu.memory_space<semaphore_mem>>) src(%dma_wait3A_376 : memref<128x64xf32, #tpu.memory_space<hbm>>) dst(%arg19 : memref<128x64xf32, #tpu.memory_space<vmem>>)
          %dma_start3A_377 = arith.constant 0 : i32
          %dma_start3A_378 = arith.constant 0 : i32
          %dma_start3A_379 = tpu.memref_slice %arg31[%dma_start3A_377, %dma_start3A_378] : memref<10368x64xf32, #tpu.memory_space<vmem_shared>> -> memref<10368x64xf32, #tpu.memory_space<vmem_shared>>
          tpu.enqueue_indirect_dma source(%arg19 : memref<128x64xf32, #tpu.memory_space<vmem>>) target(%dma_start3A_379 : memref<10368x64xf32, #tpu.memory_space<vmem_shared>>) offsets(%arg15 : memref<128xi32, #tpu.memory_space<vmem>>) semaphore(%arg28 : memref<!tpu.dma_semaphore, #tpu.memory_space<semaphore_mem>>) {add = true}
          %dma_start3A_380 = arith.constant 0 : i32
          %dma_start3A_381 = arith.constant 0 : i32
          %dma_start3A_382 = tpu.memref_slice %arg32[%dma_start3A_380, %dma_start3A_381] : memref<4224x64xf32, #tpu.memory_space<vmem_shared>> -> memref<4224x64xf32, #tpu.memory_space<vmem_shared>>
          tpu.enqueue_indirect_dma source(%arg19 : memref<128x64xf32, #tpu.memory_space<vmem>>) target(%dma_start3A_382 : memref<4224x64xf32, #tpu.memory_space<vmem_shared>>) offsets(%arg17 : memref<128xi32, #tpu.memory_space<vmem>>) semaphore(%arg30 : memref<!tpu.dma_semaphore, #tpu.memory_space<semaphore_mem>>) {add = true}
        } else {
        }
      }
      %while3A_83 = arith.constant 1 : i32
      scf.for %while3A_93 = %while3A_81 to %while3A_77 step %while3A_83  : i32 {
        %mul3A_94 = arith.constant 2 : i32
        %mul3A_95 = arith.muli %while3A_93, %mul3A_94 : i32
        %add3A_96 = arith.constant 0 : i32
        %add3A_97 = arith.addi %mul3A_95, %add3A_96 : i32
        %lt3A = arith.cmpi slt, %add3A_97, %reduce_max3A_46 : i32
        %convert_element_type3A_98 = arith.extui %lt3A : i1 to i32
        %cond3A_99 = arith.constant 0 : i32
        %cond3A_100 = arith.cmpi ne, %convert_element_type3A_98, %cond3A_99 : i32
        scf.if %cond3A_100 {
          %ge3A_109 = arith.constant 2 : i32
          %ge3A_110 = arith.cmpi sge, %add3A_97, %ge3A_109 : i32
          %convert_element_type3A_111 = arith.extui %ge3A_110 : i1 to i32
          %cond3A_112 = arith.constant 0 : i32
          %cond3A_113 = arith.cmpi ne, %convert_element_type3A_111, %cond3A_112 : i32
          scf.if %cond3A_113 {
            %dma_wait3A_383 = arith.constant 0 : i32
            %dma_wait3A_384 = arith.constant 0 : i32
            %dma_wait3A_385 = tpu.memref_slice %arg2[%dma_wait3A_383, %dma_wait3A_384] : memref<100000x64xf32, #tpu.memory_space<hbm>> -> memref<128x64xf32, #tpu.memory_space<hbm>>
            %dma_wait3A_386 = arith.constant 0 : i32
            %dma_wait3A_387 = arith.constant 0 : i32
            %dma_wait3A_388 = tpu.memref_slice %arg2[%dma_wait3A_386, %dma_wait3A_387] : memref<100000x64xf32, #tpu.memory_space<hbm>> -> memref<128x64xf32, #tpu.memory_space<hbm>>
            tpu.wait_dma2 semaphore(%arg27 : memref<!tpu.dma_semaphore, #tpu.memory_space<semaphore_mem>>) src(%dma_wait3A_388 : memref<128x64xf32, #tpu.memory_space<hbm>>) dst(%arg18 : memref<128x64xf32, #tpu.memory_space<vmem>>)
            %dma_wait3A_389 = arith.constant 0 : i32
            %dma_wait3A_390 = arith.constant 0 : i32
            %dma_wait3A_391 = tpu.memref_slice %arg2[%dma_wait3A_389, %dma_wait3A_390] : memref<100000x64xf32, #tpu.memory_space<hbm>> -> memref<128x64xf32, #tpu.memory_space<hbm>>
            %dma_wait3A_392 = arith.constant 0 : i32
            %dma_wait3A_393 = arith.constant 0 : i32
            %dma_wait3A_394 = tpu.memref_slice %arg2[%dma_wait3A_392, %dma_wait3A_393] : memref<100000x64xf32, #tpu.memory_space<hbm>> -> memref<128x64xf32, #tpu.memory_space<hbm>>
            tpu.wait_dma2 semaphore(%arg29 : memref<!tpu.dma_semaphore, #tpu.memory_space<semaphore_mem>>) src(%dma_wait3A_394 : memref<128x64xf32, #tpu.memory_space<hbm>>) dst(%arg18 : memref<128x64xf32, #tpu.memory_space<vmem>>)
          } else {
          }
          %dma_wait3A = arith.constant 0 : i32
          %dma_wait3A_114 = arith.constant 0 : i32
          %dma_wait3A_115 = tpu.memref_slice %arg2[%dma_wait3A, %dma_wait3A_114] : memref<100000x64xf32, #tpu.memory_space<hbm>> -> memref<128x64xf32, #tpu.memory_space<hbm>>
          %dma_wait3A_116 = arith.constant 0 : i32
          %dma_wait3A_117 = arith.constant 0 : i32
          %dma_wait3A_118 = tpu.memref_slice %arg2[%dma_wait3A_116, %dma_wait3A_117] : memref<100000x64xf32, #tpu.memory_space<hbm>> -> memref<128x64xf32, #tpu.memory_space<hbm>>
          tpu.wait_dma2 semaphore(%arg23 : memref<!tpu.dma_semaphore, #tpu.memory_space<semaphore_mem>>) src(%dma_wait3A_118 : memref<128x64xf32, #tpu.memory_space<hbm>>) dst(%arg10 : memref<128xi32, #tpu.memory_space<vmem>>)
          %dma_wait3A_119 = arith.constant 0 : i32
          %dma_wait3A_120 = arith.constant 0 : i32
          %dma_wait3A_121 = tpu.memref_slice %arg2[%dma_wait3A_119, %dma_wait3A_120] : memref<100000x64xf32, #tpu.memory_space<hbm>> -> memref<128x64xf32, #tpu.memory_space<hbm>>
          %dma_wait3A_122 = arith.constant 0 : i32
          %dma_wait3A_123 = arith.constant 0 : i32
          %dma_wait3A_124 = tpu.memref_slice %arg2[%dma_wait3A_122, %dma_wait3A_123] : memref<100000x64xf32, #tpu.memory_space<hbm>> -> memref<128x64xf32, #tpu.memory_space<hbm>>
          tpu.wait_dma2 semaphore(%arg23 : memref<!tpu.dma_semaphore, #tpu.memory_space<semaphore_mem>>) src(%dma_wait3A_124 : memref<128x64xf32, #tpu.memory_space<hbm>>) dst(%arg12 : memref<128xi32, #tpu.memory_space<vmem>>)
          %add3A_125 = arith.constant 1 : i32
          %add3A_126 = arith.addi %add3A_97, %add3A_125 : i32
          %lt3A_127 = arith.cmpi slt, %add3A_126, %reduce_max3A_46 : i32
          %convert_element_type3A_128 = arith.extui %lt3A_127 : i1 to i32
          %cond3A_129 = arith.constant 0 : i32
          %cond3A_130 = arith.cmpi ne, %convert_element_type3A_128, %cond3A_129 : i32
          scf.if %cond3A_130 {
            %add3A_383 = arith.constant 1 : i32
            %add3A_384 = arith.addi %add3A_97, %add3A_383 : i32
            %mul3A_385 = arith.constant 128 : i32
            %mul3A_386 = arith.muli %add3A_384, %mul3A_385 : i32
            %add3A_387 = arith.addi %reduce_max3A_32, %mul3A_386 : i32
            %multiple_of3A_388 = tpu.assume_multiple %add3A_387, 8 : i32
            %dma_start3A_389 = tpu.memref_slice %arg3[%multiple_of3A_388] : memref<400256xi32, #tpu.memory_space<hbm>> -> memref<128xi32, #tpu.memory_space<hbm>>
            %dma_start3A_390 = tpu.memref_slice %arg3[%multiple_of3A_388] : memref<400256xi32, #tpu.memory_space<hbm>> -> memref<128xi32, #tpu.memory_space<hbm>>
            tpu.enqueue_dma source(%dma_start3A_390 : memref<128xi32, #tpu.memory_space<hbm>>) target(%arg11 : memref<128xi32, #tpu.memory_space<vmem>>) target_semaphore(%arg24 : memref<!tpu.dma_semaphore, #tpu.memory_space<semaphore_mem>>)
            %dma_start3A_391 = tpu.memref_slice %arg4[%multiple_of3A_388] : memref<400256xi32, #tpu.memory_space<hbm>> -> memref<128xi32, #tpu.memory_space<hbm>>
            %dma_start3A_392 = tpu.memref_slice %arg4[%multiple_of3A_388] : memref<400256xi32, #tpu.memory_space<hbm>> -> memref<128xi32, #tpu.memory_space<hbm>>
            tpu.enqueue_dma source(%dma_start3A_392 : memref<128xi32, #tpu.memory_space<hbm>>) target(%arg13 : memref<128xi32, #tpu.memory_space<vmem>>) target_semaphore(%arg24 : memref<!tpu.dma_semaphore, #tpu.memory_space<semaphore_mem>>)
          } else {
          }
          %dma_start3A = arith.constant 0 : i32
          %dma_start3A_131 = arith.constant 0 : i32
          %dma_start3A_132 = tpu.memref_slice %arg2[%dma_start3A, %dma_start3A_131] : memref<100000x64xf32, #tpu.memory_space<hbm>> -> memref<100000x64xf32, #tpu.memory_space<hbm>>
          tpu.enqueue_indirect_dma source(%dma_start3A_132 : memref<100000x64xf32, #tpu.memory_space<hbm>>) target(%arg18 : memref<128x64xf32, #tpu.memory_space<vmem>>) offsets(%arg10 : memref<128xi32, #tpu.memory_space<vmem>>) semaphore(%arg25 : memref<!tpu.dma_semaphore, #tpu.memory_space<semaphore_mem>>)
          %get3A_133 = arith.constant 0 : index
          %get3A_134 = tpu.vector_load %arg12[%get3A_133] {strides = array<i32>} : memref<128xi32, #tpu.memory_space<vmem>>, vector<16xi32>,
          %ge3A_135 = vector.broadcast %multiple_of3A_52 : i32 to vector<16xi32>
          %ge3A_136 = arith.cmpi sge, %get3A_134, %ge3A_135 : vector<16xi32>
          %add3A_137 = arith.constant 640 : i32
          %add3A_138 = arith.addi %multiple_of3A_52, %add3A_137 : i32
          %lt3A_139 = vector.broadcast %add3A_138 : i32 to vector<16xi32>
          %lt3A_140 = arith.cmpi slt, %get3A_134, %lt3A_139 : vector<16xi32>
          %and3A_141 = arith.andi %ge3A_136, %lt3A_140 : vector<16xi1>
          %sub3A_142 = vector.broadcast %multiple_of3A_52 : i32 to vector<16xi32>
          %sub3A_143 = arith.subi %get3A_134, %sub3A_142 : vector<16xi32>
          %jit3A_144 = arith.constant 640 : i32
          %broadcast_in_dim3A_145 = vector.broadcast %jit3A_144 : i32 to vector<16xi32>
          %select_n3A_146 = arith.select %and3A_141, %sub3A_143, %broadcast_in_dim3A_145 : vector<16xi1>, vector<16xi32>
          %add3A_147 = vector.broadcast %multiple_of3A_8 : i32 to vector<16xi32>
          %add3A_148 = arith.addi %select_n3A_146, %add3A_147 : vector<16xi32>
          %swap3A = arith.constant 0 : index
          %swap3A_149 = tpu.vector_load %arg14[%swap3A] {strides = array<i32>} : memref<128xi32, #tpu.memory_space<vmem>>, vector<16xi32>,
          tpu.vector_store %arg14[%swap3A], %add3A_148 {strides = array<i32>} : memref<128xi32, #tpu.memory_space<vmem>>, vector<16xi32>,
          %jit3A_150 = arith.constant 0 : i32
          %broadcast_in_dim3A_151 = vector.broadcast %jit3A_150 : i32 to vector<16xi32>
          %select_n3A_152 = arith.select %and3A_141, %select_n3A_146, %broadcast_in_dim3A_151 : vector<16xi1>, vector<16xi32>
          %gather3A = tpu.vector_load_idx %arg20[%select_n3A_152] : memref<640xi32, #tpu.memory_space<vmem>>[vector<16xi32>], vector<16xi32>,
          %add3A_153 = vector.broadcast %multiple_of3A_5 : i32 to vector<16xi32>
          %add3A_154 = arith.addi %gather3A, %add3A_153 : vector<16xi32>
          %add3A_155 = arith.constant 256 : i32
          %add3A_156 = arith.addi %multiple_of3A_5, %add3A_155 : i32
          %broadcast_in_dim3A_157 = vector.broadcast %add3A_156 : i32 to vector<16xi32>
          %select_n3A_158 = arith.select %and3A_141, %add3A_154, %broadcast_in_dim3A_157 : vector<16xi1>, vector<16xi32>
          %swap3A_159 = arith.constant 0 : index
          %swap3A_160 = tpu.vector_load %arg16[%swap3A_159] {strides = array<i32>} : memref<128xi32, #tpu.memory_space<vmem>>, vector<16xi32>,
          tpu.vector_store %arg16[%swap3A_159], %select_n3A_158 {strides = array<i32>} : memref<128xi32, #tpu.memory_space<vmem>>, vector<16xi32>,
          %get3A_161 = arith.constant 16 : index
          %get3A_162 = tpu.vector_load %arg12[%get3A_161] {strides = array<i32>} : memref<128xi32, #tpu.memory_space<vmem>>, vector<16xi32>,
          %ge3A_163 = vector.broadcast %multiple_of3A_52 : i32 to vector<16xi32>
          %ge3A_164 = arith.cmpi sge, %get3A_162, %ge3A_163 : vector<16xi32>
          %add3A_165 = arith.constant 640 : i32
          %add3A_166 = arith.addi %multiple_of3A_52, %add3A_165 : i32
          %lt3A_167 = vector.broadcast %add3A_166 : i32 to vector<16xi32>
          %lt3A_168 = arith.cmpi slt, %get3A_162, %lt3A_167 : vector<16xi32>
          %and3A_169 = arith.andi %ge3A_164, %lt3A_168 : vector<16xi1>
          %sub3A_170 = vector.broadcast %multiple_of3A_52 : i32 to vector<16xi32>
          %sub3A_171 = arith.subi %get3A_162, %sub3A_170 : vector<16xi32>
          %jit3A_172 = arith.constant 640 : i32
          %broadcast_in_dim3A_173 = vector.broadcast %jit3A_172 : i32 to vector<16xi32>
          %select_n3A_174 = arith.select %and3A_169, %sub3A_171, %broadcast_in_dim3A_173 : vector<16xi1>, vector<16xi32>
          %add3A_175 = vector.broadcast %multiple_of3A_8 : i32 to vector<16xi32>
          %add3A_176 = arith.addi %select_n3A_174, %add3A_175 : vector<16xi32>
          %swap3A_177 = arith.constant 16 : index
          %swap3A_178 = tpu.vector_load %arg14[%swap3A_177] {strides = array<i32>} : memref<128xi32, #tpu.memory_space<vmem>>, vector<16xi32>,
          tpu.vector_store %arg14[%swap3A_177], %add3A_176 {strides = array<i32>} : memref<128xi32, #tpu.memory_space<vmem>>, vector<16xi32>,
          %jit3A_179 = arith.constant 0 : i32
          %broadcast_in_dim3A_180 = vector.broadcast %jit3A_179 : i32 to vector<16xi32>
          %select_n3A_181 = arith.select %and3A_169, %select_n3A_174, %broadcast_in_dim3A_180 : vector<16xi1>, vector<16xi32>
          %gather3A_182 = tpu.vector_load_idx %arg20[%select_n3A_181] : memref<640xi32, #tpu.memory_space<vmem>>[vector<16xi32>], vector<16xi32>,
          %add3A_183 = vector.broadcast %multiple_of3A_5 : i32 to vector<16xi32>
          %add3A_184 = arith.addi %gather3A_182, %add3A_183 : vector<16xi32>
          %add3A_185 = arith.constant 256 : i32
          %add3A_186 = arith.addi %multiple_of3A_5, %add3A_185 : i32
          %broadcast_in_dim3A_187 = vector.broadcast %add3A_186 : i32 to vector<16xi32>
          %select_n3A_188 = arith.select %and3A_169, %add3A_184, %broadcast_in_dim3A_187 : vector<16xi1>, vector<16xi32>
          %swap3A_189 = arith.constant 16 : index
          %swap3A_190 = tpu.vector_load %arg16[%swap3A_189] {strides = array<i32>} : memref<128xi32, #tpu.memory_space<vmem>>, vector<16xi32>,
          tpu.vector_store %arg16[%swap3A_189], %select_n3A_188 {strides = array<i32>} : memref<128xi32, #tpu.memory_space<vmem>>, vector<16xi32>,
          %get3A_191 = arith.constant 32 : index
          %get3A_192 = tpu.vector_load %arg12[%get3A_191] {strides = array<i32>} : memref<128xi32, #tpu.memory_space<vmem>>, vector<16xi32>,
          %ge3A_193 = vector.broadcast %multiple_of3A_52 : i32 to vector<16xi32>
          %ge3A_194 = arith.cmpi sge, %get3A_192, %ge3A_193 : vector<16xi32>
          %add3A_195 = arith.constant 640 : i32
          %add3A_196 = arith.addi %multiple_of3A_52, %add3A_195 : i32
          %lt3A_197 = vector.broadcast %add3A_196 : i32 to vector<16xi32>
          %lt3A_198 = arith.cmpi slt, %get3A_192, %lt3A_197 : vector<16xi32>
          %and3A_199 = arith.andi %ge3A_194, %lt3A_198 : vector<16xi1>
          %sub3A_200 = vector.broadcast %multiple_of3A_52 : i32 to vector<16xi32>
          %sub3A_201 = arith.subi %get3A_192, %sub3A_200 : vector<16xi32>
          %jit3A_202 = arith.constant 640 : i32
          %broadcast_in_dim3A_203 = vector.broadcast %jit3A_202 : i32 to vector<16xi32>
          %select_n3A_204 = arith.select %and3A_199, %sub3A_201, %broadcast_in_dim3A_203 : vector<16xi1>, vector<16xi32>
          %add3A_205 = vector.broadcast %multiple_of3A_8 : i32 to vector<16xi32>
          %add3A_206 = arith.addi %select_n3A_204, %add3A_205 : vector<16xi32>
          %swap3A_207 = arith.constant 32 : index
          %swap3A_208 = tpu.vector_load %arg14[%swap3A_207] {strides = array<i32>} : memref<128xi32, #tpu.memory_space<vmem>>, vector<16xi32>,
          tpu.vector_store %arg14[%swap3A_207], %add3A_206 {strides = array<i32>} : memref<128xi32, #tpu.memory_space<vmem>>, vector<16xi32>,
          %jit3A_209 = arith.constant 0 : i32
          %broadcast_in_dim3A_210 = vector.broadcast %jit3A_209 : i32 to vector<16xi32>
          %select_n3A_211 = arith.select %and3A_199, %select_n3A_204, %broadcast_in_dim3A_210 : vector<16xi1>, vector<16xi32>
          %gather3A_212 = tpu.vector_load_idx %arg20[%select_n3A_211] : memref<640xi32, #tpu.memory_space<vmem>>[vector<16xi32>], vector<16xi32>,
          %add3A_213 = vector.broadcast %multiple_of3A_5 : i32 to vector<16xi32>
          %add3A_214 = arith.addi %gather3A_212, %add3A_213 : vector<16xi32>
          %add3A_215 = arith.constant 256 : i32
          %add3A_216 = arith.addi %multiple_of3A_5, %add3A_215 : i32
          %broadcast_in_dim3A_217 = vector.broadcast %add3A_216 : i32 to vector<16xi32>
          %select_n3A_218 = arith.select %and3A_199, %add3A_214, %broadcast_in_dim3A_217 : vector<16xi1>, vector<16xi32>
          %swap3A_219 = arith.constant 32 : index
          %swap3A_220 = tpu.vector_load %arg16[%swap3A_219] {strides = array<i32>} : memref<128xi32, #tpu.memory_space<vmem>>, vector<16xi32>,
          tpu.vector_store %arg16[%swap3A_219], %select_n3A_218 {strides = array<i32>} : memref<128xi32, #tpu.memory_space<vmem>>, vector<16xi32>,
          %get3A_221 = arith.constant 48 : index
          %get3A_222 = tpu.vector_load %arg12[%get3A_221] {strides = array<i32>} : memref<128xi32, #tpu.memory_space<vmem>>, vector<16xi32>,
          %ge3A_223 = vector.broadcast %multiple_of3A_52 : i32 to vector<16xi32>
          %ge3A_224 = arith.cmpi sge, %get3A_222, %ge3A_223 : vector<16xi32>
          %add3A_225 = arith.constant 640 : i32
          %add3A_226 = arith.addi %multiple_of3A_52, %add3A_225 : i32
          %lt3A_227 = vector.broadcast %add3A_226 : i32 to vector<16xi32>
          %lt3A_228 = arith.cmpi slt, %get3A_222, %lt3A_227 : vector<16xi32>
          %and3A_229 = arith.andi %ge3A_224, %lt3A_228 : vector<16xi1>
          %sub3A_230 = vector.broadcast %multiple_of3A_52 : i32 to vector<16xi32>
          %sub3A_231 = arith.subi %get3A_222, %sub3A_230 : vector<16xi32>
          %jit3A_232 = arith.constant 640 : i32
          %broadcast_in_dim3A_233 = vector.broadcast %jit3A_232 : i32 to vector<16xi32>
          %select_n3A_234 = arith.select %and3A_229, %sub3A_231, %broadcast_in_dim3A_233 : vector<16xi1>, vector<16xi32>
          %add3A_235 = vector.broadcast %multiple_of3A_8 : i32 to vector<16xi32>
          %add3A_236 = arith.addi %select_n3A_234, %add3A_235 : vector<16xi32>
          %swap3A_237 = arith.constant 48 : index
          %swap3A_238 = tpu.vector_load %arg14[%swap3A_237] {strides = array<i32>} : memref<128xi32, #tpu.memory_space<vmem>>, vector<16xi32>,
          tpu.vector_store %arg14[%swap3A_237], %add3A_236 {strides = array<i32>} : memref<128xi32, #tpu.memory_space<vmem>>, vector<16xi32>,
          %jit3A_239 = arith.constant 0 : i32
          %broadcast_in_dim3A_240 = vector.broadcast %jit3A_239 : i32 to vector<16xi32>
          %select_n3A_241 = arith.select %and3A_229, %select_n3A_234, %broadcast_in_dim3A_240 : vector<16xi1>, vector<16xi32>
          %gather3A_242 = tpu.vector_load_idx %arg20[%select_n3A_241] : memref<640xi32, #tpu.memory_space<vmem>>[vector<16xi32>], vector<16xi32>,
          %add3A_243 = vector.broadcast %multiple_of3A_5 : i32 to vector<16xi32>
          %add3A_244 = arith.addi %gather3A_242, %add3A_243 : vector<16xi32>
          %add3A_245 = arith.constant 256 : i32
          %add3A_246 = arith.addi %multiple_of3A_5, %add3A_245 : i32
          %broadcast_in_dim3A_247 = vector.broadcast %add3A_246 : i32 to vector<16xi32>
          %select_n3A_248 = arith.select %and3A_229, %add3A_244, %broadcast_in_dim3A_247 : vector<16xi1>, vector<16xi32>
          %swap3A_249 = arith.constant 48 : index
          %swap3A_250 = tpu.vector_load %arg16[%swap3A_249] {strides = array<i32>} : memref<128xi32, #tpu.memory_space<vmem>>, vector<16xi32>,
          tpu.vector_store %arg16[%swap3A_249], %select_n3A_248 {strides = array<i32>} : memref<128xi32, #tpu.memory_space<vmem>>, vector<16xi32>,
          %get3A_251 = arith.constant 64 : index
          %get3A_252 = tpu.vector_load %arg12[%get3A_251] {strides = array<i32>} : memref<128xi32, #tpu.memory_space<vmem>>, vector<16xi32>,
          %ge3A_253 = vector.broadcast %multiple_of3A_52 : i32 to vector<16xi32>
          %ge3A_254 = arith.cmpi sge, %get3A_252, %ge3A_253 : vector<16xi32>
          %add3A_255 = arith.constant 640 : i32
          %add3A_256 = arith.addi %multiple_of3A_52, %add3A_255 : i32
          %lt3A_257 = vector.broadcast %add3A_256 : i32 to vector<16xi32>
          %lt3A_258 = arith.cmpi slt, %get3A_252, %lt3A_257 : vector<16xi32>
          %and3A_259 = arith.andi %ge3A_254, %lt3A_258 : vector<16xi1>
          %sub3A_260 = vector.broadcast %multiple_of3A_52 : i32 to vector<16xi32>
          %sub3A_261 = arith.subi %get3A_252, %sub3A_260 : vector<16xi32>
          %jit3A_262 = arith.constant 640 : i32
          %broadcast_in_dim3A_263 = vector.broadcast %jit3A_262 : i32 to vector<16xi32>
          %select_n3A_264 = arith.select %and3A_259, %sub3A_261, %broadcast_in_dim3A_263 : vector<16xi1>, vector<16xi32>
          %add3A_265 = vector.broadcast %multiple_of3A_8 : i32 to vector<16xi32>
          %add3A_266 = arith.addi %select_n3A_264, %add3A_265 : vector<16xi32>
          %swap3A_267 = arith.constant 64 : index
          %swap3A_268 = tpu.vector_load %arg14[%swap3A_267] {strides = array<i32>} : memref<128xi32, #tpu.memory_space<vmem>>, vector<16xi32>,
          tpu.vector_store %arg14[%swap3A_267], %add3A_266 {strides = array<i32>} : memref<128xi32, #tpu.memory_space<vmem>>, vector<16xi32>,
          %jit3A_269 = arith.constant 0 : i32
          %broadcast_in_dim3A_270 = vector.broadcast %jit3A_269 : i32 to vector<16xi32>
          %select_n3A_271 = arith.select %and3A_259, %select_n3A_264, %broadcast_in_dim3A_270 : vector<16xi1>, vector<16xi32>
          %gather3A_272 = tpu.vector_load_idx %arg20[%select_n3A_271] : memref<640xi32, #tpu.memory_space<vmem>>[vector<16xi32>], vector<16xi32>,
          %add3A_273 = vector.broadcast %multiple_of3A_5 : i32 to vector<16xi32>
          %add3A_274 = arith.addi %gather3A_272, %add3A_273 : vector<16xi32>
          %add3A_275 = arith.constant 256 : i32
          %add3A_276 = arith.addi %multiple_of3A_5, %add3A_275 : i32
          %broadcast_in_dim3A_277 = vector.broadcast %add3A_276 : i32 to vector<16xi32>
          %select_n3A_278 = arith.select %and3A_259, %add3A_274, %broadcast_in_dim3A_277 : vector<16xi1>, vector<16xi32>
          %swap3A_279 = arith.constant 64 : index
          %swap3A_280 = tpu.vector_load %arg16[%swap3A_279] {strides = array<i32>} : memref<128xi32, #tpu.memory_space<vmem>>, vector<16xi32>,
          tpu.vector_store %arg16[%swap3A_279], %select_n3A_278 {strides = array<i32>} : memref<128xi32, #tpu.memory_space<vmem>>, vector<16xi32>,
          %get3A_281 = arith.constant 80 : index
          %get3A_282 = tpu.vector_load %arg12[%get3A_281] {strides = array<i32>} : memref<128xi32, #tpu.memory_space<vmem>>, vector<16xi32>,
          %ge3A_283 = vector.broadcast %multiple_of3A_52 : i32 to vector<16xi32>
          %ge3A_284 = arith.cmpi sge, %get3A_282, %ge3A_283 : vector<16xi32>
          %add3A_285 = arith.constant 640 : i32
          %add3A_286 = arith.addi %multiple_of3A_52, %add3A_285 : i32
          %lt3A_287 = vector.broadcast %add3A_286 : i32 to vector<16xi32>
          %lt3A_288 = arith.cmpi slt, %get3A_282, %lt3A_287 : vector<16xi32>
          %and3A_289 = arith.andi %ge3A_284, %lt3A_288 : vector<16xi1>
          %sub3A_290 = vector.broadcast %multiple_of3A_52 : i32 to vector<16xi32>
          %sub3A_291 = arith.subi %get3A_282, %sub3A_290 : vector<16xi32>
          %jit3A_292 = arith.constant 640 : i32
          %broadcast_in_dim3A_293 = vector.broadcast %jit3A_292 : i32 to vector<16xi32>
          %select_n3A_294 = arith.select %and3A_289, %sub3A_291, %broadcast_in_dim3A_293 : vector<16xi1>, vector<16xi32>
          %add3A_295 = vector.broadcast %multiple_of3A_8 : i32 to vector<16xi32>
          %add3A_296 = arith.addi %select_n3A_294, %add3A_295 : vector<16xi32>
          %swap3A_297 = arith.constant 80 : index
          %swap3A_298 = tpu.vector_load %arg14[%swap3A_297] {strides = array<i32>} : memref<128xi32, #tpu.memory_space<vmem>>, vector<16xi32>,
          tpu.vector_store %arg14[%swap3A_297], %add3A_296 {strides = array<i32>} : memref<128xi32, #tpu.memory_space<vmem>>, vector<16xi32>,
          %jit3A_299 = arith.constant 0 : i32
          %broadcast_in_dim3A_300 = vector.broadcast %jit3A_299 : i32 to vector<16xi32>
          %select_n3A_301 = arith.select %and3A_289, %select_n3A_294, %broadcast_in_dim3A_300 : vector<16xi1>, vector<16xi32>
          %gather3A_302 = tpu.vector_load_idx %arg20[%select_n3A_301] : memref<640xi32, #tpu.memory_space<vmem>>[vector<16xi32>], vector<16xi32>,
          %add3A_303 = vector.broadcast %multiple_of3A_5 : i32 to vector<16xi32>
          %add3A_304 = arith.addi %gather3A_302, %add3A_303 : vector<16xi32>
          %add3A_305 = arith.constant 256 : i32
          %add3A_306 = arith.addi %multiple_of3A_5, %add3A_305 : i32
          %broadcast_in_dim3A_307 = vector.broadcast %add3A_306 : i32 to vector<16xi32>
          %select_n3A_308 = arith.select %and3A_289, %add3A_304, %broadcast_in_dim3A_307 : vector<16xi1>, vector<16xi32>
          %swap3A_309 = arith.constant 80 : index
          %swap3A_310 = tpu.vector_load %arg16[%swap3A_309] {strides = array<i32>} : memref<128xi32, #tpu.memory_space<vmem>>, vector<16xi32>,
          tpu.vector_store %arg16[%swap3A_309], %select_n3A_308 {strides = array<i32>} : memref<128xi32, #tpu.memory_space<vmem>>, vector<16xi32>,
          %get3A_311 = arith.constant 96 : index
          %get3A_312 = tpu.vector_load %arg12[%get3A_311] {strides = array<i32>} : memref<128xi32, #tpu.memory_space<vmem>>, vector<16xi32>,
          %ge3A_313 = vector.broadcast %multiple_of3A_52 : i32 to vector<16xi32>
          %ge3A_314 = arith.cmpi sge, %get3A_312, %ge3A_313 : vector<16xi32>
          %add3A_315 = arith.constant 640 : i32
          %add3A_316 = arith.addi %multiple_of3A_52, %add3A_315 : i32
          %lt3A_317 = vector.broadcast %add3A_316 : i32 to vector<16xi32>
          %lt3A_318 = arith.cmpi slt, %get3A_312, %lt3A_317 : vector<16xi32>
          %and3A_319 = arith.andi %ge3A_314, %lt3A_318 : vector<16xi1>
          %sub3A_320 = vector.broadcast %multiple_of3A_52 : i32 to vector<16xi32>
          %sub3A_321 = arith.subi %get3A_312, %sub3A_320 : vector<16xi32>
          %jit3A_322 = arith.constant 640 : i32
          %broadcast_in_dim3A_323 = vector.broadcast %jit3A_322 : i32 to vector<16xi32>
          %select_n3A_324 = arith.select %and3A_319, %sub3A_321, %broadcast_in_dim3A_323 : vector<16xi1>, vector<16xi32>
          %add3A_325 = vector.broadcast %multiple_of3A_8 : i32 to vector<16xi32>
          %add3A_326 = arith.addi %select_n3A_324, %add3A_325 : vector<16xi32>
          %swap3A_327 = arith.constant 96 : index
          %swap3A_328 = tpu.vector_load %arg14[%swap3A_327] {strides = array<i32>} : memref<128xi32, #tpu.memory_space<vmem>>, vector<16xi32>,
          tpu.vector_store %arg14[%swap3A_327], %add3A_326 {strides = array<i32>} : memref<128xi32, #tpu.memory_space<vmem>>, vector<16xi32>,
          %jit3A_329 = arith.constant 0 : i32
          %broadcast_in_dim3A_330 = vector.broadcast %jit3A_329 : i32 to vector<16xi32>
          %select_n3A_331 = arith.select %and3A_319, %select_n3A_324, %broadcast_in_dim3A_330 : vector<16xi1>, vector<16xi32>
          %gather3A_332 = tpu.vector_load_idx %arg20[%select_n3A_331] : memref<640xi32, #tpu.memory_space<vmem>>[vector<16xi32>], vector<16xi32>,
          %add3A_333 = vector.broadcast %multiple_of3A_5 : i32 to vector<16xi32>
          %add3A_334 = arith.addi %gather3A_332, %add3A_333 : vector<16xi32>
          %add3A_335 = arith.constant 256 : i32
          %add3A_336 = arith.addi %multiple_of3A_5, %add3A_335 : i32
          %broadcast_in_dim3A_337 = vector.broadcast %add3A_336 : i32 to vector<16xi32>
          %select_n3A_338 = arith.select %and3A_319, %add3A_334, %broadcast_in_dim3A_337 : vector<16xi1>, vector<16xi32>
          %swap3A_339 = arith.constant 96 : index
          %swap3A_340 = tpu.vector_load %arg16[%swap3A_339] {strides = array<i32>} : memref<128xi32, #tpu.memory_space<vmem>>, vector<16xi32>,
          tpu.vector_store %arg16[%swap3A_339], %select_n3A_338 {strides = array<i32>} : memref<128xi32, #tpu.memory_space<vmem>>, vector<16xi32>,
          %get3A_341 = arith.constant 112 : index
          %get3A_342 = tpu.vector_load %arg12[%get3A_341] {strides = array<i32>} : memref<128xi32, #tpu.memory_space<vmem>>, vector<16xi32>,
          %ge3A_343 = vector.broadcast %multiple_of3A_52 : i32 to vector<16xi32>
          %ge3A_344 = arith.cmpi sge, %get3A_342, %ge3A_343 : vector<16xi32>
          %add3A_345 = arith.constant 640 : i32
          %add3A_346 = arith.addi %multiple_of3A_52, %add3A_345 : i32
          %lt3A_347 = vector.broadcast %add3A_346 : i32 to vector<16xi32>
          %lt3A_348 = arith.cmpi slt, %get3A_342, %lt3A_347 : vector<16xi32>
          %and3A_349 = arith.andi %ge3A_344, %lt3A_348 : vector<16xi1>
          %sub3A_350 = vector.broadcast %multiple_of3A_52 : i32 to vector<16xi32>
          %sub3A_351 = arith.subi %get3A_342, %sub3A_350 : vector<16xi32>
          %jit3A_352 = arith.constant 640 : i32
          %broadcast_in_dim3A_353 = vector.broadcast %jit3A_352 : i32 to vector<16xi32>
          %select_n3A_354 = arith.select %and3A_349, %sub3A_351, %broadcast_in_dim3A_353 : vector<16xi1>, vector<16xi32>
          %add3A_355 = vector.broadcast %multiple_of3A_8 : i32 to vector<16xi32>
          %add3A_356 = arith.addi %select_n3A_354, %add3A_355 : vector<16xi32>
          %swap3A_357 = arith.constant 112 : index
          %swap3A_358 = tpu.vector_load %arg14[%swap3A_357] {strides = array<i32>} : memref<128xi32, #tpu.memory_space<vmem>>, vector<16xi32>,
          tpu.vector_store %arg14[%swap3A_357], %add3A_356 {strides = array<i32>} : memref<128xi32, #tpu.memory_space<vmem>>, vector<16xi32>,
          %jit3A_359 = arith.constant 0 : i32
          %broadcast_in_dim3A_360 = vector.broadcast %jit3A_359 : i32 to vector<16xi32>
          %select_n3A_361 = arith.select %and3A_349, %select_n3A_354, %broadcast_in_dim3A_360 : vector<16xi1>, vector<16xi32>
          %gather3A_362 = tpu.vector_load_idx %arg20[%select_n3A_361] : memref<640xi32, #tpu.memory_space<vmem>>[vector<16xi32>], vector<16xi32>,
          %add3A_363 = vector.broadcast %multiple_of3A_5 : i32 to vector<16xi32>
          %add3A_364 = arith.addi %gather3A_362, %add3A_363 : vector<16xi32>
          %add3A_365 = arith.constant 256 : i32
          %add3A_366 = arith.addi %multiple_of3A_5, %add3A_365 : i32
          %broadcast_in_dim3A_367 = vector.broadcast %add3A_366 : i32 to vector<16xi32>
          %select_n3A_368 = arith.select %and3A_349, %add3A_364, %broadcast_in_dim3A_367 : vector<16xi1>, vector<16xi32>
          %swap3A_369 = arith.constant 112 : index
          %swap3A_370 = tpu.vector_load %arg16[%swap3A_369] {strides = array<i32>} : memref<128xi32, #tpu.memory_space<vmem>>, vector<16xi32>,
          tpu.vector_store %arg16[%swap3A_369], %select_n3A_368 {strides = array<i32>} : memref<128xi32, #tpu.memory_space<vmem>>, vector<16xi32>,
          %dma_wait3A_371 = arith.constant 0 : i32
          %dma_wait3A_372 = arith.constant 0 : i32
          %dma_wait3A_373 = tpu.memref_slice %arg2[%dma_wait3A_371, %dma_wait3A_372] : memref<100000x64xf32, #tpu.memory_space<hbm>> -> memref<128x64xf32, #tpu.memory_space<hbm>>
          %dma_wait3A_374 = arith.constant 0 : i32
          %dma_wait3A_375 = arith.constant 0 : i32
          %dma_wait3A_376 = tpu.memref_slice %arg2[%dma_wait3A_374, %dma_wait3A_375] : memref<100000x64xf32, #tpu.memory_space<hbm>> -> memref<128x64xf32, #tpu.memory_space<hbm>>
          tpu.wait_dma2 semaphore(%arg25 : memref<!tpu.dma_semaphore, #tpu.memory_space<semaphore_mem>>) src(%dma_wait3A_376 : memref<128x64xf32, #tpu.memory_space<hbm>>) dst(%arg18 : memref<128x64xf32, #tpu.memory_space<vmem>>)
          %dma_start3A_377 = arith.constant 0 : i32
          %dma_start3A_378 = arith.constant 0 : i32
          %dma_start3A_379 = tpu.memref_slice %arg31[%dma_start3A_377, %dma_start3A_378] : memref<10368x64xf32, #tpu.memory_space<vmem_shared>> -> memref<10368x64xf32, #tpu.memory_space<vmem_shared>>
          tpu.enqueue_indirect_dma source(%arg18 : memref<128x64xf32, #tpu.memory_space<vmem>>) target(%dma_start3A_379 : memref<10368x64xf32, #tpu.memory_space<vmem_shared>>) offsets(%arg14 : memref<128xi32, #tpu.memory_space<vmem>>) semaphore(%arg27 : memref<!tpu.dma_semaphore, #tpu.memory_space<semaphore_mem>>) {add = true}
          %dma_start3A_380 = arith.constant 0 : i32
          %dma_start3A_381 = arith.constant 0 : i32
          %dma_start3A_382 = tpu.memref_slice %arg32[%dma_start3A_380, %dma_start3A_381] : memref<4224x64xf32, #tpu.memory_space<vmem_shared>> -> memref<4224x64xf32, #tpu.memory_space<vmem_shared>>
          tpu.enqueue_indirect_dma source(%arg18 : memref<128x64xf32, #tpu.memory_space<vmem>>) target(%dma_start3A_382 : memref<4224x64xf32, #tpu.memory_space<vmem_shared>>) offsets(%arg16 : memref<128xi32, #tpu.memory_space<vmem>>) semaphore(%arg29 : memref<!tpu.dma_semaphore, #tpu.memory_space<semaphore_mem>>) {add = true}
        } else {
        }
        %mul3A_101 = arith.constant 2 : i32
        %mul3A_102 = arith.muli %while3A_93, %mul3A_101 : i32
        %add3A_103 = arith.constant 1 : i32
        %add3A_104 = arith.addi %mul3A_102, %add3A_103 : i32
        %lt3A_105 = arith.cmpi slt, %add3A_104, %reduce_max3A_46 : i32
        %convert_element_type3A_106 = arith.extui %lt3A_105 : i1 to i32
        %cond3A_107 = arith.constant 0 : i32
        %cond3A_108 = arith.cmpi ne, %convert_element_type3A_106, %cond3A_107 : i32
        scf.if %cond3A_108 {
          %ge3A_109 = arith.constant 2 : i32
          %ge3A_110 = arith.cmpi sge, %add3A_104, %ge3A_109 : i32
          %convert_element_type3A_111 = arith.extui %ge3A_110 : i1 to i32
          %cond3A_112 = arith.constant 0 : i32
          %cond3A_113 = arith.cmpi ne, %convert_element_type3A_111, %cond3A_112 : i32
          scf.if %cond3A_113 {
            %dma_wait3A_383 = arith.constant 0 : i32
            %dma_wait3A_384 = arith.constant 0 : i32
            %dma_wait3A_385 = tpu.memref_slice %arg2[%dma_wait3A_383, %dma_wait3A_384] : memref<100000x64xf32, #tpu.memory_space<hbm>> -> memref<128x64xf32, #tpu.memory_space<hbm>>
            %dma_wait3A_386 = arith.constant 0 : i32
            %dma_wait3A_387 = arith.constant 0 : i32
            %dma_wait3A_388 = tpu.memref_slice %arg2[%dma_wait3A_386, %dma_wait3A_387] : memref<100000x64xf32, #tpu.memory_space<hbm>> -> memref<128x64xf32, #tpu.memory_space<hbm>>
            tpu.wait_dma2 semaphore(%arg28 : memref<!tpu.dma_semaphore, #tpu.memory_space<semaphore_mem>>) src(%dma_wait3A_388 : memref<128x64xf32, #tpu.memory_space<hbm>>) dst(%arg19 : memref<128x64xf32, #tpu.memory_space<vmem>>)
            %dma_wait3A_389 = arith.constant 0 : i32
            %dma_wait3A_390 = arith.constant 0 : i32
            %dma_wait3A_391 = tpu.memref_slice %arg2[%dma_wait3A_389, %dma_wait3A_390] : memref<100000x64xf32, #tpu.memory_space<hbm>> -> memref<128x64xf32, #tpu.memory_space<hbm>>
            %dma_wait3A_392 = arith.constant 0 : i32
            %dma_wait3A_393 = arith.constant 0 : i32
            %dma_wait3A_394 = tpu.memref_slice %arg2[%dma_wait3A_392, %dma_wait3A_393] : memref<100000x64xf32, #tpu.memory_space<hbm>> -> memref<128x64xf32, #tpu.memory_space<hbm>>
            tpu.wait_dma2 semaphore(%arg30 : memref<!tpu.dma_semaphore, #tpu.memory_space<semaphore_mem>>) src(%dma_wait3A_394 : memref<128x64xf32, #tpu.memory_space<hbm>>) dst(%arg19 : memref<128x64xf32, #tpu.memory_space<vmem>>)
          } else {
          }
          %dma_wait3A = arith.constant 0 : i32
          %dma_wait3A_114 = arith.constant 0 : i32
          %dma_wait3A_115 = tpu.memref_slice %arg2[%dma_wait3A, %dma_wait3A_114] : memref<100000x64xf32, #tpu.memory_space<hbm>> -> memref<128x64xf32, #tpu.memory_space<hbm>>
          %dma_wait3A_116 = arith.constant 0 : i32
          %dma_wait3A_117 = arith.constant 0 : i32
          %dma_wait3A_118 = tpu.memref_slice %arg2[%dma_wait3A_116, %dma_wait3A_117] : memref<100000x64xf32, #tpu.memory_space<hbm>> -> memref<128x64xf32, #tpu.memory_space<hbm>>
          tpu.wait_dma2 semaphore(%arg24 : memref<!tpu.dma_semaphore, #tpu.memory_space<semaphore_mem>>) src(%dma_wait3A_118 : memref<128x64xf32, #tpu.memory_space<hbm>>) dst(%arg11 : memref<128xi32, #tpu.memory_space<vmem>>)
          %dma_wait3A_119 = arith.constant 0 : i32
          %dma_wait3A_120 = arith.constant 0 : i32
          %dma_wait3A_121 = tpu.memref_slice %arg2[%dma_wait3A_119, %dma_wait3A_120] : memref<100000x64xf32, #tpu.memory_space<hbm>> -> memref<128x64xf32, #tpu.memory_space<hbm>>
          %dma_wait3A_122 = arith.constant 0 : i32
          %dma_wait3A_123 = arith.constant 0 : i32
          %dma_wait3A_124 = tpu.memref_slice %arg2[%dma_wait3A_122, %dma_wait3A_123] : memref<100000x64xf32, #tpu.memory_space<hbm>> -> memref<128x64xf32, #tpu.memory_space<hbm>>
          tpu.wait_dma2 semaphore(%arg24 : memref<!tpu.dma_semaphore, #tpu.memory_space<semaphore_mem>>) src(%dma_wait3A_124 : memref<128x64xf32, #tpu.memory_space<hbm>>) dst(%arg13 : memref<128xi32, #tpu.memory_space<vmem>>)
          %add3A_125 = arith.constant 1 : i32
          %add3A_126 = arith.addi %add3A_104, %add3A_125 : i32
          %lt3A_127 = arith.cmpi slt, %add3A_126, %reduce_max3A_46 : i32
          %convert_element_type3A_128 = arith.extui %lt3A_127 : i1 to i32
          %cond3A_129 = arith.constant 0 : i32
          %cond3A_130 = arith.cmpi ne, %convert_element_type3A_128, %cond3A_129 : i32
          scf.if %cond3A_130 {
            %add3A_383 = arith.constant 1 : i32
            %add3A_384 = arith.addi %add3A_104, %add3A_383 : i32
            %mul3A_385 = arith.constant 128 : i32
            %mul3A_386 = arith.muli %add3A_384, %mul3A_385 : i32
            %add3A_387 = arith.addi %reduce_max3A_32, %mul3A_386 : i32
            %multiple_of3A_388 = tpu.assume_multiple %add3A_387, 8 : i32
            %dma_start3A_389 = tpu.memref_slice %arg3[%multiple_of3A_388] : memref<400256xi32, #tpu.memory_space<hbm>> -> memref<128xi32, #tpu.memory_space<hbm>>
            %dma_start3A_390 = tpu.memref_slice %arg3[%multiple_of3A_388] : memref<400256xi32, #tpu.memory_space<hbm>> -> memref<128xi32, #tpu.memory_space<hbm>>
            tpu.enqueue_dma source(%dma_start3A_390 : memref<128xi32, #tpu.memory_space<hbm>>) target(%arg10 : memref<128xi32, #tpu.memory_space<vmem>>) target_semaphore(%arg23 : memref<!tpu.dma_semaphore, #tpu.memory_space<semaphore_mem>>)
            %dma_start3A_391 = tpu.memref_slice %arg4[%multiple_of3A_388] : memref<400256xi32, #tpu.memory_space<hbm>> -> memref<128xi32, #tpu.memory_space<hbm>>
            %dma_start3A_392 = tpu.memref_slice %arg4[%multiple_of3A_388] : memref<400256xi32, #tpu.memory_space<hbm>> -> memref<128xi32, #tpu.memory_space<hbm>>
            tpu.enqueue_dma source(%dma_start3A_392 : memref<128xi32, #tpu.memory_space<hbm>>) target(%arg12 : memref<128xi32, #tpu.memory_space<vmem>>) target_semaphore(%arg23 : memref<!tpu.dma_semaphore, #tpu.memory_space<semaphore_mem>>)
          } else {
          }
          %dma_start3A = arith.constant 0 : i32
          %dma_start3A_131 = arith.constant 0 : i32
          %dma_start3A_132 = tpu.memref_slice %arg2[%dma_start3A, %dma_start3A_131] : memref<100000x64xf32, #tpu.memory_space<hbm>> -> memref<100000x64xf32, #tpu.memory_space<hbm>>
          tpu.enqueue_indirect_dma source(%dma_start3A_132 : memref<100000x64xf32, #tpu.memory_space<hbm>>) target(%arg19 : memref<128x64xf32, #tpu.memory_space<vmem>>) offsets(%arg11 : memref<128xi32, #tpu.memory_space<vmem>>) semaphore(%arg26 : memref<!tpu.dma_semaphore, #tpu.memory_space<semaphore_mem>>)
          %get3A_133 = arith.constant 0 : index
          %get3A_134 = tpu.vector_load %arg13[%get3A_133] {strides = array<i32>} : memref<128xi32, #tpu.memory_space<vmem>>, vector<16xi32>,
          %ge3A_135 = vector.broadcast %multiple_of3A_52 : i32 to vector<16xi32>
          %ge3A_136 = arith.cmpi sge, %get3A_134, %ge3A_135 : vector<16xi32>
          %add3A_137 = arith.constant 640 : i32
          %add3A_138 = arith.addi %multiple_of3A_52, %add3A_137 : i32
          %lt3A_139 = vector.broadcast %add3A_138 : i32 to vector<16xi32>
          %lt3A_140 = arith.cmpi slt, %get3A_134, %lt3A_139 : vector<16xi32>
          %and3A_141 = arith.andi %ge3A_136, %lt3A_140 : vector<16xi1>
          %sub3A_142 = vector.broadcast %multiple_of3A_52 : i32 to vector<16xi32>
          %sub3A_143 = arith.subi %get3A_134, %sub3A_142 : vector<16xi32>
          %jit3A_144 = arith.constant 640 : i32
          %broadcast_in_dim3A_145 = vector.broadcast %jit3A_144 : i32 to vector<16xi32>
          %select_n3A_146 = arith.select %and3A_141, %sub3A_143, %broadcast_in_dim3A_145 : vector<16xi1>, vector<16xi32>
          %add3A_147 = vector.broadcast %multiple_of3A_8 : i32 to vector<16xi32>
          %add3A_148 = arith.addi %select_n3A_146, %add3A_147 : vector<16xi32>
          %swap3A = arith.constant 0 : index
          %swap3A_149 = tpu.vector_load %arg15[%swap3A] {strides = array<i32>} : memref<128xi32, #tpu.memory_space<vmem>>, vector<16xi32>,
          tpu.vector_store %arg15[%swap3A], %add3A_148 {strides = array<i32>} : memref<128xi32, #tpu.memory_space<vmem>>, vector<16xi32>,
          %jit3A_150 = arith.constant 0 : i32
          %broadcast_in_dim3A_151 = vector.broadcast %jit3A_150 : i32 to vector<16xi32>
          %select_n3A_152 = arith.select %and3A_141, %select_n3A_146, %broadcast_in_dim3A_151 : vector<16xi1>, vector<16xi32>
          %gather3A = tpu.vector_load_idx %arg20[%select_n3A_152] : memref<640xi32, #tpu.memory_space<vmem>>[vector<16xi32>], vector<16xi32>,
          %add3A_153 = vector.broadcast %multiple_of3A_5 : i32 to vector<16xi32>
          %add3A_154 = arith.addi %gather3A, %add3A_153 : vector<16xi32>
          %add3A_155 = arith.constant 256 : i32
          %add3A_156 = arith.addi %multiple_of3A_5, %add3A_155 : i32
          %broadcast_in_dim3A_157 = vector.broadcast %add3A_156 : i32 to vector<16xi32>
          %select_n3A_158 = arith.select %and3A_141, %add3A_154, %broadcast_in_dim3A_157 : vector<16xi1>, vector<16xi32>
          %swap3A_159 = arith.constant 0 : index
          %swap3A_160 = tpu.vector_load %arg17[%swap3A_159] {strides = array<i32>} : memref<128xi32, #tpu.memory_space<vmem>>, vector<16xi32>,
          tpu.vector_store %arg17[%swap3A_159], %select_n3A_158 {strides = array<i32>} : memref<128xi32, #tpu.memory_space<vmem>>, vector<16xi32>,
          %get3A_161 = arith.constant 16 : index
          %get3A_162 = tpu.vector_load %arg13[%get3A_161] {strides = array<i32>} : memref<128xi32, #tpu.memory_space<vmem>>, vector<16xi32>,
          %ge3A_163 = vector.broadcast %multiple_of3A_52 : i32 to vector<16xi32>
          %ge3A_164 = arith.cmpi sge, %get3A_162, %ge3A_163 : vector<16xi32>
          %add3A_165 = arith.constant 640 : i32
          %add3A_166 = arith.addi %multiple_of3A_52, %add3A_165 : i32
          %lt3A_167 = vector.broadcast %add3A_166 : i32 to vector<16xi32>
          %lt3A_168 = arith.cmpi slt, %get3A_162, %lt3A_167 : vector<16xi32>
          %and3A_169 = arith.andi %ge3A_164, %lt3A_168 : vector<16xi1>
          %sub3A_170 = vector.broadcast %multiple_of3A_52 : i32 to vector<16xi32>
          %sub3A_171 = arith.subi %get3A_162, %sub3A_170 : vector<16xi32>
          %jit3A_172 = arith.constant 640 : i32
          %broadcast_in_dim3A_173 = vector.broadcast %jit3A_172 : i32 to vector<16xi32>
          %select_n3A_174 = arith.select %and3A_169, %sub3A_171, %broadcast_in_dim3A_173 : vector<16xi1>, vector<16xi32>
          %add3A_175 = vector.broadcast %multiple_of3A_8 : i32 to vector<16xi32>
          %add3A_176 = arith.addi %select_n3A_174, %add3A_175 : vector<16xi32>
          %swap3A_177 = arith.constant 16 : index
          %swap3A_178 = tpu.vector_load %arg15[%swap3A_177] {strides = array<i32>} : memref<128xi32, #tpu.memory_space<vmem>>, vector<16xi32>,
          tpu.vector_store %arg15[%swap3A_177], %add3A_176 {strides = array<i32>} : memref<128xi32, #tpu.memory_space<vmem>>, vector<16xi32>,
          %jit3A_179 = arith.constant 0 : i32
          %broadcast_in_dim3A_180 = vector.broadcast %jit3A_179 : i32 to vector<16xi32>
          %select_n3A_181 = arith.select %and3A_169, %select_n3A_174, %broadcast_in_dim3A_180 : vector<16xi1>, vector<16xi32>
          %gather3A_182 = tpu.vector_load_idx %arg20[%select_n3A_181] : memref<640xi32, #tpu.memory_space<vmem>>[vector<16xi32>], vector<16xi32>,
          %add3A_183 = vector.broadcast %multiple_of3A_5 : i32 to vector<16xi32>
          %add3A_184 = arith.addi %gather3A_182, %add3A_183 : vector<16xi32>
          %add3A_185 = arith.constant 256 : i32
          %add3A_186 = arith.addi %multiple_of3A_5, %add3A_185 : i32
          %broadcast_in_dim3A_187 = vector.broadcast %add3A_186 : i32 to vector<16xi32>
          %select_n3A_188 = arith.select %and3A_169, %add3A_184, %broadcast_in_dim3A_187 : vector<16xi1>, vector<16xi32>
          %swap3A_189 = arith.constant 16 : index
          %swap3A_190 = tpu.vector_load %arg17[%swap3A_189] {strides = array<i32>} : memref<128xi32, #tpu.memory_space<vmem>>, vector<16xi32>,
          tpu.vector_store %arg17[%swap3A_189], %select_n3A_188 {strides = array<i32>} : memref<128xi32, #tpu.memory_space<vmem>>, vector<16xi32>,
          %get3A_191 = arith.constant 32 : index
          %get3A_192 = tpu.vector_load %arg13[%get3A_191] {strides = array<i32>} : memref<128xi32, #tpu.memory_space<vmem>>, vector<16xi32>,
          %ge3A_193 = vector.broadcast %multiple_of3A_52 : i32 to vector<16xi32>
          %ge3A_194 = arith.cmpi sge, %get3A_192, %ge3A_193 : vector<16xi32>
          %add3A_195 = arith.constant 640 : i32
          %add3A_196 = arith.addi %multiple_of3A_52, %add3A_195 : i32
          %lt3A_197 = vector.broadcast %add3A_196 : i32 to vector<16xi32>
          %lt3A_198 = arith.cmpi slt, %get3A_192, %lt3A_197 : vector<16xi32>
          %and3A_199 = arith.andi %ge3A_194, %lt3A_198 : vector<16xi1>
          %sub3A_200 = vector.broadcast %multiple_of3A_52 : i32 to vector<16xi32>
          %sub3A_201 = arith.subi %get3A_192, %sub3A_200 : vector<16xi32>
          %jit3A_202 = arith.constant 640 : i32
          %broadcast_in_dim3A_203 = vector.broadcast %jit3A_202 : i32 to vector<16xi32>
          %select_n3A_204 = arith.select %and3A_199, %sub3A_201, %broadcast_in_dim3A_203 : vector<16xi1>, vector<16xi32>
          %add3A_205 = vector.broadcast %multiple_of3A_8 : i32 to vector<16xi32>
          %add3A_206 = arith.addi %select_n3A_204, %add3A_205 : vector<16xi32>
          %swap3A_207 = arith.constant 32 : index
          %swap3A_208 = tpu.vector_load %arg15[%swap3A_207] {strides = array<i32>} : memref<128xi32, #tpu.memory_space<vmem>>, vector<16xi32>,
          tpu.vector_store %arg15[%swap3A_207], %add3A_206 {strides = array<i32>} : memref<128xi32, #tpu.memory_space<vmem>>, vector<16xi32>,
          %jit3A_209 = arith.constant 0 : i32
          %broadcast_in_dim3A_210 = vector.broadcast %jit3A_209 : i32 to vector<16xi32>
          %select_n3A_211 = arith.select %and3A_199, %select_n3A_204, %broadcast_in_dim3A_210 : vector<16xi1>, vector<16xi32>
          %gather3A_212 = tpu.vector_load_idx %arg20[%select_n3A_211] : memref<640xi32, #tpu.memory_space<vmem>>[vector<16xi32>], vector<16xi32>,
          %add3A_213 = vector.broadcast %multiple_of3A_5 : i32 to vector<16xi32>
          %add3A_214 = arith.addi %gather3A_212, %add3A_213 : vector<16xi32>
          %add3A_215 = arith.constant 256 : i32
          %add3A_216 = arith.addi %multiple_of3A_5, %add3A_215 : i32
          %broadcast_in_dim3A_217 = vector.broadcast %add3A_216 : i32 to vector<16xi32>
          %select_n3A_218 = arith.select %and3A_199, %add3A_214, %broadcast_in_dim3A_217 : vector<16xi1>, vector<16xi32>
          %swap3A_219 = arith.constant 32 : index
          %swap3A_220 = tpu.vector_load %arg17[%swap3A_219] {strides = array<i32>} : memref<128xi32, #tpu.memory_space<vmem>>, vector<16xi32>,
          tpu.vector_store %arg17[%swap3A_219], %select_n3A_218 {strides = array<i32>} : memref<128xi32, #tpu.memory_space<vmem>>, vector<16xi32>,
          %get3A_221 = arith.constant 48 : index
          %get3A_222 = tpu.vector_load %arg13[%get3A_221] {strides = array<i32>} : memref<128xi32, #tpu.memory_space<vmem>>, vector<16xi32>,
          %ge3A_223 = vector.broadcast %multiple_of3A_52 : i32 to vector<16xi32>
          %ge3A_224 = arith.cmpi sge, %get3A_222, %ge3A_223 : vector<16xi32>
          %add3A_225 = arith.constant 640 : i32
          %add3A_226 = arith.addi %multiple_of3A_52, %add3A_225 : i32
          %lt3A_227 = vector.broadcast %add3A_226 : i32 to vector<16xi32>
          %lt3A_228 = arith.cmpi slt, %get3A_222, %lt3A_227 : vector<16xi32>
          %and3A_229 = arith.andi %ge3A_224, %lt3A_228 : vector<16xi1>
          %sub3A_230 = vector.broadcast %multiple_of3A_52 : i32 to vector<16xi32>
          %sub3A_231 = arith.subi %get3A_222, %sub3A_230 : vector<16xi32>
          %jit3A_232 = arith.constant 640 : i32
          %broadcast_in_dim3A_233 = vector.broadcast %jit3A_232 : i32 to vector<16xi32>
          %select_n3A_234 = arith.select %and3A_229, %sub3A_231, %broadcast_in_dim3A_233 : vector<16xi1>, vector<16xi32>
          %add3A_235 = vector.broadcast %multiple_of3A_8 : i32 to vector<16xi32>
          %add3A_236 = arith.addi %select_n3A_234, %add3A_235 : vector<16xi32>
          %swap3A_237 = arith.constant 48 : index
          %swap3A_238 = tpu.vector_load %arg15[%swap3A_237] {strides = array<i32>} : memref<128xi32, #tpu.memory_space<vmem>>, vector<16xi32>,
          tpu.vector_store %arg15[%swap3A_237], %add3A_236 {strides = array<i32>} : memref<128xi32, #tpu.memory_space<vmem>>, vector<16xi32>,
          %jit3A_239 = arith.constant 0 : i32
          %broadcast_in_dim3A_240 = vector.broadcast %jit3A_239 : i32 to vector<16xi32>
          %select_n3A_241 = arith.select %and3A_229, %select_n3A_234, %broadcast_in_dim3A_240 : vector<16xi1>, vector<16xi32>
          %gather3A_242 = tpu.vector_load_idx %arg20[%select_n3A_241] : memref<640xi32, #tpu.memory_space<vmem>>[vector<16xi32>], vector<16xi32>,
          %add3A_243 = vector.broadcast %multiple_of3A_5 : i32 to vector<16xi32>
          %add3A_244 = arith.addi %gather3A_242, %add3A_243 : vector<16xi32>
          %add3A_245 = arith.constant 256 : i32
          %add3A_246 = arith.addi %multiple_of3A_5, %add3A_245 : i32
          %broadcast_in_dim3A_247 = vector.broadcast %add3A_246 : i32 to vector<16xi32>
          %select_n3A_248 = arith.select %and3A_229, %add3A_244, %broadcast_in_dim3A_247 : vector<16xi1>, vector<16xi32>
          %swap3A_249 = arith.constant 48 : index
          %swap3A_250 = tpu.vector_load %arg17[%swap3A_249] {strides = array<i32>} : memref<128xi32, #tpu.memory_space<vmem>>, vector<16xi32>,
          tpu.vector_store %arg17[%swap3A_249], %select_n3A_248 {strides = array<i32>} : memref<128xi32, #tpu.memory_space<vmem>>, vector<16xi32>,
          %get3A_251 = arith.constant 64 : index
          %get3A_252 = tpu.vector_load %arg13[%get3A_251] {strides = array<i32>} : memref<128xi32, #tpu.memory_space<vmem>>, vector<16xi32>,
          %ge3A_253 = vector.broadcast %multiple_of3A_52 : i32 to vector<16xi32>
          %ge3A_254 = arith.cmpi sge, %get3A_252, %ge3A_253 : vector<16xi32>
          %add3A_255 = arith.constant 640 : i32
          %add3A_256 = arith.addi %multiple_of3A_52, %add3A_255 : i32
          %lt3A_257 = vector.broadcast %add3A_256 : i32 to vector<16xi32>
          %lt3A_258 = arith.cmpi slt, %get3A_252, %lt3A_257 : vector<16xi32>
          %and3A_259 = arith.andi %ge3A_254, %lt3A_258 : vector<16xi1>
          %sub3A_260 = vector.broadcast %multiple_of3A_52 : i32 to vector<16xi32>
          %sub3A_261 = arith.subi %get3A_252, %sub3A_260 : vector<16xi32>
          %jit3A_262 = arith.constant 640 : i32
          %broadcast_in_dim3A_263 = vector.broadcast %jit3A_262 : i32 to vector<16xi32>
          %select_n3A_264 = arith.select %and3A_259, %sub3A_261, %broadcast_in_dim3A_263 : vector<16xi1>, vector<16xi32>
          %add3A_265 = vector.broadcast %multiple_of3A_8 : i32 to vector<16xi32>
          %add3A_266 = arith.addi %select_n3A_264, %add3A_265 : vector<16xi32>
          %swap3A_267 = arith.constant 64 : index
          %swap3A_268 = tpu.vector_load %arg15[%swap3A_267] {strides = array<i32>} : memref<128xi32, #tpu.memory_space<vmem>>, vector<16xi32>,
          tpu.vector_store %arg15[%swap3A_267], %add3A_266 {strides = array<i32>} : memref<128xi32, #tpu.memory_space<vmem>>, vector<16xi32>,
          %jit3A_269 = arith.constant 0 : i32
          %broadcast_in_dim3A_270 = vector.broadcast %jit3A_269 : i32 to vector<16xi32>
          %select_n3A_271 = arith.select %and3A_259, %select_n3A_264, %broadcast_in_dim3A_270 : vector<16xi1>, vector<16xi32>
          %gather3A_272 = tpu.vector_load_idx %arg20[%select_n3A_271] : memref<640xi32, #tpu.memory_space<vmem>>[vector<16xi32>], vector<16xi32>,
          %add3A_273 = vector.broadcast %multiple_of3A_5 : i32 to vector<16xi32>
          %add3A_274 = arith.addi %gather3A_272, %add3A_273 : vector<16xi32>
          %add3A_275 = arith.constant 256 : i32
          %add3A_276 = arith.addi %multiple_of3A_5, %add3A_275 : i32
          %broadcast_in_dim3A_277 = vector.broadcast %add3A_276 : i32 to vector<16xi32>
          %select_n3A_278 = arith.select %and3A_259, %add3A_274, %broadcast_in_dim3A_277 : vector<16xi1>, vector<16xi32>
          %swap3A_279 = arith.constant 64 : index
          %swap3A_280 = tpu.vector_load %arg17[%swap3A_279] {strides = array<i32>} : memref<128xi32, #tpu.memory_space<vmem>>, vector<16xi32>,
          tpu.vector_store %arg17[%swap3A_279], %select_n3A_278 {strides = array<i32>} : memref<128xi32, #tpu.memory_space<vmem>>, vector<16xi32>,
          %get3A_281 = arith.constant 80 : index
          %get3A_282 = tpu.vector_load %arg13[%get3A_281] {strides = array<i32>} : memref<128xi32, #tpu.memory_space<vmem>>, vector<16xi32>,
          %ge3A_283 = vector.broadcast %multiple_of3A_52 : i32 to vector<16xi32>
          %ge3A_284 = arith.cmpi sge, %get3A_282, %ge3A_283 : vector<16xi32>
          %add3A_285 = arith.constant 640 : i32
          %add3A_286 = arith.addi %multiple_of3A_52, %add3A_285 : i32
          %lt3A_287 = vector.broadcast %add3A_286 : i32 to vector<16xi32>
          %lt3A_288 = arith.cmpi slt, %get3A_282, %lt3A_287 : vector<16xi32>
          %and3A_289 = arith.andi %ge3A_284, %lt3A_288 : vector<16xi1>
          %sub3A_290 = vector.broadcast %multiple_of3A_52 : i32 to vector<16xi32>
          %sub3A_291 = arith.subi %get3A_282, %sub3A_290 : vector<16xi32>
          %jit3A_292 = arith.constant 640 : i32
          %broadcast_in_dim3A_293 = vector.broadcast %jit3A_292 : i32 to vector<16xi32>
          %select_n3A_294 = arith.select %and3A_289, %sub3A_291, %broadcast_in_dim3A_293 : vector<16xi1>, vector<16xi32>
          %add3A_295 = vector.broadcast %multiple_of3A_8 : i32 to vector<16xi32>
          %add3A_296 = arith.addi %select_n3A_294, %add3A_295 : vector<16xi32>
          %swap3A_297 = arith.constant 80 : index
          %swap3A_298 = tpu.vector_load %arg15[%swap3A_297] {strides = array<i32>} : memref<128xi32, #tpu.memory_space<vmem>>, vector<16xi32>,
          tpu.vector_store %arg15[%swap3A_297], %add3A_296 {strides = array<i32>} : memref<128xi32, #tpu.memory_space<vmem>>, vector<16xi32>,
          %jit3A_299 = arith.constant 0 : i32
          %broadcast_in_dim3A_300 = vector.broadcast %jit3A_299 : i32 to vector<16xi32>
          %select_n3A_301 = arith.select %and3A_289, %select_n3A_294, %broadcast_in_dim3A_300 : vector<16xi1>, vector<16xi32>
          %gather3A_302 = tpu.vector_load_idx %arg20[%select_n3A_301] : memref<640xi32, #tpu.memory_space<vmem>>[vector<16xi32>], vector<16xi32>,
          %add3A_303 = vector.broadcast %multiple_of3A_5 : i32 to vector<16xi32>
          %add3A_304 = arith.addi %gather3A_302, %add3A_303 : vector<16xi32>
          %add3A_305 = arith.constant 256 : i32
          %add3A_306 = arith.addi %multiple_of3A_5, %add3A_305 : i32
          %broadcast_in_dim3A_307 = vector.broadcast %add3A_306 : i32 to vector<16xi32>
          %select_n3A_308 = arith.select %and3A_289, %add3A_304, %broadcast_in_dim3A_307 : vector<16xi1>, vector<16xi32>
          %swap3A_309 = arith.constant 80 : index
          %swap3A_310 = tpu.vector_load %arg17[%swap3A_309] {strides = array<i32>} : memref<128xi32, #tpu.memory_space<vmem>>, vector<16xi32>,
          tpu.vector_store %arg17[%swap3A_309], %select_n3A_308 {strides = array<i32>} : memref<128xi32, #tpu.memory_space<vmem>>, vector<16xi32>,
          %get3A_311 = arith.constant 96 : index
          %get3A_312 = tpu.vector_load %arg13[%get3A_311] {strides = array<i32>} : memref<128xi32, #tpu.memory_space<vmem>>, vector<16xi32>,
          %ge3A_313 = vector.broadcast %multiple_of3A_52 : i32 to vector<16xi32>
          %ge3A_314 = arith.cmpi sge, %get3A_312, %ge3A_313 : vector<16xi32>
          %add3A_315 = arith.constant 640 : i32
          %add3A_316 = arith.addi %multiple_of3A_52, %add3A_315 : i32
          %lt3A_317 = vector.broadcast %add3A_316 : i32 to vector<16xi32>
          %lt3A_318 = arith.cmpi slt, %get3A_312, %lt3A_317 : vector<16xi32>
          %and3A_319 = arith.andi %ge3A_314, %lt3A_318 : vector<16xi1>
          %sub3A_320 = vector.broadcast %multiple_of3A_52 : i32 to vector<16xi32>
          %sub3A_321 = arith.subi %get3A_312, %sub3A_320 : vector<16xi32>
          %jit3A_322 = arith.constant 640 : i32
          %broadcast_in_dim3A_323 = vector.broadcast %jit3A_322 : i32 to vector<16xi32>
          %select_n3A_324 = arith.select %and3A_319, %sub3A_321, %broadcast_in_dim3A_323 : vector<16xi1>, vector<16xi32>
          %add3A_325 = vector.broadcast %multiple_of3A_8 : i32 to vector<16xi32>
          %add3A_326 = arith.addi %select_n3A_324, %add3A_325 : vector<16xi32>
          %swap3A_327 = arith.constant 96 : index
          %swap3A_328 = tpu.vector_load %arg15[%swap3A_327] {strides = array<i32>} : memref<128xi32, #tpu.memory_space<vmem>>, vector<16xi32>,
          tpu.vector_store %arg15[%swap3A_327], %add3A_326 {strides = array<i32>} : memref<128xi32, #tpu.memory_space<vmem>>, vector<16xi32>,
          %jit3A_329 = arith.constant 0 : i32
          %broadcast_in_dim3A_330 = vector.broadcast %jit3A_329 : i32 to vector<16xi32>
          %select_n3A_331 = arith.select %and3A_319, %select_n3A_324, %broadcast_in_dim3A_330 : vector<16xi1>, vector<16xi32>
          %gather3A_332 = tpu.vector_load_idx %arg20[%select_n3A_331] : memref<640xi32, #tpu.memory_space<vmem>>[vector<16xi32>], vector<16xi32>,
          %add3A_333 = vector.broadcast %multiple_of3A_5 : i32 to vector<16xi32>
          %add3A_334 = arith.addi %gather3A_332, %add3A_333 : vector<16xi32>
          %add3A_335 = arith.constant 256 : i32
          %add3A_336 = arith.addi %multiple_of3A_5, %add3A_335 : i32
          %broadcast_in_dim3A_337 = vector.broadcast %add3A_336 : i32 to vector<16xi32>
          %select_n3A_338 = arith.select %and3A_319, %add3A_334, %broadcast_in_dim3A_337 : vector<16xi1>, vector<16xi32>
          %swap3A_339 = arith.constant 96 : index
          %swap3A_340 = tpu.vector_load %arg17[%swap3A_339] {strides = array<i32>} : memref<128xi32, #tpu.memory_space<vmem>>, vector<16xi32>,
          tpu.vector_store %arg17[%swap3A_339], %select_n3A_338 {strides = array<i32>} : memref<128xi32, #tpu.memory_space<vmem>>, vector<16xi32>,
          %get3A_341 = arith.constant 112 : index
          %get3A_342 = tpu.vector_load %arg13[%get3A_341] {strides = array<i32>} : memref<128xi32, #tpu.memory_space<vmem>>, vector<16xi32>,
          %ge3A_343 = vector.broadcast %multiple_of3A_52 : i32 to vector<16xi32>
          %ge3A_344 = arith.cmpi sge, %get3A_342, %ge3A_343 : vector<16xi32>
          %add3A_345 = arith.constant 640 : i32
          %add3A_346 = arith.addi %multiple_of3A_52, %add3A_345 : i32
          %lt3A_347 = vector.broadcast %add3A_346 : i32 to vector<16xi32>
          %lt3A_348 = arith.cmpi slt, %get3A_342, %lt3A_347 : vector<16xi32>
          %and3A_349 = arith.andi %ge3A_344, %lt3A_348 : vector<16xi1>
          %sub3A_350 = vector.broadcast %multiple_of3A_52 : i32 to vector<16xi32>
          %sub3A_351 = arith.subi %get3A_342, %sub3A_350 : vector<16xi32>
          %jit3A_352 = arith.constant 640 : i32
          %broadcast_in_dim3A_353 = vector.broadcast %jit3A_352 : i32 to vector<16xi32>
          %select_n3A_354 = arith.select %and3A_349, %sub3A_351, %broadcast_in_dim3A_353 : vector<16xi1>, vector<16xi32>
          %add3A_355 = vector.broadcast %multiple_of3A_8 : i32 to vector<16xi32>
          %add3A_356 = arith.addi %select_n3A_354, %add3A_355 : vector<16xi32>
          %swap3A_357 = arith.constant 112 : index
          %swap3A_358 = tpu.vector_load %arg15[%swap3A_357] {strides = array<i32>} : memref<128xi32, #tpu.memory_space<vmem>>, vector<16xi32>,
          tpu.vector_store %arg15[%swap3A_357], %add3A_356 {strides = array<i32>} : memref<128xi32, #tpu.memory_space<vmem>>, vector<16xi32>,
          %jit3A_359 = arith.constant 0 : i32
          %broadcast_in_dim3A_360 = vector.broadcast %jit3A_359 : i32 to vector<16xi32>
          %select_n3A_361 = arith.select %and3A_349, %select_n3A_354, %broadcast_in_dim3A_360 : vector<16xi1>, vector<16xi32>
          %gather3A_362 = tpu.vector_load_idx %arg20[%select_n3A_361] : memref<640xi32, #tpu.memory_space<vmem>>[vector<16xi32>], vector<16xi32>,
          %add3A_363 = vector.broadcast %multiple_of3A_5 : i32 to vector<16xi32>
          %add3A_364 = arith.addi %gather3A_362, %add3A_363 : vector<16xi32>
          %add3A_365 = arith.constant 256 : i32
          %add3A_366 = arith.addi %multiple_of3A_5, %add3A_365 : i32
          %broadcast_in_dim3A_367 = vector.broadcast %add3A_366 : i32 to vector<16xi32>
          %select_n3A_368 = arith.select %and3A_349, %add3A_364, %broadcast_in_dim3A_367 : vector<16xi1>, vector<16xi32>
          %swap3A_369 = arith.constant 112 : index
          %swap3A_370 = tpu.vector_load %arg17[%swap3A_369] {strides = array<i32>} : memref<128xi32, #tpu.memory_space<vmem>>, vector<16xi32>,
          tpu.vector_store %arg17[%swap3A_369], %select_n3A_368 {strides = array<i32>} : memref<128xi32, #tpu.memory_space<vmem>>, vector<16xi32>,
          %dma_wait3A_371 = arith.constant 0 : i32
          %dma_wait3A_372 = arith.constant 0 : i32
          %dma_wait3A_373 = tpu.memref_slice %arg2[%dma_wait3A_371, %dma_wait3A_372] : memref<100000x64xf32, #tpu.memory_space<hbm>> -> memref<128x64xf32, #tpu.memory_space<hbm>>
          %dma_wait3A_374 = arith.constant 0 : i32
          %dma_wait3A_375 = arith.constant 0 : i32
          %dma_wait3A_376 = tpu.memref_slice %arg2[%dma_wait3A_374, %dma_wait3A_375] : memref<100000x64xf32, #tpu.memory_space<hbm>> -> memref<128x64xf32, #tpu.memory_space<hbm>>
          tpu.wait_dma2 semaphore(%arg26 : memref<!tpu.dma_semaphore, #tpu.memory_space<semaphore_mem>>) src(%dma_wait3A_376 : memref<128x64xf32, #tpu.memory_space<hbm>>) dst(%arg19 : memref<128x64xf32, #tpu.memory_space<vmem>>)
          %dma_start3A_377 = arith.constant 0 : i32
          %dma_start3A_378 = arith.constant 0 : i32
          %dma_start3A_379 = tpu.memref_slice %arg31[%dma_start3A_377, %dma_start3A_378] : memref<10368x64xf32, #tpu.memory_space<vmem_shared>> -> memref<10368x64xf32, #tpu.memory_space<vmem_shared>>
          tpu.enqueue_indirect_dma source(%arg19 : memref<128x64xf32, #tpu.memory_space<vmem>>) target(%dma_start3A_379 : memref<10368x64xf32, #tpu.memory_space<vmem_shared>>) offsets(%arg15 : memref<128xi32, #tpu.memory_space<vmem>>) semaphore(%arg28 : memref<!tpu.dma_semaphore, #tpu.memory_space<semaphore_mem>>) {add = true}
          %dma_start3A_380 = arith.constant 0 : i32
          %dma_start3A_381 = arith.constant 0 : i32
          %dma_start3A_382 = tpu.memref_slice %arg32[%dma_start3A_380, %dma_start3A_381] : memref<4224x64xf32, #tpu.memory_space<vmem_shared>> -> memref<4224x64xf32, #tpu.memory_space<vmem_shared>>
          tpu.enqueue_indirect_dma source(%arg19 : memref<128x64xf32, #tpu.memory_space<vmem>>) target(%dma_start3A_382 : memref<4224x64xf32, #tpu.memory_space<vmem_shared>>) offsets(%arg17 : memref<128xi32, #tpu.memory_space<vmem>>) semaphore(%arg30 : memref<!tpu.dma_semaphore, #tpu.memory_space<semaphore_mem>>) {add = true}
        } else {
        }
      }
      %ge3A = arith.constant 1 : i32
      %ge3A_84 = arith.cmpi sge, %reduce_max3A_46, %ge3A : i32
      %convert_element_type3A_85 = arith.extui %ge3A_84 : i1 to i32
      %cond3A_86 = arith.constant 0 : i32
      %cond3A_87 = arith.cmpi ne, %convert_element_type3A_85, %cond3A_86 : i32
      scf.if %cond3A_87 {
        %dma_wait3A = arith.constant 0 : i32
        %dma_wait3A_93 = arith.constant 0 : i32
        %dma_wait3A_94 = tpu.memref_slice %arg2[%dma_wait3A, %dma_wait3A_93] : memref<100000x64xf32, #tpu.memory_space<hbm>> -> memref<128x64xf32, #tpu.memory_space<hbm>>
        %dma_wait3A_95 = arith.constant 0 : i32
        %dma_wait3A_96 = arith.constant 0 : i32
        %dma_wait3A_97 = tpu.memref_slice %arg2[%dma_wait3A_95, %dma_wait3A_96] : memref<100000x64xf32, #tpu.memory_space<hbm>> -> memref<128x64xf32, #tpu.memory_space<hbm>>
        tpu.wait_dma2 semaphore(%arg27 : memref<!tpu.dma_semaphore, #tpu.memory_space<semaphore_mem>>) src(%dma_wait3A_97 : memref<128x64xf32, #tpu.memory_space<hbm>>) dst(%arg18 : memref<128x64xf32, #tpu.memory_space<vmem>>)
        %dma_wait3A_98 = arith.constant 0 : i32
        %dma_wait3A_99 = arith.constant 0 : i32
        %dma_wait3A_100 = tpu.memref_slice %arg2[%dma_wait3A_98, %dma_wait3A_99] : memref<100000x64xf32, #tpu.memory_space<hbm>> -> memref<128x64xf32, #tpu.memory_space<hbm>>
        %dma_wait3A_101 = arith.constant 0 : i32
        %dma_wait3A_102 = arith.constant 0 : i32
        %dma_wait3A_103 = tpu.memref_slice %arg2[%dma_wait3A_101, %dma_wait3A_102] : memref<100000x64xf32, #tpu.memory_space<hbm>> -> memref<128x64xf32, #tpu.memory_space<hbm>>
        tpu.wait_dma2 semaphore(%arg29 : memref<!tpu.dma_semaphore, #tpu.memory_space<semaphore_mem>>) src(%dma_wait3A_103 : memref<128x64xf32, #tpu.memory_space<hbm>>) dst(%arg18 : memref<128x64xf32, #tpu.memory_space<vmem>>)
      } else {
      }
      %ge3A_88 = arith.constant 2 : i32
      %ge3A_89 = arith.cmpi sge, %reduce_max3A_46, %ge3A_88 : i32
      %convert_element_type3A_90 = arith.extui %ge3A_89 : i1 to i32
      %cond3A_91 = arith.constant 0 : i32
      %cond3A_92 = arith.cmpi ne, %convert_element_type3A_90, %cond3A_91 : i32
      scf.if %cond3A_92 {
        %dma_wait3A = arith.constant 0 : i32
        %dma_wait3A_93 = arith.constant 0 : i32
        %dma_wait3A_94 = tpu.memref_slice %arg2[%dma_wait3A, %dma_wait3A_93] : memref<100000x64xf32, #tpu.memory_space<hbm>> -> memref<128x64xf32, #tpu.memory_space<hbm>>
        %dma_wait3A_95 = arith.constant 0 : i32
        %dma_wait3A_96 = arith.constant 0 : i32
        %dma_wait3A_97 = tpu.memref_slice %arg2[%dma_wait3A_95, %dma_wait3A_96] : memref<100000x64xf32, #tpu.memory_space<hbm>> -> memref<128x64xf32, #tpu.memory_space<hbm>>
        tpu.wait_dma2 semaphore(%arg28 : memref<!tpu.dma_semaphore, #tpu.memory_space<semaphore_mem>>) src(%dma_wait3A_97 : memref<128x64xf32, #tpu.memory_space<hbm>>) dst(%arg19 : memref<128x64xf32, #tpu.memory_space<vmem>>)
        %dma_wait3A_98 = arith.constant 0 : i32
        %dma_wait3A_99 = arith.constant 0 : i32
        %dma_wait3A_100 = tpu.memref_slice %arg2[%dma_wait3A_98, %dma_wait3A_99] : memref<100000x64xf32, #tpu.memory_space<hbm>> -> memref<128x64xf32, #tpu.memory_space<hbm>>
        %dma_wait3A_101 = arith.constant 0 : i32
        %dma_wait3A_102 = arith.constant 0 : i32
        %dma_wait3A_103 = tpu.memref_slice %arg2[%dma_wait3A_101, %dma_wait3A_102] : memref<100000x64xf32, #tpu.memory_space<hbm>> -> memref<128x64xf32, #tpu.memory_space<hbm>>
        tpu.wait_dma2 semaphore(%arg30 : memref<!tpu.dma_semaphore, #tpu.memory_space<semaphore_mem>>) src(%dma_wait3A_103 : memref<128x64xf32, #tpu.memory_space<hbm>>) dst(%arg19 : memref<128x64xf32, #tpu.memory_space<vmem>>)
      } else {
      }
      "tpu.region"() ({
        %run_scoped3A = tpu.sem_alloc : memref<!tpu.dma_semaphore, #tpu.memory_space<semaphore_mem>>
        %dma_start3A = arith.constant 0 : i32
        %dma_start3A_93 = tpu.memref_slice %arg8[%multiple_of3A_52, %dma_start3A] : memref<204800x64xf32, #tpu.memory_space<hbm>> -> memref<640x64xf32, #tpu.memory_space<hbm>>
        %dma_start3A_94 = arith.constant 0 : i32
        %dma_start3A_95 = tpu.memref_slice %arg31[%multiple_of3A_8, %dma_start3A_94] : memref<10368x64xf32, #tpu.memory_space<vmem_shared>> -> memref<640x64xf32, #tpu.memory_space<vmem_shared>>
        tpu.enqueue_dma source(%dma_start3A_95 : memref<640x64xf32, #tpu.memory_space<vmem_shared>>) target(%dma_start3A_93 : memref<640x64xf32, #tpu.memory_space<hbm>>) target_semaphore(%run_scoped3A : memref<!tpu.dma_semaphore, #tpu.memory_space<semaphore_mem>>)
        %dma_wait3A = arith.constant 0 : i32
        %dma_wait3A_96 = tpu.memref_slice %arg8[%multiple_of3A_52, %dma_wait3A] : memref<204800x64xf32, #tpu.memory_space<hbm>> -> memref<640x64xf32, #tpu.memory_space<hbm>>
        %dma_wait3A_97 = arith.constant 0 : i32
        %dma_wait3A_98 = tpu.memref_slice %arg31[%multiple_of3A_8, %dma_wait3A_97] : memref<10368x64xf32, #tpu.memory_space<vmem_shared>> -> memref<640x64xf32, #tpu.memory_space<vmem_shared>>
        tpu.wait_dma2 semaphore(%run_scoped3A : memref<!tpu.dma_semaphore, #tpu.memory_space<semaphore_mem>>) src(%dma_wait3A_98 : memref<640x64xf32, #tpu.memory_space<vmem_shared>>) dst(%dma_wait3A_96 : memref<640x64xf32, #tpu.memory_space<hbm>>)
        tpu.yield
      }) : () -> ()
    }
    %scan3A_13 = arith.constant 10 : i32
    %mul3A_14 = arith.constant 16 : i32
    %mul3A_15 = arith.muli %arg0, %mul3A_14 : i32
    %add3A_16 = arith.addi %mul3A_15, %arg1 : i32
    %mul3A_17 = arith.constant 264 : i32
    %mul3A_18 = arith.muli %add3A_16, %mul3A_17 : i32
    %multiple_of3A_19 = tpu.assume_multiple %mul3A_18, 8 : i32
    "tpu.region"() ({
      %run_scoped3A = tpu.sem_alloc : memref<!tpu.dma_semaphore, #tpu.memory_space<semaphore_mem>>
      %dma_start3A = arith.constant 0 : i32
      %dma_start3A_20 = tpu.memref_slice %arg9[%multiple_of3A_19, %dma_start3A] : memref<8448x64xf32, #tpu.memory_space<hbm>> -> memref<264x64xf32, #tpu.memory_space<hbm>>
      %dma_start3A_21 = arith.constant 0 : i32
      %dma_start3A_22 = tpu.memref_slice %arg32[%multiple_of3A_5, %dma_start3A_21] : memref<4224x64xf32, #tpu.memory_space<vmem_shared>> -> memref<264x64xf32, #tpu.memory_space<vmem_shared>>
      tpu.enqueue_dma source(%dma_start3A_22 : memref<264x64xf32, #tpu.memory_space<vmem_shared>>) target(%dma_start3A_20 : memref<264x64xf32, #tpu.memory_space<hbm>>) target_semaphore(%run_scoped3A : memref<!tpu.dma_semaphore, #tpu.memory_space<semaphore_mem>>)
      %dma_wait3A = arith.constant 0 : i32
      %dma_wait3A_23 = tpu.memref_slice %arg9[%multiple_of3A_19, %dma_wait3A] : memref<8448x64xf32, #tpu.memory_space<hbm>> -> memref<264x64xf32, #tpu.memory_space<hbm>>
      %dma_wait3A_24 = arith.constant 0 : i32
      %dma_wait3A_25 = tpu.memref_slice %arg32[%multiple_of3A_5, %dma_wait3A_24] : memref<4224x64xf32, #tpu.memory_space<vmem_shared>> -> memref<264x64xf32, #tpu.memory_space<vmem_shared>>
      tpu.wait_dma2 semaphore(%run_scoped3A : memref<!tpu.dma_semaphore, #tpu.memory_space<semaphore_mem>>) src(%dma_wait3A_25 : memref<264x64xf32, #tpu.memory_space<vmem_shared>>) dst(%dma_wait3A_23 : memref<264x64xf32, #tpu.memory_space<hbm>>)
      tpu.yield
    }) : () -> ()
    return
  }
}

module attributes {stable_mosaic.version = 14 : i64} {
  func.func @_embed_body(%arg0: i32, %arg1: memref<2000x100xf32, #tpu.memory_space<vmem>>, %arg2: memref<100x128xbf16, #tpu.memory_space<vmem>>, %arg3: memref<1x1x2000xi32, #tpu.memory_space<vmem>>, %arg4: memref<2000x64xf32, #tpu.memory_space<vmem>>, %arg5: memref<256x64xf32, #tpu.memory_space<vmem>>) attributes {dimension_semantics = [#tpu.dimension_semantics<arbitrary>], iteration_bounds = array<i64: 50>, scalar_prefetch = 0 : i64, scratch_operands = 0 : i64, tpu.core_type = #tpu.core_type<tc>, window_params = [{transform_indices = @transform_0, window_bounds = array<i64: 2000, 100>}, {pipeline_mode = #tpu.pipeline_mode<synchronous>, transform_indices = @transform_1, window_bounds = array<i64: 100, 128>}, {transform_indices = @transform_2, window_bounds = array<i64: 1, 1, 2000>}, {transform_indices = @transform_3, window_bounds = array<i64: 2000, 64>}, {pipeline_mode = #tpu.pipeline_mode<synchronous>, transform_indices = @transform_4, window_bounds = array<i64: 256, 64>}]} {
    %get3A = arith.constant 0 : index
    %get3A_0 = arith.constant 0 : index
    %get3A_1 = vector.load %arg1[%get3A, %get3A_0] : memref<2000x100xf32, #tpu.memory_space<vmem>>, vector<2000x100xf32>
    %reduce_max3A = arith.constant dense<0xFF800000> : vector<2000xf32>
    %reduce_max3A_2 = vector.multi_reduction <maximumf>, %get3A_1, %reduce_max3A [1] : vector<2000x100xf32> to vector<2000xf32>
    %broadcast_in_dim3A = vector.shape_cast %reduce_max3A_2 : vector<2000xf32> to vector<2000x1xf32>
    %iota3A = tpu.iota {dimensions = array<i32: 1>} : vector<2000x100xi32>
    %eq3A = vector.broadcast %broadcast_in_dim3A : vector<2000x1xf32> to vector<2000x100xf32>
    %eq3A_3 = arith.cmpf oeq, %get3A_1, %eq3A : vector<2000x100xf32>
    %jit3A = arith.constant 100 : i32
    %broadcast_in_dim3A_4 = vector.broadcast %jit3A : i32 to vector<2000x100xi32>
    %select_n3A = arith.select %eq3A_3, %iota3A, %broadcast_in_dim3A_4 : vector<2000x100xi1>, vector<2000x100xi32>
    %reduce_min3A = arith.constant dense<2147483647> : vector<2000xi32>
    %reduce_min3A_5 = vector.multi_reduction <minsi>, %select_n3A, %reduce_min3A [1] : vector<2000x100xi32> to vector<2000xi32>
    %broadcast_in_dim3A_6 = vector.shape_cast %reduce_min3A_5 : vector<2000xi32> to vector<2000x1xi32>
    %eq3A_7 = vector.broadcast %broadcast_in_dim3A_6 : vector<2000x1xi32> to vector<2000x100xi32>
    %eq3A_8 = arith.cmpi eq, %iota3A, %eq3A_7 : vector<2000x100xi32>
    %convert_element_type3A = arith.extui %eq3A_8 : vector<2000x100xi1> to vector<2000x100xi32>
    %convert_element_type3A_9 = arith.sitofp %convert_element_type3A : vector<2000x100xi32> to vector<2000x100xf32>
    %convert_element_type3A_10 = arith.truncf %convert_element_type3A_9 : vector<2000x100xf32> to vector<2000x100xbf16>
    %get3A_11 = arith.constant 0 : index
    %get3A_12 = arith.constant 0 : index
    %get3A_13 = vector.load %arg2[%get3A_11, %get3A_12] : memref<100x128xbf16, #tpu.memory_space<vmem>>, vector<100x64xbf16>
    %dot_general3A = arith.constant dense<0.000000e+00> : vector<2000x64xf32>
    %dot_general3A_14 = tpu.matmul %convert_element_type3A_10, %get3A_13, %dot_general3A {dimension_numbers = #tpu.dot_dimension_numbers<[1], [0], [0], [1], [0, 0, 1, 1], [], []>, transpose_lhs_hint = false} : vector<2000x100xbf16>, vector<100x64xbf16>, vector<2000x64xf32> -> vector<2000x64xf32>
    %get3A_15 = arith.constant 0 : index
    %get3A_16 = arith.constant 64 : index
    %get3A_17 = vector.load %arg2[%get3A_15, %get3A_16] : memref<100x128xbf16, #tpu.memory_space<vmem>>, vector<100x64xbf16>
    %dot_general3A_18 = arith.constant dense<0.000000e+00> : vector<2000x64xf32>
    %dot_general3A_19 = tpu.matmul %convert_element_type3A_10, %get3A_17, %dot_general3A_18 {dimension_numbers = #tpu.dot_dimension_numbers<[1], [0], [0], [1], [0, 0, 1, 1], [], []>, transpose_lhs_hint = false} : vector<2000x100xbf16>, vector<100x64xbf16>, vector<2000x64xf32> -> vector<2000x64xf32>
    %add3A = arith.addf %dot_general3A_14, %dot_general3A_19 : vector<2000x64xf32>
    %swap3A = arith.constant 0 : index
    %swap3A_20 = arith.constant 0 : index
    %swap3A_21 = vector.load %arg4[%swap3A, %swap3A_20] : memref<2000x64xf32, #tpu.memory_space<vmem>>, vector<2000x64xf32>
    tpu.vector_store %arg4[%swap3A, %swap3A_20], %add3A {strides = array<i32>} : memref<2000x64xf32, #tpu.memory_space<vmem>>, vector<2000x64xf32>,
    %get3A_22 = arith.constant 0 : index
    %get3A_23 = arith.constant 0 : index
    %get3A_24 = arith.constant 0 : index
    %get3A_25 = vector.load %arg3[%get3A_22, %get3A_23, %get3A_24] : memref<1x1x2000xi32, #tpu.memory_space<vmem>>, vector<1x1x2000xi32>
    %get3A_26 = vector.shape_cast %get3A_25 : vector<1x1x2000xi32> to vector<2000xi32>
    %iota3A_27 = tpu.iota {dimensions = array<i32: 0>} : vector<256x2000xi32>
    %broadcast_in_dim3A_28 = vector.shape_cast %get3A_26 : vector<2000xi32> to vector<1x2000xi32>
    %eq3A_29 = vector.broadcast %broadcast_in_dim3A_28 : vector<1x2000xi32> to vector<256x2000xi32>
    %eq3A_30 = arith.cmpi eq, %iota3A_27, %eq3A_29 : vector<256x2000xi32>
    %convert_element_type3A_31 = arith.extui %eq3A_30 : vector<256x2000xi1> to vector<256x2000xi32>
    %convert_element_type3A_32 = arith.sitofp %convert_element_type3A_31 : vector<256x2000xi32> to vector<256x2000xf32>
    %convert_element_type3A_33 = arith.truncf %convert_element_type3A_32 : vector<256x2000xf32> to vector<256x2000xbf16>
    %convert_element_type3A_34 = arith.truncf %add3A : vector<2000x64xf32> to vector<2000x64xbf16>
    %convert_element_type3A_35 = arith.extf %convert_element_type3A_34 : vector<2000x64xbf16> to vector<2000x64xf32>
    %sub3A = arith.subf %add3A, %convert_element_type3A_35 : vector<2000x64xf32>
    %convert_element_type3A_36 = arith.truncf %sub3A : vector<2000x64xf32> to vector<2000x64xbf16>
    %dot_general3A_37 = arith.constant dense<0.000000e+00> : vector<256x64xf32>
    %dot_general3A_38 = tpu.matmul %convert_element_type3A_33, %convert_element_type3A_34, %dot_general3A_37 {dimension_numbers = #tpu.dot_dimension_numbers<[1], [0], [0], [1], [0, 0, 1, 1], [], []>, transpose_lhs_hint = false} : vector<256x2000xbf16>, vector<2000x64xbf16>, vector<256x64xf32> -> vector<256x64xf32>
    %dot_general3A_39 = arith.constant dense<0.000000e+00> : vector<256x64xf32>
    %dot_general3A_40 = tpu.matmul %convert_element_type3A_33, %convert_element_type3A_36, %dot_general3A_39 {dimension_numbers = #tpu.dot_dimension_numbers<[1], [0], [0], [1], [0, 0, 1, 1], [], []>, transpose_lhs_hint = false} : vector<256x2000xbf16>, vector<2000x64xbf16>, vector<256x64xf32> -> vector<256x64xf32>
    %add3A_41 = arith.addf %dot_general3A_38, %dot_general3A_40 : vector<256x64xf32>
    %eq3A_42 = arith.constant 0 : i32
    %eq3A_43 = arith.cmpi eq, %arg0, %eq3A_42 : i32
    %convert_element_type3A_44 = arith.extui %eq3A_43 : i1 to i32
    %cond3A = arith.constant 0 : i32
    %cond3A_45 = arith.cmpi ne, %convert_element_type3A_44, %cond3A : i32
    scf.if %cond3A_45 {
      %broadcast_in_dim3A_53 = arith.constant 0.000000e+00 : f32
      %broadcast_in_dim3A_54 = vector.broadcast %broadcast_in_dim3A_53 : f32 to vector<256x64xf32>
      %swap3A_55 = arith.constant 0 : index
      %swap3A_56 = arith.constant 0 : index
      %swap3A_57 = vector.load %arg5[%swap3A_55, %swap3A_56] : memref<256x64xf32, #tpu.memory_space<vmem>>, vector<256x64xf32>
      tpu.vector_store %arg5[%swap3A_55, %swap3A_56], %broadcast_in_dim3A_54 {strides = array<i32>} : memref<256x64xf32, #tpu.memory_space<vmem>>, vector<256x64xf32>,
    } else {
    }
    %get3A_46 = arith.constant 0 : index
    %get3A_47 = arith.constant 0 : index
    %get3A_48 = vector.load %arg5[%get3A_46, %get3A_47] : memref<256x64xf32, #tpu.memory_space<vmem>>, vector<256x64xf32>
    %add3A_49 = arith.addf %get3A_48, %add3A_41 : vector<256x64xf32>
    %swap3A_50 = arith.constant 0 : index
    %swap3A_51 = arith.constant 0 : index
    %swap3A_52 = vector.load %arg5[%swap3A_50, %swap3A_51] : memref<256x64xf32, #tpu.memory_space<vmem>>, vector<256x64xf32>
    tpu.vector_store %arg5[%swap3A_50, %swap3A_51], %add3A_49 {strides = array<i32>} : memref<256x64xf32, #tpu.memory_space<vmem>>, vector<256x64xf32>,
    return
  }
  func.func @transform_0(%arg0: i32) -> (i32, i32) {
    %c0_i32 = arith.constant 0 : i32
    %c0_i32_0 = arith.constant 0 : i32
    return %arg0, %c0_i32 : i32, i32
  }
  func.func @transform_1(%arg0: i32) -> (i32, i32) {
    %c0_i32 = arith.constant 0 : i32
    %c0_i32_0 = arith.constant 0 : i32
    %c0_i32_1 = arith.constant 0 : i32
    return %c0_i32, %c0_i32_0 : i32, i32
  }
  func.func @transform_2(%arg0: i32) -> (i32, i32, i32) {
    %c0_i32 = arith.constant 0 : i32
    %c0_i32_0 = arith.constant 0 : i32
    %c0_i32_1 = arith.constant 0 : i32
    return %arg0, %c0_i32, %c0_i32_0 : i32, i32, i32
  }
  func.func @transform_3(%arg0: i32) -> (i32, i32) {
    %c0_i32 = arith.constant 0 : i32
    %c0_i32_0 = arith.constant 0 : i32
    return %arg0, %c0_i32 : i32, i32
  }
  func.func @transform_4(%arg0: i32) -> (i32, i32) {
    %c0_i32 = arith.constant 0 : i32
    %c0_i32_0 = arith.constant 0 : i32
    %c0_i32_1 = arith.constant 0 : i32
    return %c0_i32, %c0_i32_0 : i32, i32
  }
}

module attributes {stable_mosaic.version = 14 : i64} {
  func.func @_head_body(%arg0: memref<256x64xf32, #tpu.memory_space<vmem>>, %arg1: memref<8448x64xf32, #tpu.memory_space<vmem>>, %arg2: memref<8448x64xf32, #tpu.memory_space<vmem>>, %arg3: memref<64x128xf32, #tpu.memory_space<vmem>>, %arg4: memref<1x128xf32, #tpu.memory_space<vmem>>, %arg5: memref<64x128xf32, #tpu.memory_space<vmem>>, %arg6: memref<1x128xf32, #tpu.memory_space<vmem>>, %arg7: memref<64x128xf32, #tpu.memory_space<vmem>>, %arg8: memref<1x128xf32, #tpu.memory_space<vmem>>, %arg9: memref<128x1xf32, #tpu.memory_space<vmem>>, %arg10: memref<1x1xf32, #tpu.memory_space<vmem>>, %arg11: memref<256x1xf32, #tpu.memory_space<vmem>>) attributes {dimension_semantics = [], scalar_prefetch = 0 : i64, scratch_operands = 0 : i64, tpu.core_type = #tpu.core_type<tc>} {
    %get3A = arith.constant 0 : index
    %get3A_0 = arith.constant 0 : index
    %get3A_1 = vector.load %arg1[%get3A, %get3A_0] : memref<8448x64xf32, #tpu.memory_space<vmem>>, vector<256x64xf32>
    %get3A_2 = arith.constant 0 : index
    %get3A_3 = arith.constant 0 : index
    %get3A_4 = vector.load %arg2[%get3A_2, %get3A_3] : memref<8448x64xf32, #tpu.memory_space<vmem>>, vector<256x64xf32>
    %get3A_5 = arith.constant 264 : index
    %get3A_6 = arith.constant 0 : index
    %get3A_7 = vector.load %arg1[%get3A_5, %get3A_6] : memref<8448x64xf32, #tpu.memory_space<vmem>>, vector<256x64xf32>
    %add3A = arith.addf %get3A_1, %get3A_7 : vector<256x64xf32>
    %get3A_8 = arith.constant 264 : index
    %get3A_9 = arith.constant 0 : index
    %get3A_10 = vector.load %arg2[%get3A_8, %get3A_9] : memref<8448x64xf32, #tpu.memory_space<vmem>>, vector<256x64xf32>
    %add3A_11 = arith.addf %get3A_4, %get3A_10 : vector<256x64xf32>
    %get3A_12 = arith.constant 528 : index
    %get3A_13 = arith.constant 0 : index
    %get3A_14 = vector.load %arg1[%get3A_12, %get3A_13] : memref<8448x64xf32, #tpu.memory_space<vmem>>, vector<256x64xf32>
    %add3A_15 = arith.addf %add3A, %get3A_14 : vector<256x64xf32>
    %get3A_16 = arith.constant 528 : index
    %get3A_17 = arith.constant 0 : index
    %get3A_18 = vector.load %arg2[%get3A_16, %get3A_17] : memref<8448x64xf32, #tpu.memory_space<vmem>>, vector<256x64xf32>
    %add3A_19 = arith.addf %add3A_11, %get3A_18 : vector<256x64xf32>
    %get3A_20 = arith.constant 792 : index
    %get3A_21 = arith.constant 0 : index
    %get3A_22 = vector.load %arg1[%get3A_20, %get3A_21] : memref<8448x64xf32, #tpu.memory_space<vmem>>, vector<256x64xf32>
    %add3A_23 = arith.addf %add3A_15, %get3A_22 : vector<256x64xf32>
    %get3A_24 = arith.constant 792 : index
    %get3A_25 = arith.constant 0 : index
    %get3A_26 = vector.load %arg2[%get3A_24, %get3A_25] : memref<8448x64xf32, #tpu.memory_space<vmem>>, vector<256x64xf32>
    %add3A_27 = arith.addf %add3A_19, %get3A_26 : vector<256x64xf32>
    %get3A_28 = arith.constant 1056 : index
    %get3A_29 = arith.constant 0 : index
    %get3A_30 = vector.load %arg1[%get3A_28, %get3A_29] : memref<8448x64xf32, #tpu.memory_space<vmem>>, vector<256x64xf32>
    %add3A_31 = arith.addf %add3A_23, %get3A_30 : vector<256x64xf32>
    %get3A_32 = arith.constant 1056 : index
    %get3A_33 = arith.constant 0 : index
    %get3A_34 = vector.load %arg2[%get3A_32, %get3A_33] : memref<8448x64xf32, #tpu.memory_space<vmem>>, vector<256x64xf32>
    %add3A_35 = arith.addf %add3A_27, %get3A_34 : vector<256x64xf32>
    %get3A_36 = arith.constant 1320 : index
    %get3A_37 = arith.constant 0 : index
    %get3A_38 = vector.load %arg1[%get3A_36, %get3A_37] : memref<8448x64xf32, #tpu.memory_space<vmem>>, vector<256x64xf32>
    %add3A_39 = arith.addf %add3A_31, %get3A_38 : vector<256x64xf32>
    %get3A_40 = arith.constant 1320 : index
    %get3A_41 = arith.constant 0 : index
    %get3A_42 = vector.load %arg2[%get3A_40, %get3A_41] : memref<8448x64xf32, #tpu.memory_space<vmem>>, vector<256x64xf32>
    %add3A_43 = arith.addf %add3A_35, %get3A_42 : vector<256x64xf32>
    %get3A_44 = arith.constant 1584 : index
    %get3A_45 = arith.constant 0 : index
    %get3A_46 = vector.load %arg1[%get3A_44, %get3A_45] : memref<8448x64xf32, #tpu.memory_space<vmem>>, vector<256x64xf32>
    %add3A_47 = arith.addf %add3A_39, %get3A_46 : vector<256x64xf32>
    %get3A_48 = arith.constant 1584 : index
    %get3A_49 = arith.constant 0 : index
    %get3A_50 = vector.load %arg2[%get3A_48, %get3A_49] : memref<8448x64xf32, #tpu.memory_space<vmem>>, vector<256x64xf32>
    %add3A_51 = arith.addf %add3A_43, %get3A_50 : vector<256x64xf32>
    %get3A_52 = arith.constant 1848 : index
    %get3A_53 = arith.constant 0 : index
    %get3A_54 = vector.load %arg1[%get3A_52, %get3A_53] : memref<8448x64xf32, #tpu.memory_space<vmem>>, vector<256x64xf32>
    %add3A_55 = arith.addf %add3A_47, %get3A_54 : vector<256x64xf32>
    %get3A_56 = arith.constant 1848 : index
    %get3A_57 = arith.constant 0 : index
    %get3A_58 = vector.load %arg2[%get3A_56, %get3A_57] : memref<8448x64xf32, #tpu.memory_space<vmem>>, vector<256x64xf32>
    %add3A_59 = arith.addf %add3A_51, %get3A_58 : vector<256x64xf32>
    %get3A_60 = arith.constant 2112 : index
    %get3A_61 = arith.constant 0 : index
    %get3A_62 = vector.load %arg1[%get3A_60, %get3A_61] : memref<8448x64xf32, #tpu.memory_space<vmem>>, vector<256x64xf32>
    %add3A_63 = arith.addf %add3A_55, %get3A_62 : vector<256x64xf32>
    %get3A_64 = arith.constant 2112 : index
    %get3A_65 = arith.constant 0 : index
    %get3A_66 = vector.load %arg2[%get3A_64, %get3A_65] : memref<8448x64xf32, #tpu.memory_space<vmem>>, vector<256x64xf32>
    %add3A_67 = arith.addf %add3A_59, %get3A_66 : vector<256x64xf32>
    %get3A_68 = arith.constant 2376 : index
    %get3A_69 = arith.constant 0 : index
    %get3A_70 = vector.load %arg1[%get3A_68, %get3A_69] : memref<8448x64xf32, #tpu.memory_space<vmem>>, vector<256x64xf32>
    %add3A_71 = arith.addf %add3A_63, %get3A_70 : vector<256x64xf32>
    %get3A_72 = arith.constant 2376 : index
    %get3A_73 = arith.constant 0 : index
    %get3A_74 = vector.load %arg2[%get3A_72, %get3A_73] : memref<8448x64xf32, #tpu.memory_space<vmem>>, vector<256x64xf32>
    %add3A_75 = arith.addf %add3A_67, %get3A_74 : vector<256x64xf32>
    %get3A_76 = arith.constant 2640 : index
    %get3A_77 = arith.constant 0 : index
    %get3A_78 = vector.load %arg1[%get3A_76, %get3A_77] : memref<8448x64xf32, #tpu.memory_space<vmem>>, vector<256x64xf32>
    %add3A_79 = arith.addf %add3A_71, %get3A_78 : vector<256x64xf32>
    %get3A_80 = arith.constant 2640 : index
    %get3A_81 = arith.constant 0 : index
    %get3A_82 = vector.load %arg2[%get3A_80, %get3A_81] : memref<8448x64xf32, #tpu.memory_space<vmem>>, vector<256x64xf32>
    %add3A_83 = arith.addf %add3A_75, %get3A_82 : vector<256x64xf32>
    %get3A_84 = arith.constant 2904 : index
    %get3A_85 = arith.constant 0 : index
    %get3A_86 = vector.load %arg1[%get3A_84, %get3A_85] : memref<8448x64xf32, #tpu.memory_space<vmem>>, vector<256x64xf32>
    %add3A_87 = arith.addf %add3A_79, %get3A_86 : vector<256x64xf32>
    %get3A_88 = arith.constant 2904 : index
    %get3A_89 = arith.constant 0 : index
    %get3A_90 = vector.load %arg2[%get3A_88, %get3A_89] : memref<8448x64xf32, #tpu.memory_space<vmem>>, vector<256x64xf32>
    %add3A_91 = arith.addf %add3A_83, %get3A_90 : vector<256x64xf32>
    %get3A_92 = arith.constant 3168 : index
    %get3A_93 = arith.constant 0 : index
    %get3A_94 = vector.load %arg1[%get3A_92, %get3A_93] : memref<8448x64xf32, #tpu.memory_space<vmem>>, vector<256x64xf32>
    %add3A_95 = arith.addf %add3A_87, %get3A_94 : vector<256x64xf32>
    %get3A_96 = arith.constant 3168 : index
    %get3A_97 = arith.constant 0 : index
    %get3A_98 = vector.load %arg2[%get3A_96, %get3A_97] : memref<8448x64xf32, #tpu.memory_space<vmem>>, vector<256x64xf32>
    %add3A_99 = arith.addf %add3A_91, %get3A_98 : vector<256x64xf32>
    %get3A_100 = arith.constant 3432 : index
    %get3A_101 = arith.constant 0 : index
    %get3A_102 = vector.load %arg1[%get3A_100, %get3A_101] : memref<8448x64xf32, #tpu.memory_space<vmem>>, vector<256x64xf32>
    %add3A_103 = arith.addf %add3A_95, %get3A_102 : vector<256x64xf32>
    %get3A_104 = arith.constant 3432 : index
    %get3A_105 = arith.constant 0 : index
    %get3A_106 = vector.load %arg2[%get3A_104, %get3A_105] : memref<8448x64xf32, #tpu.memory_space<vmem>>, vector<256x64xf32>
    %add3A_107 = arith.addf %add3A_99, %get3A_106 : vector<256x64xf32>
    %get3A_108 = arith.constant 3696 : index
    %get3A_109 = arith.constant 0 : index
    %get3A_110 = vector.load %arg1[%get3A_108, %get3A_109] : memref<8448x64xf32, #tpu.memory_space<vmem>>, vector<256x64xf32>
    %add3A_111 = arith.addf %add3A_103, %get3A_110 : vector<256x64xf32>
    %get3A_112 = arith.constant 3696 : index
    %get3A_113 = arith.constant 0 : index
    %get3A_114 = vector.load %arg2[%get3A_112, %get3A_113] : memref<8448x64xf32, #tpu.memory_space<vmem>>, vector<256x64xf32>
    %add3A_115 = arith.addf %add3A_107, %get3A_114 : vector<256x64xf32>
    %get3A_116 = arith.constant 3960 : index
    %get3A_117 = arith.constant 0 : index
    %get3A_118 = vector.load %arg1[%get3A_116, %get3A_117] : memref<8448x64xf32, #tpu.memory_space<vmem>>, vector<256x64xf32>
    %add3A_119 = arith.addf %add3A_111, %get3A_118 : vector<256x64xf32>
    %get3A_120 = arith.constant 3960 : index
    %get3A_121 = arith.constant 0 : index
    %get3A_122 = vector.load %arg2[%get3A_120, %get3A_121] : memref<8448x64xf32, #tpu.memory_space<vmem>>, vector<256x64xf32>
    %add3A_123 = arith.addf %add3A_115, %get3A_122 : vector<256x64xf32>
    %get3A_124 = arith.constant 4224 : index
    %get3A_125 = arith.constant 0 : index
    %get3A_126 = vector.load %arg1[%get3A_124, %get3A_125] : memref<8448x64xf32, #tpu.memory_space<vmem>>, vector<256x64xf32>
    %add3A_127 = arith.addf %add3A_119, %get3A_126 : vector<256x64xf32>
    %get3A_128 = arith.constant 4224 : index
    %get3A_129 = arith.constant 0 : index
    %get3A_130 = vector.load %arg2[%get3A_128, %get3A_129] : memref<8448x64xf32, #tpu.memory_space<vmem>>, vector<256x64xf32>
    %add3A_131 = arith.addf %add3A_123, %get3A_130 : vector<256x64xf32>
    %get3A_132 = arith.constant 4488 : index
    %get3A_133 = arith.constant 0 : index
    %get3A_134 = vector.load %arg1[%get3A_132, %get3A_133] : memref<8448x64xf32, #tpu.memory_space<vmem>>, vector<256x64xf32>
    %add3A_135 = arith.addf %add3A_127, %get3A_134 : vector<256x64xf32>
    %get3A_136 = arith.constant 4488 : index
    %get3A_137 = arith.constant 0 : index
    %get3A_138 = vector.load %arg2[%get3A_136, %get3A_137] : memref<8448x64xf32, #tpu.memory_space<vmem>>, vector<256x64xf32>
    %add3A_139 = arith.addf %add3A_131, %get3A_138 : vector<256x64xf32>
    %get3A_140 = arith.constant 4752 : index
    %get3A_141 = arith.constant 0 : index
    %get3A_142 = vector.load %arg1[%get3A_140, %get3A_141] : memref<8448x64xf32, #tpu.memory_space<vmem>>, vector<256x64xf32>
    %add3A_143 = arith.addf %add3A_135, %get3A_142 : vector<256x64xf32>
    %get3A_144 = arith.constant 4752 : index
    %get3A_145 = arith.constant 0 : index
    %get3A_146 = vector.load %arg2[%get3A_144, %get3A_145] : memref<8448x64xf32, #tpu.memory_space<vmem>>, vector<256x64xf32>
    %add3A_147 = arith.addf %add3A_139, %get3A_146 : vector<256x64xf32>
    %get3A_148 = arith.constant 5016 : index
    %get3A_149 = arith.constant 0 : index
    %get3A_150 = vector.load %arg1[%get3A_148, %get3A_149] : memref<8448x64xf32, #tpu.memory_space<vmem>>, vector<256x64xf32>
    %add3A_151 = arith.addf %add3A_143, %get3A_150 : vector<256x64xf32>
    %get3A_152 = arith.constant 5016 : index
    %get3A_153 = arith.constant 0 : index
    %get3A_154 = vector.load %arg2[%get3A_152, %get3A_153] : memref<8448x64xf32, #tpu.memory_space<vmem>>, vector<256x64xf32>
    %add3A_155 = arith.addf %add3A_147, %get3A_154 : vector<256x64xf32>
    %get3A_156 = arith.constant 5280 : index
    %get3A_157 = arith.constant 0 : index
    %get3A_158 = vector.load %arg1[%get3A_156, %get3A_157] : memref<8448x64xf32, #tpu.memory_space<vmem>>, vector<256x64xf32>
    %add3A_159 = arith.addf %add3A_151, %get3A_158 : vector<256x64xf32>
    %get3A_160 = arith.constant 5280 : index
    %get3A_161 = arith.constant 0 : index
    %get3A_162 = vector.load %arg2[%get3A_160, %get3A_161] : memref<8448x64xf32, #tpu.memory_space<vmem>>, vector<256x64xf32>
    %add3A_163 = arith.addf %add3A_155, %get3A_162 : vector<256x64xf32>
    %get3A_164 = arith.constant 5544 : index
    %get3A_165 = arith.constant 0 : index
    %get3A_166 = vector.load %arg1[%get3A_164, %get3A_165] : memref<8448x64xf32, #tpu.memory_space<vmem>>, vector<256x64xf32>
    %add3A_167 = arith.addf %add3A_159, %get3A_166 : vector<256x64xf32>
    %get3A_168 = arith.constant 5544 : index
    %get3A_169 = arith.constant 0 : index
    %get3A_170 = vector.load %arg2[%get3A_168, %get3A_169] : memref<8448x64xf32, #tpu.memory_space<vmem>>, vector<256x64xf32>
    %add3A_171 = arith.addf %add3A_163, %get3A_170 : vector<256x64xf32>
    %get3A_172 = arith.constant 5808 : index
    %get3A_173 = arith.constant 0 : index
    %get3A_174 = vector.load %arg1[%get3A_172, %get3A_173] : memref<8448x64xf32, #tpu.memory_space<vmem>>, vector<256x64xf32>
    %add3A_175 = arith.addf %add3A_167, %get3A_174 : vector<256x64xf32>
    %get3A_176 = arith.constant 5808 : index
    %get3A_177 = arith.constant 0 : index
    %get3A_178 = vector.load %arg2[%get3A_176, %get3A_177] : memref<8448x64xf32, #tpu.memory_space<vmem>>, vector<256x64xf32>
    %add3A_179 = arith.addf %add3A_171, %get3A_178 : vector<256x64xf32>
    %get3A_180 = arith.constant 6072 : index
    %get3A_181 = arith.constant 0 : index
    %get3A_182 = vector.load %arg1[%get3A_180, %get3A_181] : memref<8448x64xf32, #tpu.memory_space<vmem>>, vector<256x64xf32>
    %add3A_183 = arith.addf %add3A_175, %get3A_182 : vector<256x64xf32>
    %get3A_184 = arith.constant 6072 : index
    %get3A_185 = arith.constant 0 : index
    %get3A_186 = vector.load %arg2[%get3A_184, %get3A_185] : memref<8448x64xf32, #tpu.memory_space<vmem>>, vector<256x64xf32>
    %add3A_187 = arith.addf %add3A_179, %get3A_186 : vector<256x64xf32>
    %get3A_188 = arith.constant 6336 : index
    %get3A_189 = arith.constant 0 : index
    %get3A_190 = vector.load %arg1[%get3A_188, %get3A_189] : memref<8448x64xf32, #tpu.memory_space<vmem>>, vector<256x64xf32>
    %add3A_191 = arith.addf %add3A_183, %get3A_190 : vector<256x64xf32>
    %get3A_192 = arith.constant 6336 : index
    %get3A_193 = arith.constant 0 : index
    %get3A_194 = vector.load %arg2[%get3A_192, %get3A_193] : memref<8448x64xf32, #tpu.memory_space<vmem>>, vector<256x64xf32>
    %add3A_195 = arith.addf %add3A_187, %get3A_194 : vector<256x64xf32>
    %get3A_196 = arith.constant 6600 : index
    %get3A_197 = arith.constant 0 : index
    %get3A_198 = vector.load %arg1[%get3A_196, %get3A_197] : memref<8448x64xf32, #tpu.memory_space<vmem>>, vector<256x64xf32>
    %add3A_199 = arith.addf %add3A_191, %get3A_198 : vector<256x64xf32>
    %get3A_200 = arith.constant 6600 : index
    %get3A_201 = arith.constant 0 : index
    %get3A_202 = vector.load %arg2[%get3A_200, %get3A_201] : memref<8448x64xf32, #tpu.memory_space<vmem>>, vector<256x64xf32>
    %add3A_203 = arith.addf %add3A_195, %get3A_202 : vector<256x64xf32>
    %get3A_204 = arith.constant 6864 : index
    %get3A_205 = arith.constant 0 : index
    %get3A_206 = vector.load %arg1[%get3A_204, %get3A_205] : memref<8448x64xf32, #tpu.memory_space<vmem>>, vector<256x64xf32>
    %add3A_207 = arith.addf %add3A_199, %get3A_206 : vector<256x64xf32>
    %get3A_208 = arith.constant 6864 : index
    %get3A_209 = arith.constant 0 : index
    %get3A_210 = vector.load %arg2[%get3A_208, %get3A_209] : memref<8448x64xf32, #tpu.memory_space<vmem>>, vector<256x64xf32>
    %add3A_211 = arith.addf %add3A_203, %get3A_210 : vector<256x64xf32>
    %get3A_212 = arith.constant 7128 : index
    %get3A_213 = arith.constant 0 : index
    %get3A_214 = vector.load %arg1[%get3A_212, %get3A_213] : memref<8448x64xf32, #tpu.memory_space<vmem>>, vector<256x64xf32>
    %add3A_215 = arith.addf %add3A_207, %get3A_214 : vector<256x64xf32>
    %get3A_216 = arith.constant 7128 : index
    %get3A_217 = arith.constant 0 : index
    %get3A_218 = vector.load %arg2[%get3A_216, %get3A_217] : memref<8448x64xf32, #tpu.memory_space<vmem>>, vector<256x64xf32>
    %add3A_219 = arith.addf %add3A_211, %get3A_218 : vector<256x64xf32>
    %get3A_220 = arith.constant 7392 : index
    %get3A_221 = arith.constant 0 : index
    %get3A_222 = vector.load %arg1[%get3A_220, %get3A_221] : memref<8448x64xf32, #tpu.memory_space<vmem>>, vector<256x64xf32>
    %add3A_223 = arith.addf %add3A_215, %get3A_222 : vector<256x64xf32>
    %get3A_224 = arith.constant 7392 : index
    %get3A_225 = arith.constant 0 : index
    %get3A_226 = vector.load %arg2[%get3A_224, %get3A_225] : memref<8448x64xf32, #tpu.memory_space<vmem>>, vector<256x64xf32>
    %add3A_227 = arith.addf %add3A_219, %get3A_226 : vector<256x64xf32>
    %get3A_228 = arith.constant 7656 : index
    %get3A_229 = arith.constant 0 : index
    %get3A_230 = vector.load %arg1[%get3A_228, %get3A_229] : memref<8448x64xf32, #tpu.memory_space<vmem>>, vector<256x64xf32>
    %add3A_231 = arith.addf %add3A_223, %get3A_230 : vector<256x64xf32>
    %get3A_232 = arith.constant 7656 : index
    %get3A_233 = arith.constant 0 : index
    %get3A_234 = vector.load %arg2[%get3A_232, %get3A_233] : memref<8448x64xf32, #tpu.memory_space<vmem>>, vector<256x64xf32>
    %add3A_235 = arith.addf %add3A_227, %get3A_234 : vector<256x64xf32>
    %get3A_236 = arith.constant 7920 : index
    %get3A_237 = arith.constant 0 : index
    %get3A_238 = vector.load %arg1[%get3A_236, %get3A_237] : memref<8448x64xf32, #tpu.memory_space<vmem>>, vector<256x64xf32>
    %add3A_239 = arith.addf %add3A_231, %get3A_238 : vector<256x64xf32>
    %get3A_240 = arith.constant 7920 : index
    %get3A_241 = arith.constant 0 : index
    %get3A_242 = vector.load %arg2[%get3A_240, %get3A_241] : memref<8448x64xf32, #tpu.memory_space<vmem>>, vector<256x64xf32>
    %add3A_243 = arith.addf %add3A_235, %get3A_242 : vector<256x64xf32>
    %get3A_244 = arith.constant 8184 : index
    %get3A_245 = arith.constant 0 : index
    %get3A_246 = vector.load %arg1[%get3A_244, %get3A_245] : memref<8448x64xf32, #tpu.memory_space<vmem>>, vector<256x64xf32>
    %add3A_247 = arith.addf %add3A_239, %get3A_246 : vector<256x64xf32>
    %get3A_248 = arith.constant 8184 : index
    %get3A_249 = arith.constant 0 : index
    %get3A_250 = vector.load %arg2[%get3A_248, %get3A_249] : memref<8448x64xf32, #tpu.memory_space<vmem>>, vector<256x64xf32>
    %add3A_251 = arith.addf %add3A_243, %get3A_250 : vector<256x64xf32>
    %mul3A = arith.constant 5.000000e-01 : f32
    %mul3A_252 = vector.broadcast %mul3A : f32 to vector<256x64xf32>
    %mul3A_253 = arith.mulf %add3A_251, %mul3A_252 : vector<256x64xf32>
    %get3A_254 = arith.constant 0 : index
    %get3A_255 = arith.constant 0 : index
    %get3A_256 = vector.load %arg0[%get3A_254, %get3A_255] : memref<256x64xf32, #tpu.memory_space<vmem>>, vector<256x64xf32>
    %get3A_257 = arith.constant 0 : index
    %get3A_258 = arith.constant 0 : index
    %get3A_259 = vector.load %arg3[%get3A_257, %get3A_258] : memref<64x128xf32, #tpu.memory_space<vmem>>, vector<64x128xf32>
    %dot_general3A = arith.constant dense<0.000000e+00> : vector<256x128xf32>
    %dot_general3A_260 = tpu.matmul %get3A_256, %get3A_259, %dot_general3A {dimension_numbers = #tpu.dot_dimension_numbers<[1], [0], [0], [1], [0, 0, 1, 1], [], []>, transpose_lhs_hint = false} : vector<256x64xf32>, vector<64x128xf32>, vector<256x128xf32> -> vector<256x128xf32>
    %get3A_261 = arith.constant 0 : index
    %get3A_262 = arith.constant 0 : index
    %get3A_263 = vector.load %arg4[%get3A_261, %get3A_262] : memref<1x128xf32, #tpu.memory_space<vmem>>, vector<1x128xf32>
    %add3A_264 = vector.broadcast %get3A_263 : vector<1x128xf32> to vector<256x128xf32>
    %add3A_265 = arith.addf %dot_general3A_260, %add3A_264 : vector<256x128xf32>
    %max3A = arith.constant 0.000000e+00 : f32
    %max3A_266 = vector.broadcast %max3A : f32 to vector<256x128xf32>
    %max3A_267 = arith.maximumf %add3A_265, %max3A_266 : vector<256x128xf32>
    %get3A_268 = arith.constant 0 : index
    %get3A_269 = arith.constant 0 : index
    %get3A_270 = vector.load %arg5[%get3A_268, %get3A_269] : memref<64x128xf32, #tpu.memory_space<vmem>>, vector<64x128xf32>
    %dot_general3A_271 = arith.constant dense<0.000000e+00> : vector<256x128xf32>
    %dot_general3A_272 = tpu.matmul %add3A_247, %get3A_270, %dot_general3A_271 {dimension_numbers = #tpu.dot_dimension_numbers<[1], [0], [0], [1], [0, 0, 1, 1], [], []>, transpose_lhs_hint = false} : vector<256x64xf32>, vector<64x128xf32>, vector<256x128xf32> -> vector<256x128xf32>
    %get3A_273 = arith.constant 0 : index
    %get3A_274 = arith.constant 0 : index
    %get3A_275 = vector.load %arg6[%get3A_273, %get3A_274] : memref<1x128xf32, #tpu.memory_space<vmem>>, vector<1x128xf32>
    %add3A_276 = vector.broadcast %get3A_275 : vector<1x128xf32> to vector<256x128xf32>
    %add3A_277 = arith.addf %dot_general3A_272, %add3A_276 : vector<256x128xf32>
    %max3A_278 = arith.constant 0.000000e+00 : f32
    %max3A_279 = vector.broadcast %max3A_278 : f32 to vector<256x128xf32>
    %max3A_280 = arith.maximumf %add3A_277, %max3A_279 : vector<256x128xf32>
    %get3A_281 = arith.constant 0 : index
    %get3A_282 = arith.constant 0 : index
    %get3A_283 = vector.load %arg7[%get3A_281, %get3A_282] : memref<64x128xf32, #tpu.memory_space<vmem>>, vector<64x128xf32>
    %dot_general3A_284 = arith.constant dense<0.000000e+00> : vector<256x128xf32>
    %dot_general3A_285 = tpu.matmul %mul3A_253, %get3A_283, %dot_general3A_284 {dimension_numbers = #tpu.dot_dimension_numbers<[1], [0], [0], [1], [0, 0, 1, 1], [], []>, transpose_lhs_hint = false} : vector<256x64xf32>, vector<64x128xf32>, vector<256x128xf32> -> vector<256x128xf32>
    %get3A_286 = arith.constant 0 : index
    %get3A_287 = arith.constant 0 : index
    %get3A_288 = vector.load %arg8[%get3A_286, %get3A_287] : memref<1x128xf32, #tpu.memory_space<vmem>>, vector<1x128xf32>
    %add3A_289 = vector.broadcast %get3A_288 : vector<1x128xf32> to vector<256x128xf32>
    %add3A_290 = arith.addf %dot_general3A_285, %add3A_289 : vector<256x128xf32>
    %max3A_291 = arith.constant 0.000000e+00 : f32
    %max3A_292 = vector.broadcast %max3A_291 : f32 to vector<256x128xf32>
    %max3A_293 = arith.maximumf %add3A_290, %max3A_292 : vector<256x128xf32>
    %add3A_294 = arith.addf %max3A_267, %max3A_280 : vector<256x128xf32>
    %add3A_295 = arith.addf %add3A_294, %max3A_293 : vector<256x128xf32>
    %get3A_296 = arith.constant 0 : index
    %get3A_297 = arith.constant 0 : index
    %get3A_298 = vector.load %arg9[%get3A_296, %get3A_297] : memref<128x1xf32, #tpu.memory_space<vmem>>, vector<128x1xf32>
    %dot_general3A_299 = arith.constant dense<0.000000e+00> : vector<256x1xf32>
    %dot_general3A_300 = tpu.matmul %add3A_295, %get3A_298, %dot_general3A_299 {dimension_numbers = #tpu.dot_dimension_numbers<[1], [0], [0], [1], [0, 0, 1, 1], [], []>, transpose_lhs_hint = false} : vector<256x128xf32>, vector<128x1xf32>, vector<256x1xf32> -> vector<256x1xf32>
    %get3A_301 = arith.constant 0 : index
    %get3A_302 = arith.constant 0 : index
    %get3A_303 = vector.load %arg10[%get3A_301, %get3A_302] : memref<1x1xf32, #tpu.memory_space<vmem>>, vector<1x1xf32>
    %add3A_304 = vector.broadcast %get3A_303 : vector<1x1xf32> to vector<256x1xf32>
    %add3A_305 = arith.addf %dot_general3A_300, %add3A_304 : vector<256x1xf32>
    %swap3A = arith.constant 0 : index
    %swap3A_306 = arith.constant 0 : index
    %swap3A_307 = vector.load %arg11[%swap3A, %swap3A_306] : memref<256x1xf32, #tpu.memory_space<vmem>>, vector<256x1xf32>
    tpu.vector_store %arg11[%swap3A, %swap3A_306], %add3A_305 {strides = array<i32>} : memref<256x1xf32, #tpu.memory_space<vmem>>, vector<256x1xf32>,
    return
  }
}

</mosaic_0001>

<sc_bundles>
// kernel: kernel.6.cloned.1.call-start
scs
__scs_entry_jumppad:
0x0: {  	(pc) =	sbr.rel $0x88, $3  }
0x1: {  	(tag) =	ssettag $0x0;
	lr =	simm.s32 $0x1  }
0x2: {  	[smem:$0x3F90] =	sst lr;
	_ =	strace $0xD0000000  }
0x3: {  	_ = 	snop  }
0x4: {  	_ = 	snop  }
0x5: {  	_ = 	snop  }
0x6: {  	_ = 	snop  }
0x7: {  	_ = 	snop  }
__scs_overlays_trampoline_lowered:
0x8: {  	[smem:$0x3F9F] =	sst s0  }
0x9: {  	[smem:$0x3FA0] =	sst s1  }
0xa: {  	[smem:$0x3FA1] =	sst s2  }
0xb: {  	[smem:$0x3FA2] =	sst s3  }
0xc: {  	[smem:$0x3FA3] =	sst s4  }
0xd: {  	[smem:$0x3FA4] =	sst s5  }
0xe: {  	[smem:$0x3FA5] =	sst s6  }
0xf: {  	[smem:$0x3FA6] =	sst s7  }
0x10: {  	[smem:$0x3FA7] =	sst s8  }
0x11: {  	[smem:$0x3FA8] =	sst s9;
	s0 =	simm.s32 @!p0 $0x0  }
0x12: {  	s1 =	sld [smem:$0x3F8E];
	s0 =	simm.s32 @p0 $0x1  }
0x13: {  	[smem:$0x3FA9] =	sst s0;
	s0 =	simm.s32 @!p1 $0x0  }
0x14: {  	s2 =	sld [smem:$0x3F8D];
	s0 =	simm.s32 @p1 $0x1  }
0x15: {  	[smem:$0x3FAA] =	sst s0;
	s0 =	simm.s32 @!p2 $0x0  }
0x16: {  	s3 =	sld [smem:$0x3FDB];
	s0 =	simm.s32 @p2 $0x1  }
0x17: {  	s4 =	simm.s32 $0x1BF5;
	[smem:$0x3FAC] =	sst s0  }
0x18: {  	s0 =	sld [smem:$0x3F8F];
	_ =	swait.ge [sflag:s4], $0x0  }
0x19: {  	s7 =	sld [smem:$0x3F90]  }
0x1a: {  	s8 =	sadd.s32 $0xFFFFE003, lr  }
0x1b: {  	s9 =	sadd.s32 $0xFFFFFEF7, lr;
	s5 =	simm.s32 $0xFFFFFFFF;
	p2 =	slt.u32 s8, $0xFFFFF086  }
0x1c: {  	p1 =	slt.u32 s9, $0xF7A;
	s5 =	simm.s32 @!p2 $0x0  }
0x1d: {  	s5 =	simm.s32 @p1 $0x1;
	p0 =	seq.s32 s7, s2  }
0x1e: {  	s7 =	smul.u32 @!p0 $0xF7A, s2;
	p2 =	seq.s32 @!p0 s5, $0x0  }
0x1f: {  	s9 =	smul.u32 $0xF7A, s1;
	s8 =	simm.s32 @!p0 $0x1BF5;
	p2 =	por !p2, p0  }
0x20: {  	[sflag:s8] =	ssyncset.s32 @!p0 $0xFFFFF086;
	s6 =	sadd.s32 @!p0 s3, s7;
	s7 =	simm.s32 @!p0 $0x108  }
0x21: {  	s3 =	sadd.s32 s3, s9;
	s6 =	sadd.s32 @!p0 $0x88, s6;
	s7 =	simm.s32 @p2 $0x1082  }
0x22: {  	[simem:s7], [sflag:s8] =	dma.local @!p0 [hbm:s6], $0xF7A  }
0x23: {  	s9 =	sor.u32 $0xD0000000, s2;
	s6 =	simm.s32 $0x108;
	_ =	swait.ge @!p0 [sflag:s8], $0x0  }
0x24: {  	s3 =	sadd.s32 $0x88, s3;
	s6 =	simm.s32 @!p1 $0x1082;
	[sflag:s4] =	ssyncset.s32 $0xFFFFF086  }
0x25: {  	[simem:s6], [sflag:s4] =	dma.local [hbm:s3], $0xF7A  }
0x26: {  	[smem:$0x3F90] =	sst s1;
	(tag) =	ssettag s2;
	_ =	strace s9  }
0x27: {  	s1 =	sld [smem:$0x3FA0]  }
0x28: {  	s2 =	sld [smem:$0x3FA1]  }
0x29: {  	s4 =	sld [smem:$0x3FA3]  }
0x2a: {  	p0 =	seq.s32 s5, $0x0;
	s5 =	sld [smem:$0x3FA4]  }
0x2b: {  	s6 =	sld [smem:$0x3FA5]  }
0x2c: {  	s7 =	sld [smem:$0x3FA6]  }
0x2d: {  	s3 =	simm.s32 $0x108;
	s8 =	sld [smem:$0x3FA7]  }
0x2e: {  	s3 =	simm.s32 @!p0 $0x1082;
	s9 =	sld [smem:$0x3FA8]  }
0x2f: {  	lr =	sadd.s32 s0, s3;
	s0 =	sld [smem:$0x3F9F]  }
0x30: {  	s3 =	sld [smem:$0x3FA2]  }
0x31: {  	[smem:$0x3FAB] =	sst s10  }
0x32: {  	s10 =	sld [smem:$0x3FA9];
	_ =	sdelay $0x3  }
0x33: {  	p0 =	seq.s32 s10, $0x1;
	s10 =	sld [smem:$0x3FAB];
	_ =	sdelay $0x3  }
0x34: {  	[smem:$0x3FAB] =	sst s10  }
0x35: {  	s10 =	sld [smem:$0x3FAA];
	_ =	sdelay $0x3  }
0x36: {  	p1 =	seq.s32 s10, $0x1;
	s10 =	sld [smem:$0x3FAB];
	_ =	sdelay $0x3  }
0x37: {  	[smem:$0x3FAB] =	sst s10  }
0x38: {  	s10 =	sld [smem:$0x3FAC]  }
0x39: {  	_ = 	snop;
	(pc) =	sbr.ind lr, $3  }
0x3a: {  	_ = 	snop  }
0x3b: {  	_ = 	snop  }
0x3c: {  	p2 =	seq.s32 s10, $0x1;
	s10 =	sld [smem:$0x3FAB]  }
0x3d: {  	_ =	shalt  }
0x3e: {  	_ =	shalt  }
0x3f: {  	_ =	shalt  }
0x40: {  	_ =	shalt  }
0x41: {  	_ =	shalt  }
0x42: {  	_ =	shalt  }
0x43: {  	_ =	shalt  }
0x44: {  	_ =	shalt  }
0x45: {  	_ =	shalt  }
0x46: {  	_ =	shalt  }
0x47: {  	_ =	shalt  }
0x48: {  	_ =	shalt  }
0x49: {  	_ =	shalt  }
0x4a: {  	_ =	shalt  }
0x4b: {  	_ =	shalt  }
0x4c: {  	_ =	shalt  }
0x4d: {  	_ =	shalt  }
0x4e: {  	_ =	shalt  }
0x4f: {  	_ =	shalt  }
0x50: {  	_ =	shalt  }
0x51: {  	_ =	shalt  }
0x52: {  	_ =	shalt  }
0x53: {  	_ =	shalt  }
0x54: {  	_ =	shalt  }
0x55: {  	_ =	shalt  }
0x56: {  	_ =	shalt  }
0x57: {  	_ =	shalt  }
0x58: {  	_ =	shalt  }
0x59: {  	_ =	shalt  }
0x5a: {  	_ =	shalt  }
0x5b: {  	_ =	shalt  }
0x5c: {  	_ =	shalt  }
0x5d: {  	_ =	shalt  }
0x5e: {  	_ =	shalt  }
0x5f: {  	_ =	shalt  }
0x60: {  	_ =	shalt  }
0x61: {  	_ =	shalt  }
0x62: {  	_ =	shalt  }
0x63: {  	_ =	shalt  }
0x64: {  	_ =	shalt  }
0x65: {  	_ =	shalt  }
0x66: {  	_ =	shalt  }
0x67: {  	_ =	shalt  }
0x68: {  	_ =	shalt  }
0x69: {  	_ =	shalt  }
0x6a: {  	_ =	shalt  }
0x6b: {  	_ =	shalt  }
0x6c: {  	_ =	shalt  }
0x6d: {  	_ =	shalt  }
0x6e: {  	_ =	shalt  }
0x6f: {  	_ =	shalt  }
0x70: {  	_ =	shalt  }
0x71: {  	_ =	shalt  }
0x72: {  	_ =	shalt  }
0x73: {  	_ =	shalt  }
0x74: {  	_ =	shalt  }
0x75: {  	_ =	shalt  }
0x76: {  	_ =	shalt  }
0x77: {  	_ =	shalt  }
0x78: {  	_ =	shalt  }
0x79: {  	_ =	shalt  }
0x7a: {  	_ =	shalt  }
0x7b: {  	_ =	shalt  }
0x7c: {  	_ =	shalt  }
0x7d: {  	_ =	shalt  }
0x7e: {  	_ =	shalt  }
0x7f: {  	_ =	shalt  }
0x80: {  	_ =	shalt  }
0x81: {  	_ =	shalt  }
0x82: {  	_ =	shalt  }
0x83: {  	_ =	shalt  }
0x84: {  	_ =	shalt  }
0x85: {  	_ =	shalt  }
0x86: {  	_ =	shalt  }
0x87: {  	_ =	shalt  }
.Lfunc_end0:
.L_simem_size_0:
called_computation_lowered:
.L_overlay_start_0:
0x88: {  	s2 =	sld [smem:$0x3FD9]  }
0x89: {  	s3 =	sld [smem:$0x3FFE];
	_ =	sdelay $0x1  }
0x8a: {  	s1 =	srdreg.scid  }
0x8b: {  	s0 =	sand.u32 $0x1, s1  }
0x8c: {  	s16 =	sshll.u32 s0, $0xA;
	s2 =	sadd.s32 s3, s2  }
0x8d: {  	s2 =	sadd.s32 s2, s16  }
0x8e: {  	[smem:$0x3FB7] =	sst s2  }
0x8f: {  	_ = 	snop  }
0x90: {  	(tm) =	ssettm $0x1  }
0x91: {  	s17 =	sld [smem:$0x3FFB];
	_ =	sdelay $0x3  }
0x92: {  	_ =	strace s17  }
0x93: {  	s2 =	sld [smem:$0x3FFC];
	_ =	sdelay $0x3  }
0x94: {  	_ =	strace s2  }
0x95: {  	s2 =	sld [smem:$0x3FFD];
	_ =	sdelay $0x3  }
0x96: {  	_ =	strace s2  }
0x97: {  	_ =	strace $0x8FFFFFFF  }
0x98: {  	s18 =	sld [smem:$0x3FDB];
	_ =	sdelay $0x1  }
0x99: {  	s19 =	simm.s32 $_scs_section_size  }
0x9a: {  	s4 =	simm.s32 $_size__tile_overlayer_lowered;
	s5 =	simm.s32 $_tile_overlayer_lowered  }
0x9b: {  	s22 =	simm.s32 $0x1BFF;
	s21 =	sshll.u32 s5, $0x1;
	s2 =	sadd.s32 s19, s18  }
0x9c: {  	s6 =	simm.s32 $0x0;
	s20 =	sshll.u32 s4, $0x1;
	s4 =	sadd.s32 s21, s2  }
0x9d: {  	[timem:s6], [sflag:s22] =	dma.local [hbm:s4], s20  }
0x9e: {  	_ =	swait.ge [sflag:s22], s20  }
0x9f: {  	s3 =	ssub.s32 $0x0, s20;
	[sflag:s22] =	ssyncset.done $0x0  }
0xa0: {  	[sflag:s22] =	ssyncadd.s32 s3;
	_ =	sdelay $0x1  }
0xa1: {  	s23 =	simm.s32 $0x1B8B  }
0xa2: {  	_ =	swait.ge [sflag:s23], $0x1  }
0xa3: {  	[sflag:s23] =	ssyncset.done $0x0  }
0xa4: {  	s25 =	simm.s32 $0x1B8E;
	s24 =	sld [smem:$0x3FFE];
	[sflag:s23] =	ssyncadd.s32 $0xFFFFFFFF  }
0xa5: {  	s26 =	simm.s32 $execute0_lowered;
	[smem:$0x3FD2] =	sst s25  }
0xa6: {  	s4 =	sshll.u32 s26, $0x1;
	_ =	strace $0x80000046;
	[dreg:$0x1] =	wrdreg $0xFFFFFFFF  }
0xa7: {  	s28 =	simm.s32 $_size_execute0_lowered;
	s2 =	sadd.s32 s2, s4;
	[dreg:$0x0] =	wrdreg $0x0  }
0xa8: {  	s4 =	sshll.u32 s28, $0x1;
	[dreg:$0x2] =	wrdreg s2  }
0xa9: {  	[dreg:$0x3] =	wrdreg s4  }
0xaa: {  	[dreg:$0x4] =	wrdreg $0xC0  }
0xab: {  	_ =	task [dreg:s6], $0x5FFFF  }
0xac: {  	[dreg:$0x1] =	wrdreg $0xFFFFFFFF  }
0xad: {  	[dreg:$0x0] =	wrdreg $0x60  }
0xae: {  	[dreg:$0x2] =	wrdreg s24  }
0xaf: {  	[dreg:$0x3] =	wrdreg $0x18B200  }
0xb0: {  	[dreg:$0x4] =	wrdreg $0xE9200  }
0xb1: {  	[dreg:$0x5] =	wrdreg $0x9  }
0xb2: {  	_ =	task.clear_ibuf [dreg:s6], $0x6FFFF;
	_ =	strace $0x90000046  }
0xb3: {  	s29 =	simm.s32 $0x9;
	_ =	strace $0x80000048  }
0xb4: {  	_ =	swait.ge [sflag:s29], $0x1  }
0xb5: {  	[sflag:s29] =	ssyncadd.s32 $0xFFFFFFFF  }
0xb6: {  	_ =	strace $0x90000048  }
0xb7: {  	_ =	sfence  }
0xb8: {  	s30 =	sld [smem:$0x0];
	_ =	sdelay $0x2  }
0xb9: {  	s31 =	sshll.u32 s1, $0xD;
	s1 =	sshrl.u32 s1, $0x2  }
0xba: {  	s3 =	sand.u32 $0x4000, s31;
	s1 =	sadd.s32 s1, s30  }
0xbb: {  	s0 =	sor.u32 s3, s0;
	s1 =	sshll.u32 s1, $0x11  }
0xbc: {  	s0 =	sor.u32 s1, s0  }
0xbd: {  	s0 =	sadd.s32 $0x8F2B, s0  }
0xbe: {  	[sflag:s0] =	ssyncadd.remote.s32 $0x1  }
0xbf: {  	_ =	sfence.sel $0xFFFF  }
0xc0: {  	[dreg:$0x0] =	wrdreg $0xFFFFFFFF;
	(pc) =	sbr.abs _section_cstart, $3  }
0xc1: {  	[dreg:$0x1] =	wrdreg $0xFFFFFFFF  }
0xc2: {  	_ =	task.clear_ibuf [dreg:s6], $0x2FFFF;
	_ =	strace $0x9FFFFFFF  }
0xc3: {  	(tm) =	ssettm $0x7FFFFFFF  }
tec
execute0_lowered:
.L_overlay_start_1:
0x0: {  	(tag) =	ssettag $0x1  }
0x1: {  	s0 =	rddreg [dreg:$0x0]  }
0x2: {  	s2 =	rddreg [dreg:$0x1]  }
0x3: {  	s3 =	rddreg [dreg:$0x2]  }
0x4: {  	s1 =	srdreg.scid;
	s8 =	stileid.u32  }
0x5: {  	s4 =	simm.s32 $0x0;
	s20 =	simm.s32 $0x4400;
	s28 =	simm.s32 $0x2  }
0x6: {  	s29 =	simm.s32 $0x2400;
	s30 =	simm.s32 $0x4;
	s31 =	simm.s32 $0x280  }
0x7: {  	s1 =	sand.u32 $0x1, s1;
	s5 =	sshll.u32 s8, $0x1;
	[smem:$0x7FF] =	sst s4  }
0x8: {  	s6 =	sadd.s32 $0xD2800, s0;
	s7 =	sadd.s32 $0xC6400, s0;
	s14 =	smul.u32 $0x10800, s8  }
0x9: {  	s12 =	sadd.s32 $0xDEC00, s0;
	s23 =	sadd.s32 $0xE5000, s0;
	s26 =	smul.u32 $0x28800, s8  }
0xa: {  	s25 =	sadd.s32 $0xF6E00, s0;
	s16 =	smul.u32 $0x108, s8;
	s9 =	sor.u32 s1, s5  }
0xb: {  	_ =	strace $0x80000047;
	s5 =	sadd.s32 $0x2A00, s0;
	[dreg:$0x4] =	wrdreg s12  }
0xc: {  	s11 =	sshll.u32 s1, $0x4;
	[dreg:$0x5] =	wrdreg s23;
	s1 =	ssub.s32 $0x2, s1  }
0xd: {  	[dreg:$0x6] =	wrdreg s25;
	s23 =	simm.s32 $0x400;
	s25 =	simm.s32 $0x200  }
0xe: {  	s10 =	smul.u32 $0x14, s9;
	s22 =	sor.u32 s8, s11;
	s13 =	sshrl.u32 s1, $0x1  }
0xf: {  	s17 =	sshrl.u32 s14, $0x2;
	s11 =	sshrl.u32 s26, $0x2;
	s18 =	smul.u32 $0xA, s9  }
0x10: {  	s19 =	sadd.s32 $0x100, s16;
	s24 =	smul.u32 $0x840, s22;
	s1 =	ssub.s32 s1, s13  }
0x11: {  	s14 =	sadd.s32 s11, s3;
	s22 =	simm.s32 $0x80;
	s21 =	sadd.s32 s10, s0  }
0x12: {  	s10 =	sadd.s32 s17, s2;
	[dreg:$0x9] =	wrdreg s18;
	s26 =	smax.u32 s1, $0x1  }
.Ltmp0:
0x13: {  	s18 =	simm.s32 $0x9;
	s0 =	sadd.s32 s24, s0;
	(pc) =	sbr.rel .LBB2_1-.Ltmp0, $4  }
0x14: {  	s15 =	sadd.s32 $0xC6000, s21;
	[dreg:$0xb] =	wrdreg s26;
	s21 =	simm.s32 $0x1  }
0x15: {  	s24 =	simm.s32 $0x3;
	[dreg:$0x7] =	wrdreg s15;
	s15 =	smul.u32 $0x288, s8  }
0x16: {  	vm0 =	vmmov $0x1;
	vm1 =	vcmask $0x308;
	s26 =	simm.s32 $0x300;
	[dreg:$0x8] =	wrdreg s10;
	s0 =	sadd.s32 $0xE6600, s0  }
0x17: {  	v1 =	vmov s16;
	v2 =	vmov s19;
	s8 =	simm.s32 $0x0;
	[dreg:$0xa] =	wrdreg s0;
	s0 =	simm.s32 $0x380;
	v0 =	vmov s15  }
.LBB2_10:
0x18: {  	s10 =	rddreg [dreg:$0x8]  }
0x19: {  	s9 =	rddreg [dreg:$0xa];
	s8 =	sshrl.u32 s10, $0x3  }
0x1a: {  	[hbm:s9], [sflag:s1] =	dma.local [spmem:s8], $0x840  }
0x1b: {  	_ =	swait.ge [sflag:s18], $0x840  }
0x1c: {  	s17 =	rddreg [dreg:$0xc]  }
0x1d: {  	s19 =	rddreg [dreg:$0xb];
	s8 =	sadd.s32 $0x1, s17  }
0x1e: {  	p0 =	sne.s32 s8, s19  }
.Ltmp1:
0x1f: {  	_ = 	snop;
	(pc) =	sbr.rel @!p0 .LBB2_11-.Ltmp1, $3  }
0x20: {  	_ =	sdelay $0x1  }
0x21: {  	[sflag:s18] =	ssyncset.done $0x0  }
0x22: {  	[sflag:s18] =	ssyncadd.s32 $0xFFFFF7C0  }
.LBB2_1:
0x23: {  	[dreg:$0xc] =	wrdreg s8  }
0x24: {  	s1 =	rddreg [dreg:$0x5];
	s17 =	simm.s32 $0x4720  }
0x25: {  	[tilespmem:s17], [sflag:$0x9] =	stream.linear.gather [hbm4b:s1+s4], $0xA200, $0x38;
	[tilespmem:$0x1CD20] =	vst v63  }
0x26: {  	_ =	swait.ge [sflag:s18], $0xA200  }
0x27: {  	[sflag:s18] =	ssyncset.done $0x0  }
0x28: {  	s9 =	simm.s32 $0x4680;
	s19 =	rddreg [dreg:$0x7];
	[sflag:s18] =	ssyncadd.s32 $0xFFFF5E00  }
0x29: {  	[tilespmem:s9], [sflag:$0x9] =	stream.linear.gather [hbm4b:s19+s4], $0xA0, $0x38;
	[tilespmem:$0x1CD20] =	vst v63  }
0x2a: {  	_ =	swait.ge [sflag:s18], $0xA0  }
0x2b: {  	[sflag:s18] =	ssyncset.done $0x0  }
.Ltmp2:
0x2c: {  	[sflag:s18] =	ssyncadd.s32 $0xFFFFFF60;
	(pc) =	sbr.rel .LBB2_2-.Ltmp2, $4  }
0x2d: {  	[spmem:s10] =	stream.linear.scatter [tilespmem:s17], [sflag:$0x9], $0x4200, $0x38;
	[tilespmem:$0x1CD20] =	vst v63  }
0x2e: {  	_ =	swait.ge [sflag:s18], $0x4200  }
0x2f: {  	[sflag:s18] =	ssyncset.done $0x0  }
0x30: {  	s9 =	simm.s32 $0x0;
	[sflag:s18] =	ssyncadd.s32 $0xFFFFBE00  }
.LBB2_9:
0x31: {  	s1 =	simm.s32 @!p0 $0x5  }
0x32: {  	_ =	swait.ge @!p0 [sflag:s1], $0x2000  }
0x33: {  	[sflag:s1] =	ssyncset.done @!p0 $0x0  }
0x34: {  	[sflag:s1] =	ssyncadd.s32 @!p0 $0xFFFFE000;
	s1 =	simm.s32 @!p0 $0x7  }
0x35: {  	p1 =	seq.s32 @!p0 s15, $0x80000001;
	_ =	swait.ge @!p0 [sflag:s1], $0x2000  }
0x36: {  	p1 =	por p1, p0;
	[sflag:s1] =	ssyncset.done @!p0 $0x0  }
0x37: {  	[sflag:s1] =	ssyncadd.s32 @!p0 $0xFFFFE000;
	s1 =	simm.s32 @!p1 $0x6  }
0x38: {  	_ =	swait.ge @!p1 [sflag:s1], $0x2000  }
0x39: {  	[sflag:s1] =	ssyncset.done @!p1 $0x0  }
0x3a: {  	s8 =	smul.u32 $0x1400, s11;
	[sflag:s1] =	ssyncadd.s32 @!p1 $0xFFFFE000;
	s1 =	simm.s32 @!p1 $0x8  }
0x3b: {  	s17 =	stileid.u32;
	s9 =	sadd.s32 $0x1, s9;
	_ =	swait.ge @!p1 [sflag:s1], $0x2000  }
0x3c: {  	s19 =	sshrl.u32 s14, $0x3;
	p0 =	sne.s32 s9, $0xA;
	[sflag:s1] =	ssyncset.done @!p1 $0x0  }
0x3d: {  	s10 =	rddreg [dreg:$0x6];
	[sflag:s1] =	ssyncadd.s32 @!p1 $0xFFFFE000;
	s1 =	sshll.u32 s17, $0x6  }
.Ltmp3:
0x3e: {  	s8 =	sadd.s32 s10, s8;
	s1 =	sor.u32 $0x1C09, s1;
	(pc) =	sbr.rel @!p0 .LBB2_10-.Ltmp3, $4  }
0x3f: {  	[hbm:s8], [sflag:s1] =	dma.local [spmem:s19], $0x1400  }
0x40: {  	_ =	swait.ge [sflag:s18], $0x1400  }
0x41: {  	[sflag:s18] =	ssyncset.done $0x0  }
0x42: {  	[sflag:s18] =	ssyncadd.s32 $0xFFFFEC00  }
.LBB2_2:
0x43: {  	s1 =	sshll.u32 s9, $0x4  }
0x44: {  	s1 =	sand.u32 $0x3FFFFFF0, s1  }
0x45: {  	v3 =	vld [tilespmem:s1+$0x4680];
	_ =	sdelay $0x4  }
0x46: {  	v4 =	vnsel vm0, $0x0, v3  }
0x47: {  	v3 =	vsel vm1, $0x0, v3;
	v4 =	vxor.u32 $0x80000000, v4  }
0x48: {  	v3 =	vxor.u32 $0x80000000, v3;
	(xrf0) =	vmax.scan.msk.u32 $0xffff, v4  }
0x49: {  	(xrf0) =	vmax.scan.msk.u32 $0xffff, v3;
	_ =	sdelay $0x4  }
0x4a: {  	v3, _, _ =	vpop (xrf0)  }
0x4b: {  	(v2sf) =	vpush v3, $0xF;
	v3, _, _ =	vpop (xrf0)  }
0x4c: {  	(v2sf) =	vpush v3, $0xF;
	_ =	sdelay $0xb  }
0x4d: {  	s8 =	rddreg [dreg:$0x9];
	s16 =	simm.s32 $0x4720  }
0x4e: {  	[spmem:s14] =	stream.linear.scatter [tilespmem:s16], [sflag:$0x9], $0xA200, $0x38;
	[tilespmem:$0x1CD20] =	vst v63  }
0x4f: {  	s11 =	sadd.s32 s8, s9;
	s1 =	spop (v2sf)  }
0x50: {  	s19 =	smul.u32 $0x280, s11;
	s15 =	spop (v2sf)  }
0x51: {  	_ =	swait.ge [sflag:s18], $0xA200  }
0x52: {  	s12 =	sshrl.u32 s19, $0x3;
	[sflag:s18] =	ssyncset.done $0x0;
	s17 =	rddreg [dreg:$0x4]  }
0x53: {  	s16 =	sxor.u32 $0x80000000, s15;
	[sflag:s18] =	ssyncadd.s32 $0xFFFF5E00;
	s12 =	sadd.s32 s17, s12  }
0x54: {  	[tilespmem:s20], [sflag:$0x9] =	stream.linear.gather [hbm4b:s12+s4], $0x280, $0x38;
	[tilespmem:$0x1CD20] =	vst v63  }
0x55: {  	p0 =	slt.s32 s16, $0x1;
	s12 =	sxor.u32 $0x80000000, s1;
	_ =	swait.ge [sflag:s18], $0x280  }
0x56: {  	s12 =	sshrl.u32 @!p0 s12, $0x3;
	[sflag:s18] =	ssyncset.done $0x0  }
0x57: {  	s8 =	simm.s32 @!p0 $0x0;
	s17 =	sadd.s32 @!p0 s6, s12;
	[sflag:s18] =	ssyncadd.s32 $0xFFFFFD80  }
0x58: {  	[tilespmem:s8], [sflag:$0x1] =	stream.linear.gather @!p0 [hbm4b:s17+s8], $0x80, $0x38;
	[tilespmem:$0x1CD20] =	vst v63  }
0x59: {  	s12 =	sadd.s32 @!p0 s7, s12;
	s17 =	simm.s32 @!p0 $0x100  }
0x5a: {  	[tilespmem:s17], [sflag:$0x1] =	stream.linear.gather @!p0 [hbm4b:s12+s8], $0x80, $0x38;
	[tilespmem:$0x1CD20] =	vst v63  }
0x5b: {  	p1 =	slt.s32 s15, $0xFFFFFFFF;
	s8 =	sadd.s32 $0x80000001, s15;
	s12 =	simm.s32 $0x1  }
0x5c: {  	s12 =	simm.s32 @!p1 $0x0;
	s10 =	sshra.s32 s8, $0x1F  }
0x5d: {  	s13 =	sand.u32 $0x1, s8;
	s12 =	sadd.s32 s12, s10  }
0x5e: {  	p2 =	seq.s32 s13, $0x1;
	p6 =	sne.s32 s12, $0x1  }
0x5f: {  	s17 =	sshrl.u32 s8, $0x1F;
	p1 =	por !p6, !p2  }
0x60: {  	s8 =	sadd.s32 s17, s8;
	s12 =	simm.s32 $0x1;
	p1 =	por !p1, !p1  }
0x61: {  	s8 =	sshra.s32 s8, $0x1;
	s12 =	simm.s32 @!p1 $0x0  }
0x62: {  	s12 =	ssub.s32 s8, s12  }
0x63: {  	p1 =	slt.s32 s12, $0x1  }
.Ltmp4:
0x64: {  	_ = 	snop;
	(pc) =	sbr.rel @p1 .LBB2_9-.Ltmp4, $1  }
0x65: {  	_ =	sdelay $0x3  }
.Ltmp5:
0x66: {  	(pc) =	sbr.rel .LBB2_4-.Ltmp5, $3  }
0x67: {  	_ =	sdelay $0x1  }
0x68: {  	s8 =	sadd.s32 $0x280, s19  }
0x69: {  	v3 =	vmov s19;
	s19 =	sadd.s32 $0x80000080, s1;
	s1 =	simm.s32 $0x0;
	v4 =	vmov s8  }
.LBB2_8:
0x6a: {  	s12 =	sadd.s32 $0xFFFFFFFF, s12  }
0x6b: {  	p1 =	sne.s32 s12, $0x0  }
.Ltmp6:
0x6c: {  	_ = 	snop;
	(pc) =	sbr.rel @!p1 .LBB2_9-.Ltmp6, $2  }
0x6d: {  	_ =	sdelay $0x2  }
0x6e: {  	s1 =	sadd.s32 $0x2, s1;
	s19 =	sadd.s32 $0x100, s19  }
.LBB2_4:
0x6f: {  	p2 =	sge.s32 s1, s16  }
.Ltmp7:
0x70: {  	_ = 	snop;
	(pc) =	sbr.rel @p2 .LBB2_6-.Ltmp7, $2  }
0x71: {  	_ =	sdelay $0x2  }
0x72: {  	p1 =	seq.s32 s1, $0x0  }
0x73: {  	s8 =	simm.s32 @!p1 $0x5  }
0x74: {  	_ =	swait.ge @!p1 [sflag:s8], $0x2000  }
0x75: {  	[sflag:s8] =	ssyncset.done @!p1 $0x0  }
0x76: {  	[sflag:s8] =	ssyncadd.s32 @!p1 $0xFFFFE000;
	s8 =	simm.s32 @!p1 $0x7  }
0x77: {  	_ =	swait.ge @!p1 [sflag:s8], $0x2000  }
0x78: {  	[sflag:s8] =	ssyncset.done @!p1 $0x0  }
0x79: {  	[sflag:s8] =	ssyncadd.s32 @!p1 $0xFFFFE000  }
0x7a: {  	_ =	swait.ge [sflag:s21], $0x80  }
0x7b: {  	[sflag:s21] =	ssyncset.done $0x0  }
0x7c: {  	s17 =	sadd.s32 $0x1, s1;
	[sflag:s21] =	ssyncadd.s32 $0xFFFFFF80  }
0x7d: {  	p2 =	sge.s32 s17, s16;
	_ =	swait.ge [sflag:s21], $0x80  }
0x7e: {  	s10 =	simm.s32 @!p2 $0x0;
	s8 =	sshrl.u32 @!p2 s19, $0x3;
	[sflag:s21] =	ssyncset.done $0x0  }
0x7f: {  	s13 =	simm.s32 @!p2 $0x80;
	s17 =	sadd.s32 @!p2 s6, s8;
	[sflag:s21] =	ssyncadd.s32 $0xFFFFFF80  }
0x80: {  	[tilespmem:s13], [sflag:$0x2] =	stream.linear.gather @!p2 [hbm4b:s17+s10], $0x80, $0x38;
	[tilespmem:$0x1CD20] =	vst v63  }
0x81: {  	s8 =	sadd.s32 @!p2 s7, s8;
	s13 =	simm.s32 @!p2 $0x180  }
0x82: {  	[tilespmem:s13], [sflag:$0x2] =	stream.linear.gather @!p2 [hbm4b:s8+s10], $0x80, $0x38;
	[tilespmem:$0x1CD20] =	vst v63  }
0x83: {  	_ = 	snop  }
0x84: {  	[tilespmem:s23], [sflag:$0x3] =	stream.indirect.gather [hbm4b:s5+s22], $0x40, s4, s22, $0xb8;
	[tilespmem:$0x1CD20] =	vst v63  }
0x85: {  	v5 =	vld [tilespmem:$0x100];
	_ =	sdelay $0x4  }
0x86: {  	vm2 =	vge.s32 v5, v3;
	vm3 =	vlt.s32 v5, v4  }
0x87: {  	v5 =	vsub.s32 v5, v3;
	vm2 =	vmand vm2, vm3  }
0x88: {  	v6 =	vnsel vm2, $0x0, v5;
	_ =	sdelay $0x1  }
0x89: {  	v7 =	vld [tilespmem:$0x110];
	v5 =	vnsel vm2, $0x280, v5  }
0x8a: {  	v5 =	vadd.s32 v0, v5  }
0x8b: {  	[tilespmem:$0x200] =	vst v5  }
0x8c: {  	v5 =	vld.idx.msk [tilespmem:v6+s20+$0x0], $0xffff;
	_ =	sdelay $0x1  }
0x8d: {  	vm4 =	vlt.s32 v7, v4;
	vm3 =	vge.s32 v7, v3  }
0x8e: {  	vm3 =	vmand vm3, vm4;
	v6 =	vsub.s32 v7, v3  }
0x8f: {  	v7 =	vnsel vm3, $0x0, v6  }
0x90: {  	v5 =	vadd.s32 v1, v5  }
0x91: {  	v8 =	vld [tilespmem:$0x120];
	v6 =	vnsel vm3, $0x280, v6;
	v5 =	vsel vm2, v5, v2  }
0x92: {  	[tilespmem:$0x300] =	vst v5;
	v5 =	vadd.s32 v0, v6  }
0x93: {  	[tilespmem:$0x210] =	vst v5  }
0x94: {  	v5 =	vld.idx.msk [tilespmem:v7+s20+$0x0], $0xffff;
	_ =	sdelay $0x1  }
0x95: {  	vm10 =	vlt.s32 v8, v4;
	vm2 =	vge.s32 v8, v3  }
0x96: {  	vm2 =	vmand vm2, vm10;
	v6 =	vsub.s32 v8, v3  }
0x97: {  	v7 =	vnsel vm2, $0x0, v6  }
0x98: {  	v5 =	vadd.s32 v1, v5  }
0x99: {  	v59 =	vld [tilespmem:$0x130];
	v6 =	vnsel vm2, $0x280, v6;
	v5 =	vsel vm3, v5, v2  }
0x9a: {  	[tilespmem:$0x310] =	vst v5;
	v5 =	vadd.s32 v0, v6  }
0x9b: {  	[tilespmem:$0x220] =	vst v5  }
0x9c: {  	v5 =	vld.idx.msk [tilespmem:v7+s20+$0x0], $0xffff;
	_ =	sdelay $0x1  }
0x9d: {  	vm11 =	vlt.s32 v59, v4;
	vm3 =	vge.s32 v59, v3  }
0x9e: {  	vm3 =	vmand vm3, vm11;
	v6 =	vsub.s32 v59, v3  }
0x9f: {  	v7 =	vnsel vm3, $0x0, v6  }
0xa0: {  	v5 =	vadd.s32 v1, v5  }
0xa1: {  	v60 =	vld [tilespmem:$0x140];
	v6 =	vnsel vm3, $0x280, v6;
	v5 =	vsel vm2, v5, v2  }
0xa2: {  	[tilespmem:$0x320] =	vst v5;
	v5 =	vadd.s32 v0, v6  }
0xa3: {  	[tilespmem:$0x230] =	vst v5  }
0xa4: {  	v5 =	vld.idx.msk [tilespmem:v7+s20+$0x0], $0xffff;
	_ =	sdelay $0x1  }
0xa5: {  	vm12 =	vlt.s32 v60, v4;
	vm2 =	vge.s32 v60, v3  }
0xa6: {  	vm2 =	vmand vm2, vm12;
	v6 =	vsub.s32 v60, v3  }
0xa7: {  	v7 =	vnsel vm2, $0x0, v6  }
0xa8: {  	v5 =	vadd.s32 v1, v5  }
0xa9: {  	v61 =	vld [tilespmem:$0x150];
	v6 =	vnsel vm2, $0x280, v6;
	v5 =	vsel vm3, v5, v2  }
0xaa: {  	[tilespmem:$0x330] =	vst v5;
	v5 =	vadd.s32 v0, v6  }
0xab: {  	[tilespmem:$0x240] =	vst v5  }
0xac: {  	v5 =	vld.idx.msk [tilespmem:v7+s20+$0x0], $0xffff;
	_ =	sdelay $0x1  }
0xad: {  	vm13 =	vlt.s32 v61, v4;
	vm3 =	vge.s32 v61, v3  }
0xae: {  	vm3 =	vmand vm3, vm13;
	v6 =	vsub.s32 v61, v3  }
0xaf: {  	v7 =	vnsel vm3, $0x0, v6  }
0xb0: {  	v5 =	vadd.s32 v1, v5  }
0xb1: {  	v62 =	vld [tilespmem:$0x160];
	v6 =	vnsel vm3, $0x280, v6;
	v5 =	vsel vm2, v5, v2  }
0xb2: {  	[tilespmem:$0x340] =	vst v5;
	v5 =	vadd.s32 v0, v6  }
0xb3: {  	[tilespmem:$0x250] =	vst v5  }
0xb4: {  	v5 =	vld.idx.msk [tilespmem:v7+s20+$0x0], $0xffff;
	_ =	sdelay $0x1  }
0xb5: {  	vm14 =	vlt.s32 v62, v4;
	vm2 =	vge.s32 v62, v3  }
0xb6: {  	vm2 =	vmand vm2, vm14;
	v6 =	vsub.s32 v62, v3  }
0xb7: {  	v7 =	vnsel vm2, $0x0, v6  }
0xb8: {  	v5 =	vadd.s32 v1, v5  }
0xb9: {  	v63 =	vld [tilespmem:$0x170];
	v6 =	vnsel vm2, $0x280, v6;
	v5 =	vsel vm3, v5, v2  }
0xba: {  	[tilespmem:$0x350] =	vst v5;
	v5 =	vadd.s32 v0, v6  }
0xbb: {  	[tilespmem:$0x260] =	vst v5  }
0xbc: {  	v5 =	vld.idx.msk [tilespmem:v7+s20+$0x0], $0xffff;
	_ =	sdelay $0x1  }
0xbd: {  	vm15 =	vlt.s32 v63, v4;
	vm3 =	vge.s32 v63, v3  }
0xbe: {  	vm3 =	vmand vm3, vm15;
	v6 =	vsub.s32 v63, v3  }
0xbf: {  	v7 =	vnsel vm3, $0x0, v6  }
0xc0: {  	v5 =	vadd.s32 v1, v5  }
0xc1: {  	v6 =	vnsel vm3, $0x280, v6;
	v5 =	vsel vm2, v5, v2  }
0xc2: {  	[tilespmem:$0x360] =	vst v5;
	v5 =	vadd.s32 v0, v6  }
0xc3: {  	[tilespmem:$0x270] =	vst v5  }
0xc4: {  	v5 =	vld.idx.msk [tilespmem:v7+s20+$0x0], $0xffff;
	_ =	sdelay $0x4  }
0xc5: {  	v5 =	vadd.s32 v1, v5  }
0xc6: {  	v5 =	vsel vm3, v5, v2  }
0xc7: {  	[tilespmem:$0x370] =	vst v5  }
0xc8: {  	_ =	swait.ge [sflag:s24], $0x2000  }
0xc9: {  	[sflag:s24] =	ssyncset.done $0x0  }
0xca: {  	[sflag:s24] =	ssyncadd.s32 $0xFFFFE000  }
0xcb: {  	[spmem:s3] =	stream.indirect.scatter.add.f32 [tilespmem:s23], [sflag:$0x5], $0x40, s25, s22, $0xb8;
	[tilespmem:$0x1CD20] =	vst v63  }
0xcc: {  	_ = 	snop  }
0xcd: {  	[spmem:s2] =	stream.indirect.scatter.add.f32 [tilespmem:s23], [sflag:$0x7], $0x40, s26, s22, $0xb8;
	[tilespmem:$0x1CD20] =	vst v63  }
.LBB2_6:
0xce: {  	s8 =	sadd.s32 $0x1, s1  }
0xcf: {  	p2 =	sge.s32 s8, s16  }
.Ltmp8:
0xd0: {  	_ = 	snop;
	(pc) =	sbr.rel @p2 .LBB2_8-.Ltmp8, $1  }
0xd1: {  	_ =	sdelay $0x3  }
0xd2: {  	s8 =	simm.s32 @!p1 $0x6  }
0xd3: {  	_ =	swait.ge @!p1 [sflag:s8], $0x2000  }
0xd4: {  	[sflag:s8] =	ssyncset.done @!p1 $0x0  }
0xd5: {  	[sflag:s8] =	ssyncadd.s32 @!p1 $0xFFFFE000;
	s8 =	simm.s32 @!p1 $0x8  }
0xd6: {  	_ =	swait.ge @!p1 [sflag:s8], $0x2000  }
0xd7: {  	[sflag:s8] =	ssyncset.done @!p1 $0x0  }
0xd8: {  	[sflag:s8] =	ssyncadd.s32 @!p1 $0xFFFFE000  }
0xd9: {  	_ =	swait.ge [sflag:s28], $0x80  }
0xda: {  	s17 =	sadd.s32 $0x2, s1;
	[sflag:s28] =	ssyncset.done $0x0  }
0xdb: {  	p1 =	sge.s32 s17, s16;
	[sflag:s28] =	ssyncadd.s32 $0xFFFFFF80  }
0xdc: {  	s8 =	sadd.s32 @!p1 $0x80, s19;
	_ =	swait.ge [sflag:s28], $0x80  }
0xdd: {  	s8 =	sshrl.u32 @!p1 s8, $0x3;
	[sflag:s28] =	ssyncset.done $0x0  }
0xde: {  	s13 =	simm.s32 @!p1 $0x0;
	s10 =	sadd.s32 @!p1 s6, s8;
	[sflag:s28] =	ssyncadd.s32 $0xFFFFFF80  }
0xdf: {  	[tilespmem:s13], [sflag:$0x1] =	stream.linear.gather @!p1 [hbm4b:s10+s13], $0x80, $0x38;
	[tilespmem:$0x1CD20] =	vst v63  }
0xe0: {  	s8 =	sadd.s32 @!p1 s7, s8;
	s10 =	simm.s32 @!p1 $0x100  }
0xe1: {  	[tilespmem:s10], [sflag:$0x1] =	stream.linear.gather @!p1 [hbm4b:s8+s13], $0x80, $0x38;
	[tilespmem:$0x1CD20] =	vst v63  }
0xe2: {  	_ = 	snop  }
0xe3: {  	[tilespmem:s29], [sflag:$0x4] =	stream.indirect.gather [hbm4b:s5+s22], $0x40, s22, s22, $0xb8;
	[tilespmem:$0x1CD20] =	vst v63  }
0xe4: {  	v5 =	vld [tilespmem:$0x180];
	_ =	sdelay $0x4  }
0xe5: {  	vm2 =	vge.s32 v5, v3;
	vm3 =	vlt.s32 v5, v4  }
0xe6: {  	v5 =	vsub.s32 v5, v3;
	vm2 =	vmand vm2, vm3  }
0xe7: {  	v6 =	vnsel vm2, $0x0, v5;
	_ =	sdelay $0x1  }
0xe8: {  	v7 =	vld [tilespmem:$0x190];
	v5 =	vnsel vm2, $0x280, v5  }
0xe9: {  	v5 =	vadd.s32 v0, v5  }
0xea: {  	[tilespmem:$0x280] =	vst v5  }
0xeb: {  	v5 =	vld.idx.msk [tilespmem:v6+s20+$0x0], $0xffff;
	_ =	sdelay $0x1  }
0xec: {  	vm4 =	vlt.s32 v7, v4;
	vm3 =	vge.s32 v7, v3  }
0xed: {  	vm3 =	vmand vm3, vm4;
	v6 =	vsub.s32 v7, v3  }
0xee: {  	v7 =	vnsel vm3, $0x0, v6  }
0xef: {  	v5 =	vadd.s32 v1, v5  }
0xf0: {  	v8 =	vld [tilespmem:$0x1A0];
	v6 =	vnsel vm3, $0x280, v6;
	v5 =	vsel vm2, v5, v2  }
0xf1: {  	[tilespmem:$0x380] =	vst v5;
	v5 =	vadd.s32 v0, v6  }
0xf2: {  	[tilespmem:$0x290] =	vst v5  }
0xf3: {  	v5 =	vld.idx.msk [tilespmem:v7+s20+$0x0], $0xffff;
	_ =	sdelay $0x1  }
0xf4: {  	vm10 =	vlt.s32 v8, v4;
	vm2 =	vge.s32 v8, v3  }
0xf5: {  	vm2 =	vmand vm2, vm10;
	v6 =	vsub.s32 v8, v3  }
0xf6: {  	v7 =	vnsel vm2, $0x0, v6  }
0xf7: {  	v5 =	vadd.s32 v1, v5  }
0xf8: {  	v59 =	vld [tilespmem:$0x1B0];
	v6 =	vnsel vm2, $0x280, v6;
	v5 =	vsel vm3, v5, v2  }
0xf9: {  	[tilespmem:$0x390] =	vst v5;
	v5 =	vadd.s32 v0, v6  }
0xfa: {  	[tilespmem:$0x2A0] =	vst v5  }
0xfb: {  	v5 =	vld.idx.msk [tilespmem:v7+s20+$0x0], $0xffff;
	_ =	sdelay $0x1  }
0xfc: {  	vm11 =	vlt.s32 v59, v4;
	vm3 =	vge.s32 v59, v3  }
0xfd: {  	vm3 =	vmand vm3, vm11;
	v6 =	vsub.s32 v59, v3  }
0xfe: {  	v7 =	vnsel vm3, $0x0, v6  }
0xff: {  	v5 =	vadd.s32 v1, v5  }
0x100: {  	v60 =	vld [tilespmem:$0x1C0];
	v6 =	vnsel vm3, $0x280, v6;
	v5 =	vsel vm2, v5, v2  }
0x101: {  	[tilespmem:$0x3A0] =	vst v5;
	v5 =	vadd.s32 v0, v6  }
0x102: {  	[tilespmem:$0x2B0] =	vst v5  }
0x103: {  	v5 =	vld.idx.msk [tilespmem:v7+s20+$0x0], $0xffff;
	_ =	sdelay $0x1  }
0x104: {  	vm12 =	vlt.s32 v60, v4;
	vm2 =	vge.s32 v60, v3  }
0x105: {  	vm2 =	vmand vm2, vm12;
	v6 =	vsub.s32 v60, v3  }
0x106: {  	v7 =	vnsel vm2, $0x0, v6  }
0x107: {  	v5 =	vadd.s32 v1, v5  }
0x108: {  	v61 =	vld [tilespmem:$0x1D0];
	v6 =	vnsel vm2, $0x280, v6;
	v5 =	vsel vm3, v5, v2  }
0x109: {  	[tilespmem:$0x3B0] =	vst v5;
	v5 =	vadd.s32 v0, v6  }
0x10a: {  	[tilespmem:$0x2C0] =	vst v5  }
0x10b: {  	v5 =	vld.idx.msk [tilespmem:v7+s20+$0x0], $0xffff;
	_ =	sdelay $0x1  }
0x10c: {  	vm13 =	vlt.s32 v61, v4;
	vm3 =	vge.s32 v61, v3  }
0x10d: {  	vm3 =	vmand vm3, vm13;
	v6 =	vsub.s32 v61, v3  }
0x10e: {  	v7 =	vnsel vm3, $0x0, v6  }
0x10f: {  	v5 =	vadd.s32 v1, v5  }
0x110: {  	v62 =	vld [tilespmem:$0x1E0];
	v6 =	vnsel vm3, $0x280, v6;
	v5 =	vsel vm2, v5, v2  }
0x111: {  	[tilespmem:$0x3C0] =	vst v5;
	v5 =	vadd.s32 v0, v6  }
0x112: {  	[tilespmem:$0x2D0] =	vst v5  }
0x113: {  	v5 =	vld.idx.msk [tilespmem:v7+s20+$0x0], $0xffff;
	_ =	sdelay $0x1  }
0x114: {  	vm14 =	vlt.s32 v62, v4;
	vm2 =	vge.s32 v62, v3  }
0x115: {  	vm2 =	vmand vm2, vm14;
	v6 =	vsub.s32 v62, v3  }
0x116: {  	v7 =	vnsel vm2, $0x0, v6  }
0x117: {  	v5 =	vadd.s32 v1, v5  }
0x118: {  	v63 =	vld [tilespmem:$0x1F0];
	v6 =	vnsel vm2, $0x280, v6;
	v5 =	vsel vm3, v5, v2  }
0x119: {  	[tilespmem:$0x3D0] =	vst v5;
	v5 =	vadd.s32 v0, v6  }
0x11a: {  	[tilespmem:$0x2E0] =	vst v5  }
0x11b: {  	v5 =	vld.idx.msk [tilespmem:v7+s20+$0x0], $0xffff;
	_ =	sdelay $0x1  }
0x11c: {  	vm15 =	vlt.s32 v63, v4;
	vm3 =	vge.s32 v63, v3  }
0x11d: {  	vm3 =	vmand vm3, vm15;
	v6 =	vsub.s32 v63, v3  }
0x11e: {  	v7 =	vnsel vm3, $0x0, v6  }
0x11f: {  	v5 =	vadd.s32 v1, v5  }
0x120: {  	v6 =	vnsel vm3, $0x280, v6;
	v5 =	vsel vm2, v5, v2  }
0x121: {  	[tilespmem:$0x3E0] =	vst v5;
	v5 =	vadd.s32 v0, v6  }
0x122: {  	[tilespmem:$0x2F0] =	vst v5  }
0x123: {  	v5 =	vld.idx.msk [tilespmem:v7+s20+$0x0], $0xffff;
	_ =	sdelay $0x4  }
0x124: {  	v5 =	vadd.s32 v1, v5  }
0x125: {  	v5 =	vsel vm3, v5, v2  }
0x126: {  	[tilespmem:$0x3F0] =	vst v5  }
0x127: {  	_ =	swait.ge [sflag:s30], $0x2000  }
.Ltmp9:
0x128: {  	[sflag:s30] =	ssyncset.done $0x0;
	(pc) =	sbr.rel .LBB2_8-.Ltmp9, $4  }
0x129: {  	[sflag:s30] =	ssyncadd.s32 $0xFFFFE000  }
0x12a: {  	[spmem:s3] =	stream.indirect.scatter.add.f32 [tilespmem:s29], [sflag:$0x6], $0x40, s31, s22, $0xb8;
	[tilespmem:$0x1CD20] =	vst v63  }
0x12b: {  	_ = 	snop  }
0x12c: {  	[spmem:s2] =	stream.indirect.scatter.add.f32 [tilespmem:s29], [sflag:$0x8], $0x40, s0, s22, $0xb8;
	[tilespmem:$0x1CD20] =	vst v63  }
.LBB2_11:
0x12d: {  	_ =	sfence.sel $0x180000  }
0x12e: {  	[bflag:$0x0] =	sbarrier.arrive $0xFFFF  }
0x12f: {  	_ =	strace $0x90000047  }
0x130: {  	s0 =	stileid.u32;
	[bflag:$0x2] =	sbarrier.arrive $0xFFFF  }
0x131: {  	p0 =	sne.s32 s0, $0x0;
	s0 =	rddreg [dreg:$0x3]  }
0x132: {  	s0 =	sadd.s32 @!p0 $0x100000, s0  }
0x133: {  	[sflag:s0] =	ssyncadd.tile.s32 @!p0 $0x1;
	_ =	shalt  }
.Lfunc_end2:
_tile_overlayer_lowered:
.L_overlay_start_2:
0x134: {  	(tag) =	ssettag $0x2  }
0x135: {  	s0 =	rddreg [dreg:$0x0];
	s2 =	stileid.u32  }
0x136: {  	s1 =	rddreg [dreg:$0x1];
	p0 =	sne.s32 s2, $0x0  }
0x137: {  	s3 =	rddreg [dreg:$0x2];
	[bflag:$0x3] =	sbarrier.arrive $0xFFFF;
	s2 =	simm.s32 @!p0 $0x1C09  }
0x138: {  	[timem:s3], [sflag:s2] =	dma.local @!p0 [hbm:s0], s1  }
0x139: {  	s0 =	simm.s32 @!p0 $0x9  }
0x13a: {  	_ =	swait.ge @!p0 [sflag:s0], s1  }
0x13b: {  	s1 =	ssub.s32 @!p0 $0x0, s1;
	[sflag:s0] =	ssyncset.done @!p0 $0x0  }
0x13c: {  	[sflag:s0] =	ssyncadd.s32 @!p0 s1  }
0x13d: {  	[bflag:$0x3] =	sbarrier.arrive $0xFFFF  }
0x13e: {  	_ =	shalt  }

// kernel: kernel.9.cloned.1.call-start
scs
__scs_entry_jumppad:
0x0: {  	(pc) =	sbr.rel $0x88, $3  }
0x1: {  	(tag) =	ssettag $0x0;
	lr =	simm.s32 $0x1  }
0x2: {  	[smem:$0x3F90] =	sst lr;
	_ =	strace $0xD0000000  }
0x3: {  	_ = 	snop  }
0x4: {  	_ = 	snop  }
0x5: {  	_ = 	snop  }
0x6: {  	_ = 	snop  }
0x7: {  	_ = 	snop  }
__scs_overlays_trampoline_lowered:
0x8: {  	[smem:$0x3F9F] =	sst s0  }
0x9: {  	[smem:$0x3FA0] =	sst s1  }
0xa: {  	[smem:$0x3FA1] =	sst s2  }
0xb: {  	[smem:$0x3FA2] =	sst s3  }
0xc: {  	[smem:$0x3FA3] =	sst s4  }
0xd: {  	[smem:$0x3FA4] =	sst s5  }
0xe: {  	[smem:$0x3FA5] =	sst s6  }
0xf: {  	[smem:$0x3FA6] =	sst s7  }
0x10: {  	[smem:$0x3FA7] =	sst s8  }
0x11: {  	[smem:$0x3FA8] =	sst s9;
	s0 =	simm.s32 @!p0 $0x0  }
0x12: {  	s1 =	sld [smem:$0x3F8E];
	s0 =	simm.s32 @p0 $0x1  }
0x13: {  	[smem:$0x3FA9] =	sst s0;
	s0 =	simm.s32 @!p1 $0x0  }
0x14: {  	s2 =	sld [smem:$0x3F8D];
	s0 =	simm.s32 @p1 $0x1  }
0x15: {  	[smem:$0x3FAA] =	sst s0;
	s0 =	simm.s32 @!p2 $0x0  }
0x16: {  	s3 =	sld [smem:$0x3FDB];
	s0 =	simm.s32 @p2 $0x1  }
0x17: {  	s4 =	simm.s32 $0x1BF5;
	[smem:$0x3FAC] =	sst s0  }
0x18: {  	s0 =	sld [smem:$0x3F8F];
	_ =	swait.ge [sflag:s4], $0x0  }
0x19: {  	s7 =	sld [smem:$0x3F90]  }
0x1a: {  	s8 =	sadd.s32 $0xFFFFE003, lr  }
0x1b: {  	s9 =	sadd.s32 $0xFFFFFEF7, lr;
	s5 =	simm.s32 $0xFFFFFFFF;
	p2 =	slt.u32 s8, $0xFFFFF086  }
0x1c: {  	p1 =	slt.u32 s9, $0xF7A;
	s5 =	simm.s32 @!p2 $0x0  }
0x1d: {  	s5 =	simm.s32 @p1 $0x1;
	p0 =	seq.s32 s7, s2  }
0x1e: {  	s7 =	smul.u32 @!p0 $0xF7A, s2;
	p2 =	seq.s32 @!p0 s5, $0x0  }
0x1f: {  	s9 =	smul.u32 $0xF7A, s1;
	s8 =	simm.s32 @!p0 $0x1BF5;
	p2 =	por !p2, p0  }
0x20: {  	[sflag:s8] =	ssyncset.s32 @!p0 $0xFFFFF086;
	s6 =	sadd.s32 @!p0 s3, s7;
	s7 =	simm.s32 @!p0 $0x108  }
0x21: {  	s3 =	sadd.s32 s3, s9;
	s6 =	sadd.s32 @!p0 $0x88, s6;
	s7 =	simm.s32 @p2 $0x1082  }
0x22: {  	[simem:s7], [sflag:s8] =	dma.local @!p0 [hbm:s6], $0xF7A  }
0x23: {  	s9 =	sor.u32 $0xD0000000, s2;
	s6 =	simm.s32 $0x108;
	_ =	swait.ge @!p0 [sflag:s8], $0x0  }
0x24: {  	s3 =	sadd.s32 $0x88, s3;
	s6 =	simm.s32 @!p1 $0x1082;
	[sflag:s4] =	ssyncset.s32 $0xFFFFF086  }
0x25: {  	[simem:s6], [sflag:s4] =	dma.local [hbm:s3], $0xF7A  }
0x26: {  	[smem:$0x3F90] =	sst s1;
	(tag) =	ssettag s2;
	_ =	strace s9  }
0x27: {  	s1 =	sld [smem:$0x3FA0]  }
0x28: {  	s2 =	sld [smem:$0x3FA1]  }
0x29: {  	s4 =	sld [smem:$0x3FA3]  }
0x2a: {  	p0 =	seq.s32 s5, $0x0;
	s5 =	sld [smem:$0x3FA4]  }
0x2b: {  	s6 =	sld [smem:$0x3FA5]  }
0x2c: {  	s7 =	sld [smem:$0x3FA6]  }
0x2d: {  	s3 =	simm.s32 $0x108;
	s8 =	sld [smem:$0x3FA7]  }
0x2e: {  	s3 =	simm.s32 @!p0 $0x1082;
	s9 =	sld [smem:$0x3FA8]  }
0x2f: {  	lr =	sadd.s32 s0, s3;
	s0 =	sld [smem:$0x3F9F]  }
0x30: {  	s3 =	sld [smem:$0x3FA2]  }
0x31: {  	[smem:$0x3FAB] =	sst s10  }
0x32: {  	s10 =	sld [smem:$0x3FA9];
	_ =	sdelay $0x3  }
0x33: {  	p0 =	seq.s32 s10, $0x1;
	s10 =	sld [smem:$0x3FAB];
	_ =	sdelay $0x3  }
0x34: {  	[smem:$0x3FAB] =	sst s10  }
0x35: {  	s10 =	sld [smem:$0x3FAA];
	_ =	sdelay $0x3  }
0x36: {  	p1 =	seq.s32 s10, $0x1;
	s10 =	sld [smem:$0x3FAB];
	_ =	sdelay $0x3  }
0x37: {  	[smem:$0x3FAB] =	sst s10  }
0x38: {  	s10 =	sld [smem:$0x3FAC]  }
0x39: {  	_ = 	snop;
	(pc) =	sbr.ind lr, $3  }
0x3a: {  	_ = 	snop  }
0x3b: {  	_ = 	snop  }
0x3c: {  	p2 =	seq.s32 s10, $0x1;
	s10 =	sld [smem:$0x3FAB]  }
0x3d: {  	_ =	shalt  }
0x3e: {  	_ =	shalt  }
0x3f: {  	_ =	shalt  }
0x40: {  	_ =	shalt  }
0x41: {  	_ =	shalt  }
0x42: {  	_ =	shalt  }
0x43: {  	_ =	shalt  }
0x44: {  	_ =	shalt  }
0x45: {  	_ =	shalt  }
0x46: {  	_ =	shalt  }
0x47: {  	_ =	shalt  }
0x48: {  	_ =	shalt  }
0x49: {  	_ =	shalt  }
0x4a: {  	_ =	shalt  }
0x4b: {  	_ =	shalt  }
0x4c: {  	_ =	shalt  }
0x4d: {  	_ =	shalt  }
0x4e: {  	_ =	shalt  }
0x4f: {  	_ =	shalt  }
0x50: {  	_ =	shalt  }
0x51: {  	_ =	shalt  }
0x52: {  	_ =	shalt  }
0x53: {  	_ =	shalt  }
0x54: {  	_ =	shalt  }
0x55: {  	_ =	shalt  }
0x56: {  	_ =	shalt  }
0x57: {  	_ =	shalt  }
0x58: {  	_ =	shalt  }
0x59: {  	_ =	shalt  }
0x5a: {  	_ =	shalt  }
0x5b: {  	_ =	shalt  }
0x5c: {  	_ =	shalt  }
0x5d: {  	_ =	shalt  }
0x5e: {  	_ =	shalt  }
0x5f: {  	_ =	shalt  }
0x60: {  	_ =	shalt  }
0x61: {  	_ =	shalt  }
0x62: {  	_ =	shalt  }
0x63: {  	_ =	shalt  }
0x64: {  	_ =	shalt  }
0x65: {  	_ =	shalt  }
0x66: {  	_ =	shalt  }
0x67: {  	_ =	shalt  }
0x68: {  	_ =	shalt  }
0x69: {  	_ =	shalt  }
0x6a: {  	_ =	shalt  }
0x6b: {  	_ =	shalt  }
0x6c: {  	_ =	shalt  }
0x6d: {  	_ =	shalt  }
0x6e: {  	_ =	shalt  }
0x6f: {  	_ =	shalt  }
0x70: {  	_ =	shalt  }
0x71: {  	_ =	shalt  }
0x72: {  	_ =	shalt  }
0x73: {  	_ =	shalt  }
0x74: {  	_ =	shalt  }
0x75: {  	_ =	shalt  }
0x76: {  	_ =	shalt  }
0x77: {  	_ =	shalt  }
0x78: {  	_ =	shalt  }
0x79: {  	_ =	shalt  }
0x7a: {  	_ =	shalt  }
0x7b: {  	_ =	shalt  }
0x7c: {  	_ =	shalt  }
0x7d: {  	_ =	shalt  }
0x7e: {  	_ =	shalt  }
0x7f: {  	_ =	shalt  }
0x80: {  	_ =	shalt  }
0x81: {  	_ =	shalt  }
0x82: {  	_ =	shalt  }
0x83: {  	_ =	shalt  }
0x84: {  	_ =	shalt  }
0x85: {  	_ =	shalt  }
0x86: {  	_ =	shalt  }
0x87: {  	_ =	shalt  }
.Lfunc_end0:
.L_simem_size_0:
called_computation.1_lowered:
.L_overlay_start_0:
0x88: {  	s2 =	sld [smem:$0x3FD9]  }
0x89: {  	s3 =	sld [smem:$0x3FFE];
	_ =	sdelay $0x1  }
0x8a: {  	s1 =	srdreg.scid  }
0x8b: {  	s0 =	sand.u32 $0x1, s1  }
0x8c: {  	s17 =	sshll.u32 s0, $0xA;
	s2 =	sadd.s32 s3, s2  }
0x8d: {  	s2 =	sadd.s32 s2, s17  }
0x8e: {  	[smem:$0x3FB7] =	sst s2  }
0x8f: {  	_ = 	snop  }
0x90: {  	s2 =	sld [smem:$0x3FB9];
	(tm) =	ssettm $0x1  }
0x91: {  	s18 =	sld [smem:$0x3FFB];
	_ =	sdelay $0x3  }
0x92: {  	_ =	strace s18  }
0x93: {  	s3 =	sld [smem:$0x3FFC];
	_ =	sdelay $0x3  }
0x94: {  	_ =	strace s3  }
0x95: {  	s3 =	sld [smem:$0x3FFD];
	_ =	sdelay $0x3  }
0x96: {  	_ =	strace s3  }
0x97: {  	_ =	strace $0x8FFFFFFF  }
0x98: {  	s19 =	sld [smem:$0x3FDB];
	_ =	sdelay $0x1  }
0x99: {  	s4 =	simm.s32 $_scs_section_size  }
0x9a: {  	s5 =	simm.s32 $_size__tile_overlayer_lowered;
	s6 =	simm.s32 $_tile_overlayer_lowered  }
0x9b: {  	s22 =	simm.s32 $0x1BFF;
	s21 =	sshll.u32 s6, $0x1;
	s3 =	sadd.s32 s4, s19  }
0x9c: {  	s7 =	simm.s32 $0x0;
	s20 =	sshll.u32 s5, $0x1;
	s5 =	sadd.s32 s21, s3  }
0x9d: {  	[timem:s7], [sflag:s22] =	dma.local [hbm:s5], s20  }
0x9e: {  	_ =	swait.ge [sflag:s22], s20  }
0x9f: {  	s4 =	ssub.s32 $0x0, s20;
	[sflag:s22] =	ssyncset.done $0x0  }
0xa0: {  	[sflag:s22] =	ssyncadd.s32 s4;
	_ =	sdelay $0x1  }
0xa1: {  	s23 =	simm.s32 $0x1B8B  }
0xa2: {  	_ =	swait.ge [sflag:s23], $0x1  }
0xa3: {  	[sflag:s23] =	ssyncset.done $0x0  }
0xa4: {  	s25 =	simm.s32 $0x1B8E;
	s24 =	sld [smem:$0x3FFE];
	[sflag:s23] =	ssyncadd.s32 $0xFFFFFFFF  }
0xa5: {  	s26 =	simm.s32 $execute0_lowered;
	[smem:$0x3FD2] =	sst s25  }
0xa6: {  	s5 =	sshll.u32 s26, $0x1;
	_ =	strace $0x80000049;
	[dreg:$0x1] =	wrdreg $0xFFFFFFFF  }
0xa7: {  	s28 =	simm.s32 $_size_execute0_lowered;
	s3 =	sadd.s32 s3, s5;
	[dreg:$0x0] =	wrdreg $0x0  }
0xa8: {  	s5 =	sshll.u32 s28, $0x1;
	[dreg:$0x2] =	wrdreg s3  }
0xa9: {  	[dreg:$0x3] =	wrdreg s5  }
0xaa: {  	[dreg:$0x4] =	wrdreg $0xC0  }
0xab: {  	_ =	task [dreg:s7], $0x5FFFF  }
0xac: {  	[dreg:$0x1] =	wrdreg $0xFFFFFFFF  }
0xad: {  	[dreg:$0x0] =	wrdreg $0x60  }
0xae: {  	[dreg:$0x2] =	wrdreg s24  }
0xaf: {  	[dreg:$0x3] =	wrdreg s2  }
0xb0: {  	[dreg:$0x4] =	wrdreg $0x44000  }
0xb1: {  	[dreg:$0x5] =	wrdreg $0x9  }
0xb2: {  	_ =	task.clear_ibuf [dreg:s7], $0x6FFFF;
	_ =	strace $0x90000049  }
0xb3: {  	s29 =	simm.s32 $0x9;
	_ =	strace $0x8000004B  }
0xb4: {  	_ =	swait.ge [sflag:s29], $0x1  }
0xb5: {  	[sflag:s29] =	ssyncadd.s32 $0xFFFFFFFF  }
0xb6: {  	_ =	strace $0x9000004B  }
0xb7: {  	_ =	sfence  }
0xb8: {  	s30 =	sld [smem:$0x0];
	_ =	sdelay $0x2  }
0xb9: {  	s31 =	sshll.u32 s1, $0xD;
	s1 =	sshrl.u32 s1, $0x2  }
0xba: {  	s3 =	sand.u32 $0x4000, s31;
	s1 =	sadd.s32 s1, s30  }
0xbb: {  	s0 =	sor.u32 s3, s0;
	s1 =	sshll.u32 s1, $0x11  }
0xbc: {  	s0 =	sor.u32 s1, s0  }
0xbd: {  	s0 =	sadd.s32 $0x8F2B, s0  }
0xbe: {  	[sflag:s0] =	ssyncadd.remote.s32 $0x1  }
0xbf: {  	_ =	sfence.sel $0xFFFF  }
0xc0: {  	[dreg:$0x0] =	wrdreg $0xFFFFFFFF;
	(pc) =	sbr.abs _section_cstart, $3  }
0xc1: {  	[dreg:$0x1] =	wrdreg $0xFFFFFFFF  }
0xc2: {  	_ =	task.clear_ibuf [dreg:s7], $0x2FFFF;
	_ =	strace $0x9FFFFFFF  }
0xc3: {  	(tm) =	ssettm $0x7FFFFFFF  }
tec
execute0_lowered:
.L_overlay_start_1:
0x0: {  	(tag) =	ssettag $0x1  }
0x1: {  	s0 =	rddreg [dreg:$0x0]  }
0x2: {  	s1 =	rddreg [dreg:$0x1]  }
0x3: {  	s2 =	rddreg [dreg:$0x2];
	s3 =	srdreg.scid  }
0x4: {  	s4 =	simm.s32 $0x0;
	s14 =	stileid.u32;
	s24 =	simm.s32 $0x4300  }
0x5: {  	s19 =	simm.s32 $0x100;
	s25 =	simm.s32 $0x200;
	s20 =	simm.s32 $0x1  }
0x6: {  	s26 =	simm.s32 $0x4380;
	s28 =	simm.s32 $0x2300;
	s29 =	simm.s32 $0x6  }
0x7: {  	s30 =	simm.s32 $0x4;
	s3 =	sand.u32 $0x1, s3;
	[smem:$0x7FF] =	sst s4  }
0x8: {  	s9 =	sshll.u32 s14, $0x1;
	s10 =	smul.u32 $0x10800, s14;
	s11 =	sadd.s32 $0xE5000, s0  }
0x9: {  	s12 =	smul.u32 $0x3E00, s14;
	_ =	strace $0x8000004A;
	[dreg:$0x8] =	wrdreg s11  }
0xa: {  	s6 =	sshll.u32 s3, $0x4;
	s9 =	sor.u32 s3, s9;
	[dreg:$0x4] =	wrdreg s24  }
0xb: {  	s31 =	ssub.s32 $0x2, s3;
	s3 =	smul.u32 $0x1F00, s3;
	[dreg:$0x5] =	wrdreg s25  }
0xc: {  	s5 =	sadd.s32 $0xF6E00, s0;
	s11 =	smul.u32 $0x108, s14;
	[dreg:$0x6] =	wrdreg s26  }
0xd: {  	s24 =	simm.s32 $0x5;
	s25 =	simm.s32 $0x3;
	s26 =	simm.s32 $0x2  }
0xe: {  	s7 =	sor.u32 s14, s6;
	s6 =	sadd.s32 $0x28EA00, s0;
	s9 =	smul.u32 $0x1F00, s9  }
0xf: {  	s13 =	sshrl.u32 s31, $0x1;
	s10 =	sshrl.u32 s10, $0x2;
	s14 =	sshll.u32 s14, $0x6  }
0x10: {  	s8 =	smul.u32 $0x840, s7;
	s7 =	sadd.s32 $0x286E00, s0;
	s14 =	sor.u32 $0x1C09, s14  }
0x11: {  	s18 =	sadd.s32 $0x100, s11;
	s9 =	sshrl.u32 s9, $0x3;
	[dreg:$0x9] =	wrdreg s14  }
0x12: {  	s0 =	sadd.s32 s8, s0;
	s8 =	ssub.s32 s31, s13;
	s15 =	sadd.s32 s6, s9  }
0x13: {  	s13 =	sadd.s32 s10, s2;
	s16 =	sadd.s32 s7, s9;
	[dreg:$0xa] =	wrdreg s15  }
0x14: {  	s10 =	sadd.s32 s3, s12;
	s31 =	simm.s32 $0x280;
	[dreg:$0xb] =	wrdreg s16  }
0x15: {  	s9 =	simm.s32 $0x0;
	s0 =	sadd.s32 $0x2600, s0;
	[dreg:$0x7] =	wrdreg s31  }
0x16: {  	s17 =	sor.u32 $0x80, s10;
	s22 =	smax.u32 s8, $0x1;
	[dreg:$0xc] =	wrdreg s0  }
0x17: {  	s3 =	sshrl.u32 s13, $0x3;
	s21 =	sshrl.u32 s17, $0x3;
	[dreg:$0xd] =	wrdreg s22  }
0x18: {  	s8 =	simm.s32 $0x9;
	[dreg:$0x10] =	wrdreg s3;
	s23 =	sadd.s32 s21, s7  }
0x19: {  	s22 =	simm.s32 $0x180;
	s0 =	sadd.s32 s21, s6;
	[dreg:$0xe] =	wrdreg s23  }
0x1a: {  	v0 =	vmov s11;
	v1 =	vmov s18;
	s21 =	simm.s32 $0x80;
	[dreg:$0xf] =	wrdreg s0;
	s23 =	simm.s32 $0x300  }
.LBB2_1:
0x1b: {  	[dreg:$0x11] =	wrdreg s9  }
0x1c: {  	s0 =	rddreg [dreg:$0x8]  }
0x1d: {  	[spmem:s3], [sflag:s14] =	dma.local [hbm:s0], $0x840  }
0x1e: {  	_ =	swait.ge [sflag:s8], $0x840  }
0x1f: {  	[sflag:s8] =	ssyncset.done $0x0  }
0x20: {  	p0 =	por $0x1, $0x1;
	s12 =	rddreg [dreg:$0xa];
	[sflag:s8] =	ssyncadd.s32 $0xFFFFF7C0  }
0x21: {  	[tilespmem:s4], [sflag:$0x1] =	stream.linear.gather [hbm4b:s12+s4], $0x80, $0x38;
	[tilespmem:$0x8600] =	vst v63  }
0x22: {  	s0 =	simm.s32 @!p0 $0x7;
	s13 =	rddreg [dreg:$0xb]  }
0x23: {  	[tilespmem:s19], [sflag:$0x1] =	stream.linear.gather [hbm4b:s13+s4], $0x80, $0x38;
	[tilespmem:$0x8600] =	vst v63  }
0x24: {  	_ =	swait.ge @!p0 [sflag:s0], $0x2000  }
0x25: {  	[sflag:s0] =	ssyncset.done @!p0 $0x0  }
0x26: {  	[sflag:s0] =	ssyncadd.s32 @!p0 $0xFFFFE000  }
0x27: {  	_ =	swait.ge [sflag:s20], $0x80  }
0x28: {  	[sflag:s20] =	ssyncset.done $0x0  }
0x29: {  	[sflag:s20] =	ssyncadd.s32 $0xFFFFFF80  }
0x2a: {  	_ =	swait.ge [sflag:s20], $0x80  }
0x2b: {  	[sflag:s20] =	ssyncset.done $0x0  }
0x2c: {  	s16 =	rddreg [dreg:$0xf];
	[sflag:s20] =	ssyncadd.s32 $0xFFFFFF80  }
0x2d: {  	[tilespmem:s21], [sflag:$0x2] =	stream.linear.gather [hbm4b:s16+s4], $0x80, $0x38;
	[tilespmem:$0x8600] =	vst v63  }
0x2e: {  	s15 =	rddreg [dreg:$0xe]  }
0x2f: {  	[tilespmem:s22], [sflag:$0x2] =	stream.linear.gather [hbm4b:s15+s4], $0x80, $0x38;
	[tilespmem:$0x8600] =	vst v63  }
0x30: {  	_ = 	snop  }
0x31: {  	[tilespmem:s23], [sflag:$0x3] =	stream.indirect.gather [hbm4b:s5+s21], $0x40, s4, s21, $0xb8;
	[tilespmem:$0x8600] =	vst v63  }
0x32: {  	s14 =	rddreg [dreg:$0x4]  }
0x33: {  	[tilespmem:s14], [sflag:$0x5] =	stream.indirect.gather [hbm4b:s1+s21], $0x1, s19, s21, $0xb8;
	[tilespmem:$0x8600] =	vst v63  }
0x34: {  	_ =	swait.ge [sflag:s24], $0x80  }
0x35: {  	[sflag:s24] =	ssyncset.done $0x0  }
0x36: {  	[sflag:s24] =	ssyncadd.s32 $0xFFFFFF80  }
0x37: {  	v2 =	vld [tilespmem:$0x4370]  }
0x38: {  	v3 =	vld [tilespmem:$0x4350]  }
0x39: {  	v4 =	vld [tilespmem:$0x4330]  }
0x3a: {  	s13 =	sadd.s32 $0x0, s10;
	v5 =	vld [tilespmem:$0x4300]  }
0x3b: {  	s17 =	sadd.s32 $0x70, s13;
	v6 =	vld [tilespmem:$0x4310]  }
0x3c: {  	s18 =	sadd.s32 $0x50, s13;
	p1 =	slt.u32 s17, $0x3D090;
	v7 =	vld [tilespmem:$0x4340];
	v2 =	vadd.s32 v0, v2  }
0x3d: {  	s3 =	sadd.s32 $0x30, s13;
	p2 =	slt.u32 s18, $0x3D090;
	v8 =	vld [tilespmem:$0x4360];
	v3 =	vadd.s32 v0, v3;
	v2 =	vpsel p1, v2, v1  }
0x3e: {  	p5 =	slt.u32 s3, $0x3D090;
	v9 =	vld [tilespmem:$0x4320];
	v3 =	vpsel p2, v3, v1;
	[tilespmem:$0x270] =	vst v2;
	v2 =	vadd.s32 v0, v4  }
0x3f: {  	s9 =	sadd.s32 $0x10, s13;
	p6 =	slt.u32 s13, $0x3D090;
	[tilespmem:$0x250] =	vst v3;
	v3 =	vadd.s32 v0, v5;
	v2 =	vpsel p5, v2, v1  }
0x40: {  	s11 =	sadd.s32 $0x40, s13;
	p3 =	slt.u32 s9, $0x3D090;
	v62 =	vadd.s32 v0, v6;
	v3 =	vpsel p6, v3, v1;
	[tilespmem:$0x230] =	vst v2  }
0x41: {  	s12 =	sadd.s32 $0x60, s13;
	p4 =	slt.u32 s11, $0x3D090;
	[tilespmem:$0x200] =	vst v3;
	v2 =	vpsel p3, v62, v1;
	v3 =	vadd.s32 v0, v7  }
0x42: {  	s14 =	sadd.s32 $0x20, s13;
	p5 =	slt.u32 s12, $0x3D090;
	[tilespmem:$0x210] =	vst v2;
	v2 =	vpsel p4, v3, v1;
	v3 =	vadd.s32 v0, v8  }
0x43: {  	v63 =	vadd.s32 v0, v9;
	p6 =	slt.u32 s14, $0x3D090;
	[tilespmem:$0x240] =	vst v2;
	v2 =	vpsel p5, v3, v1  }
0x44: {  	v3 =	vpsel p6, v63, v1;
	[tilespmem:$0x260] =	vst v2  }
0x45: {  	[tilespmem:$0x220] =	vst v3  }
0x46: {  	_ =	swait.ge [sflag:s25], $0x2000  }
0x47: {  	[sflag:s25] =	ssyncset.done $0x0  }
0x48: {  	s8 =	simm.s32 @!p0 $0x8;
	s17 =	rddreg [dreg:$0x5];
	[sflag:s25] =	ssyncadd.s32 $0xFFFFE000  }
0x49: {  	[spmem:s2] =	stream.indirect.scatter.add.f32 [tilespmem:s23], [sflag:$0x7], $0x40, s17, s21, $0xb8;
	[tilespmem:$0x8600] =	vst v63  }
0x4a: {  	_ =	swait.ge @!p0 [sflag:s8], $0x2000  }
0x4b: {  	[sflag:s8] =	ssyncset.done @!p0 $0x0  }
0x4c: {  	[sflag:s8] =	ssyncadd.s32 @!p0 $0xFFFFE000  }
0x4d: {  	_ =	swait.ge [sflag:s26], $0x80  }
0x4e: {  	p0 =	por $0x0, $0x0;
	[sflag:s26] =	ssyncset.done $0x0  }
0x4f: {  	s0 =	sadd.s32 @!p0 $0x0, s10;
	[sflag:s26] =	ssyncadd.s32 $0xFFFFFF80  }
0x50: {  	s0 =	sadd.s32 @!p0 $0x100, s0;
	_ =	swait.ge [sflag:s26], $0x80  }
0x51: {  	s0 =	sshrl.u32 @!p0 s0, $0x3;
	[sflag:s26] =	ssyncset.done $0x0  }
0x52: {  	s8 =	simm.s32 @!p0 $0x0;
	s9 =	sadd.s32 @!p0 s6, s0;
	[sflag:s26] =	ssyncadd.s32 $0xFFFFFF80  }
0x53: {  	[tilespmem:s8], [sflag:$0x1] =	stream.linear.gather @!p0 [hbm4b:s9+s8], $0x80, $0x38;
	[tilespmem:$0x8600] =	vst v63  }
0x54: {  	s0 =	sadd.s32 @!p0 s7, s0;
	s9 =	simm.s32 @!p0 $0x100  }
0x55: {  	[tilespmem:s9], [sflag:$0x1] =	stream.linear.gather @!p0 [hbm4b:s0+s8], $0x80, $0x38;
	[tilespmem:$0x8600] =	vst v63  }
0x56: {  	_ = 	snop  }
0x57: {  	[tilespmem:s28], [sflag:$0x4] =	stream.indirect.gather [hbm4b:s5+s21], $0x40, s21, s21, $0xb8;
	[tilespmem:$0x8600] =	vst v63  }
0x58: {  	s18 =	rddreg [dreg:$0x6]  }
0x59: {  	[tilespmem:s18], [sflag:$0x6] =	stream.indirect.gather [hbm4b:s1+s21], $0x1, s22, s21, $0xb8;
	[tilespmem:$0x8600] =	vst v63  }
0x5a: {  	s31 =	sadd.s32 $0xA0, s13;
	_ =	swait.ge [sflag:s29], $0x80  }
0x5b: {  	s11 =	sadd.s32 $0xB0, s13;
	s12 =	sadd.s32 $0x80, s13;
	[sflag:s29] =	ssyncset.done $0x0  }
0x5c: {  	s17 =	sadd.s32 $0xE0, s13;
	s8 =	simm.s32 $0x100;
	[sflag:s29] =	ssyncadd.s32 $0xFFFFFF80  }
0x5d: {  	s9 =	sadd.s32 $0xC0, s13;
	s0 =	sadd.s32 $0xF0, s13;
	s18 =	sadd.s32 $0x90, s13;
	v2 =	vld [tilespmem:$0x43D0]  }
.LBB2_2:
0x5e: {  	v3 =	vld [tilespmem:$0x4390]  }
0x5f: {  	v4 =	vld [tilespmem:$0x4380]  }
0x60: {  	v5 =	vld [tilespmem:$0x43B0]  }
0x61: {  	v6 =	vld [tilespmem:$0x43C0];
	s13 =	sadd.s32 $0xD0, s13  }
0x62: {  	v7 =	vld [tilespmem:$0x43E0];
	p1 =	slt.u32 s13, $0x3D090;
	v2 =	vadd.s32 v0, v2  }
0x63: {  	p2 =	slt.u32 s18, $0x3D090;
	v8 =	vld [tilespmem:$0x43F0];
	v3 =	vadd.s32 v0, v3;
	v2 =	vpsel p1, v2, v1  }
0x64: {  	p6 =	slt.u32 s12, $0x3D090;
	v9 =	vld [tilespmem:$0x43A0];
	v4 =	vadd.s32 v0, v4;
	v3 =	vpsel p2, v3, v1;
	[tilespmem:$0x2D0] =	vst v2  }
0x65: {  	p3 =	slt.u32 s11, $0x3D090;
	v2 =	vpsel p6, v4, v1;
	[tilespmem:$0x290] =	vst v3;
	v3 =	vadd.s32 v0, v5  }
0x66: {  	p4 =	slt.u32 s9, $0x3D090;
	[tilespmem:$0x280] =	vst v2;
	v2 =	vpsel p3, v3, v1;
	v3 =	vadd.s32 v0, v6  }
0x67: {  	p5 =	slt.u32 s17, $0x3D090;
	[tilespmem:$0x2B0] =	vst v2;
	v2 =	vpsel p4, v3, v1;
	v3 =	vadd.s32 v0, v7  }
0x68: {  	p3 =	slt.u32 s0, $0x3D090;
	[tilespmem:$0x2C0] =	vst v2;
	v2 =	vpsel p5, v3, v1;
	v3 =	vadd.s32 v0, v8  }
0x69: {  	v54 =	vadd.s32 v0, v9;
	p6 =	slt.u32 s31, $0x3D090;
	[tilespmem:$0x2E0] =	vst v2;
	v2 =	vpsel p3, v3, v1  }
0x6a: {  	v3 =	vpsel p6, v54, v1;
	[tilespmem:$0x2F0] =	vst v2  }
0x6b: {  	[tilespmem:$0x2A0] =	vst v3  }
0x6c: {  	s14 =	smov.u32 s8;
	_ =	swait.ge [sflag:s30], $0x2000  }
0x6d: {  	p1 =	seq.s32 s14, $0x0;
	[sflag:s30] =	ssyncset.done $0x0  }
0x6e: {  	s9 =	simm.s32 @!p1 $0x7;
	s12 =	rddreg [dreg:$0x7];
	[sflag:s30] =	ssyncadd.s32 $0xFFFFE000  }
0x6f: {  	[spmem:s2] =	stream.indirect.scatter.add.f32 [tilespmem:s28], [sflag:$0x8], $0x40, s12, s21, $0xb8;
	[tilespmem:$0x8600] =	vst v63  }
0x70: {  	_ =	swait.ge @!p1 [sflag:s9], $0x2000  }
0x71: {  	[sflag:s9] =	ssyncset.done @!p1 $0x0  }
0x72: {  	[sflag:s9] =	ssyncadd.s32 @!p1 $0xFFFFE000  }
0x73: {  	_ =	swait.ge [sflag:s20], $0x80  }
0x74: {  	[sflag:s20] =	ssyncset.done $0x0  }
0x75: {  	[sflag:s20] =	ssyncadd.s32 $0xFFFFFF80  }
0x76: {  	_ =	swait.ge [sflag:s20], $0x80  }
0x77: {  	[sflag:s20] =	ssyncset.done $0x0  }
0x78: {  	s16 =	sadd.s32 $0x20, s16;
	[sflag:s20] =	ssyncadd.s32 $0xFFFFFF80  }
0x79: {  	[tilespmem:s21], [sflag:$0x2] =	stream.linear.gather [hbm4b:s16+s4], $0x80, $0x38;
	[tilespmem:$0x8600] =	vst v63  }
0x7a: {  	s15 =	sadd.s32 $0x20, s15  }
0x7b: {  	[tilespmem:s22], [sflag:$0x2] =	stream.linear.gather [hbm4b:s15+s4], $0x80, $0x38;
	[tilespmem:$0x8600] =	vst v63  }
0x7c: {  	_ = 	snop  }
0x7d: {  	[tilespmem:s23], [sflag:$0x3] =	stream.indirect.gather [hbm4b:s5+s21], $0x40, s4, s21, $0xb8;
	[tilespmem:$0x8600] =	vst v63  }
0x7e: {  	s13 =	rddreg [dreg:$0x4]  }
0x7f: {  	[tilespmem:s13], [sflag:$0x5] =	stream.indirect.gather [hbm4b:s1+s21], $0x1, s19, s21, $0xb8;
	[tilespmem:$0x8600] =	vst v63  }
0x80: {  	_ =	swait.ge [sflag:s24], $0x80  }
0x81: {  	[sflag:s24] =	ssyncset.done $0x0  }
0x82: {  	[sflag:s24] =	ssyncadd.s32 $0xFFFFFF80  }
0x83: {  	v2 =	vld [tilespmem:$0x4370]  }
0x84: {  	v3 =	vld [tilespmem:$0x4350]  }
0x85: {  	v55 =	vld [tilespmem:$0x4330]  }
0x86: {  	s13 =	sadd.s32 s14, s10;
	v57 =	vld [tilespmem:$0x4300]  }
0x87: {  	s17 =	sadd.s32 $0x70, s13;
	v56 =	vld [tilespmem:$0x4320]  }
0x88: {  	s18 =	sadd.s32 $0x50, s13;
	p4 =	slt.u32 s17, $0x3D090;
	v58 =	vld [tilespmem:$0x4310];
	v2 =	vadd.s32 v0, v2  }
0x89: {  	s0 =	sadd.s32 $0x30, s13;
	p3 =	slt.u32 s18, $0x3D090;
	v59 =	vld [tilespmem:$0x4340];
	v3 =	vadd.s32 v0, v3;
	v2 =	vpsel p4, v2, v1  }
0x8a: {  	p6 =	slt.u32 s0, $0x3D090;
	v60 =	vld [tilespmem:$0x4360];
	v4 =	vadd.s32 v0, v55;
	v3 =	vpsel p3, v3, v1;
	[tilespmem:$0x270] =	vst v2  }
0x8b: {  	s17 =	sadd.s32 $0x20, s13;
	p4 =	slt.u32 s13, $0x3D090;
	v4 =	vpsel p6, v4, v1;
	[tilespmem:$0x250] =	vst v3;
	v3 =	vadd.s32 v0, v57  }
0x8c: {  	s3 =	sadd.s32 $0x10, s13;
	p5 =	slt.u32 s17, $0x3D090;
	v2 =	vadd.s32 v0, v56;
	[tilespmem:$0x230] =	vst v4;
	v3 =	vpsel p4, v3, v1  }
0x8d: {  	s19 =	sadd.s32 $0x40, s13;
	v61 =	vadd.s32 v0, v58;
	v2 =	vpsel p5, v2, v1;
	p4 =	slt.u32 s3, $0x3D090;
	[tilespmem:$0x200] =	vst v3  }
0x8e: {  	v62 =	vadd.s32 v0, v59;
	p5 =	slt.u32 s19, $0x3D090;
	s19 =	sadd.s32 $0x60, s13;
	v3 =	vpsel p4, v61, v1;
	[tilespmem:$0x220] =	vst v2  }
0x8f: {  	v63 =	vadd.s32 v0, v60;
	p6 =	slt.u32 s19, $0x3D090;
	[tilespmem:$0x210] =	vst v3;
	v3 =	vpsel p5, v62, v1  }
0x90: {  	[tilespmem:$0x240] =	vst v3;
	v3 =	vpsel p6, v63, v1  }
0x91: {  	[tilespmem:$0x260] =	vst v3  }
0x92: {  	_ =	swait.ge [sflag:s25], $0x2000  }
0x93: {  	[sflag:s25] =	ssyncset.done $0x0  }
0x94: {  	s19 =	simm.s32 @!p1 $0x8;
	s3 =	rddreg [dreg:$0x5];
	[sflag:s25] =	ssyncadd.s32 $0xFFFFE000  }
0x95: {  	[spmem:s2] =	stream.indirect.scatter.add.f32 [tilespmem:s23], [sflag:$0x7], $0x40, s3, s21, $0xb8;
	[tilespmem:$0x8600] =	vst v63  }
0x96: {  	_ =	swait.ge @!p1 [sflag:s19], $0x2000  }
0x97: {  	[sflag:s19] =	ssyncset.done @!p1 $0x0  }
0x98: {  	[sflag:s19] =	ssyncadd.s32 @!p1 $0xFFFFE000  }
0x99: {  	_ =	swait.ge [sflag:s26], $0x80  }
0x9a: {  	p1 =	seq.s32 s14, $0x1E00;
	[sflag:s26] =	ssyncset.done $0x0  }
0x9b: {  	s3 =	sadd.s32 @!p1 s14, s10;
	[sflag:s26] =	ssyncadd.s32 $0xFFFFFF80  }
0x9c: {  	s3 =	sadd.s32 @!p1 $0x100, s3;
	_ =	swait.ge [sflag:s26], $0x80  }
0x9d: {  	s3 =	sshrl.u32 @!p1 s3, $0x3;
	[sflag:s26] =	ssyncset.done $0x0  }
0x9e: {  	s14 =	simm.s32 @!p1 $0x0;
	s19 =	sadd.s32 @!p1 s6, s3;
	[sflag:s26] =	ssyncadd.s32 $0xFFFFFF80  }
0x9f: {  	[tilespmem:s14], [sflag:$0x1] =	stream.linear.gather @!p1 [hbm4b:s19+s14], $0x80, $0x38;
	[tilespmem:$0x8600] =	vst v63  }
0xa0: {  	s3 =	sadd.s32 @!p1 s7, s3;
	s19 =	simm.s32 @!p1 $0x100  }
0xa1: {  	[tilespmem:s19], [sflag:$0x1] =	stream.linear.gather @!p1 [hbm4b:s3+s14], $0x80, $0x38;
	[tilespmem:$0x8600] =	vst v63  }
0xa2: {  	s8 =	sadd.s32 $0x100, s8  }
0xa3: {  	[tilespmem:s28], [sflag:$0x4] =	stream.indirect.gather [hbm4b:s5+s21], $0x40, s21, s21, $0xb8;
	[tilespmem:$0x8600] =	vst v63  }
0xa4: {  	p0 =	sne.s32 s8, $0x1F00;
	s14 =	rddreg [dreg:$0x6]  }
0xa5: {  	[tilespmem:s14], [sflag:$0x6] =	stream.indirect.gather [hbm4b:s1+s21], $0x1, s22, s21, $0xb8;
	[tilespmem:$0x8600] =	vst v63  }
.Ltmp0:
0xa6: {  	_ = 	snop;
	(pc) =	sbr.rel @p0 .LBB2_2-.Ltmp0, $4  }
0xa7: {  	s12 =	sadd.s32 $0x80, s13;
	_ =	swait.ge [sflag:s29], $0x80  }
0xa8: {  	s11 =	sadd.s32 $0xB0, s13;
	s9 =	sadd.s32 $0xC0, s13;
	[sflag:s29] =	ssyncset.done $0x0  }
0xa9: {  	s31 =	sadd.s32 $0xA0, s13;
	s18 =	sadd.s32 $0x90, s13;
	[sflag:s29] =	ssyncadd.s32 $0xFFFFFF80  }
0xaa: {  	s0 =	sadd.s32 $0xF0, s13;
	s17 =	sadd.s32 $0xE0, s13;
	s19 =	simm.s32 $0x100;
	v2 =	vld [tilespmem:$0x43D0]  }
0xab: {  	v3 =	vld [tilespmem:$0x4390]  }
0xac: {  	v4 =	vld [tilespmem:$0x4380]  }
0xad: {  	v5 =	vld [tilespmem:$0x43B0]  }
0xae: {  	v6 =	vld [tilespmem:$0x43C0];
	s3 =	sadd.s32 $0xD0, s13  }
0xaf: {  	v7 =	vld [tilespmem:$0x43E0];
	p0 =	slt.u32 s3, $0x3D090;
	v2 =	vadd.s32 v0, v2  }
0xb0: {  	p1 =	slt.u32 s18, $0x3D090;
	v8 =	vld [tilespmem:$0x43F0];
	v3 =	vadd.s32 v0, v3;
	v2 =	vpsel p0, v2, v1  }
0xb1: {  	p6 =	slt.u32 s12, $0x3D090;
	v9 =	vld [tilespmem:$0x43A0];
	v4 =	vadd.s32 v0, v4;
	v3 =	vpsel p1, v3, v1;
	[tilespmem:$0x2D0] =	vst v2  }
0xb2: {  	p2 =	slt.u32 s11, $0x3D090;
	v2 =	vpsel p6, v4, v1;
	[tilespmem:$0x290] =	vst v3;
	v3 =	vadd.s32 v0, v5  }
0xb3: {  	p3 =	slt.u32 s9, $0x3D090;
	[tilespmem:$0x280] =	vst v2;
	v2 =	vpsel p2, v3, v1;
	v3 =	vadd.s32 v0, v6  }
0xb4: {  	p4 =	slt.u32 s17, $0x3D090;
	[tilespmem:$0x2B0] =	vst v2;
	v2 =	vpsel p3, v3, v1;
	v3 =	vadd.s32 v0, v7  }
0xb5: {  	p5 =	slt.u32 s0, $0x3D090;
	[tilespmem:$0x2C0] =	vst v2;
	v2 =	vpsel p4, v3, v1;
	v3 =	vadd.s32 v0, v8  }
0xb6: {  	v63 =	vadd.s32 v0, v9;
	p6 =	slt.u32 s31, $0x3D090;
	[tilespmem:$0x2E0] =	vst v2;
	v2 =	vpsel p5, v3, v1  }
0xb7: {  	v3 =	vpsel p6, v63, v1;
	[tilespmem:$0x2F0] =	vst v2  }
0xb8: {  	[tilespmem:$0x2A0] =	vst v3  }
0xb9: {  	_ =	swait.ge [sflag:s30], $0x2000  }
0xba: {  	[sflag:s30] =	ssyncset.done $0x0  }
0xbb: {  	s15 =	simm.s32 $0x7;
	s14 =	rddreg [dreg:$0x7];
	[sflag:s30] =	ssyncadd.s32 $0xFFFFE000  }
0xbc: {  	[spmem:s2] =	stream.indirect.scatter.add.f32 [tilespmem:s28], [sflag:$0x8], $0x40, s14, s21, $0xb8;
	[tilespmem:$0x8600] =	vst v63  }
0xbd: {  	_ =	swait.ge [sflag:s15], $0x2000  }
0xbe: {  	[sflag:s15] =	ssyncset.done $0x0  }
0xbf: {  	s16 =	simm.s32 $0x8;
	[sflag:s15] =	ssyncadd.s32 $0xFFFFE000  }
0xc0: {  	_ =	swait.ge [sflag:s16], $0x2000  }
0xc1: {  	s14 =	rddreg [dreg:$0x9]  }
0xc2: {  	[sflag:s16] =	ssyncset.done $0x0;
	s17 =	rddreg [dreg:$0xc]  }
0xc3: {  	s8 =	simm.s32 $0x9;
	s3 =	rddreg [dreg:$0x10];
	[sflag:s16] =	ssyncadd.s32 $0xFFFFE000  }
0xc4: {  	[hbm:s17], [sflag:s14] =	dma.local [spmem:s3], $0x840  }
0xc5: {  	_ =	swait.ge [sflag:s8], $0x840  }
0xc6: {  	s18 =	rddreg [dreg:$0x11]  }
0xc7: {  	s31 =	rddreg [dreg:$0xd];
	s9 =	sadd.s32 $0x1, s18  }
0xc8: {  	p0 =	sne.s32 s9, s31  }
.Ltmp1:
0xc9: {  	_ = 	snop;
	(pc) =	sbr.rel @p0 .LBB2_1-.Ltmp1, $3  }
0xca: {  	_ =	sdelay $0x1  }
0xcb: {  	[sflag:s8] =	ssyncset.done $0x0  }
0xcc: {  	[sflag:s8] =	ssyncadd.s32 $0xFFFFF7C0  }
0xcd: {  	_ =	sfence.sel $0x180000  }
0xce: {  	[bflag:$0x0] =	sbarrier.arrive $0xFFFF  }
0xcf: {  	_ =	strace $0x9000004A  }
0xd0: {  	s0 =	stileid.u32;
	[bflag:$0x2] =	sbarrier.arrive $0xFFFF  }
0xd1: {  	p0 =	sne.s32 s0, $0x0;
	s0 =	rddreg [dreg:$0x3]  }
0xd2: {  	s0 =	sadd.s32 @!p0 $0x100000, s0  }
0xd3: {  	[sflag:s0] =	ssyncadd.tile.s32 @!p0 $0x1;
	_ =	shalt  }
.Lfunc_end2:
_tile_overlayer_lowered:
.L_overlay_start_2:
0xd4: {  	(tag) =	ssettag $0x2  }
0xd5: {  	s0 =	rddreg [dreg:$0x0];
	s2 =	stileid.u32  }
0xd6: {  	s1 =	rddreg [dreg:$0x1];
	p0 =	sne.s32 s2, $0x0  }
0xd7: {  	s3 =	rddreg [dreg:$0x2];
	[bflag:$0x3] =	sbarrier.arrive $0xFFFF;
	s2 =	simm.s32 @!p0 $0x1C09  }
0xd8: {  	[timem:s3], [sflag:s2] =	dma.local @!p0 [hbm:s0], s1  }
0xd9: {  	s0 =	simm.s32 @!p0 $0x9  }
0xda: {  	_ =	swait.ge @!p0 [sflag:s0], s1  }
0xdb: {  	s1 =	ssub.s32 @!p0 $0x0, s1;
	[sflag:s0] =	ssyncset.done @!p0 $0x0  }
0xdc: {  	[sflag:s0] =	ssyncadd.s32 @!p0 s1  }
0xdd: {  	[bflag:$0x3] =	sbarrier.arrive $0xFFFF  }
0xde: {  	_ =	shalt  }

</sc_bundles>
